<compile_context>
chip_gen: v7x
topology: tpu7x:2x2x1
jax: 0.10.2.dev20260603
libtpu: 0.0.44.dev20260713+nightly
codegen_flags: <defaults>
</compile_context>

<pallas_src>
import functools

import jax
import jax.numpy as jnp
from jax import lax
from jax.experimental import pallas as pl
from jax.experimental.pallas import tpu as pltpu
from jax.experimental.pallas import tpu_sc as plsc

B = 4096
T = 64
EMBED_DIM = 1024
GB = 128
NC, NS = 2, 16
NW = NC * NS
GPW = B // NW
L = 16
NV = T // L


def _sp_body(z_ref, xc_ref, sp_ref):
    z = z_ref[...]
    xc = xc_ref[...]
    key = jnp.where(xc == 0, z, jnp.inf)
    ki = key[:, None, :]
    kj = key[None, :, :]
    ii = lax.broadcasted_iota(jnp.int32, (T, T, GB), 0)
    jj = lax.broadcasted_iota(jnp.int32, (T, T, GB), 1)
    before = (kj < ki) | ((kj == ki) & (jj < ii))
    rank = jnp.sum(before.astype(jnp.int32), axis=1)
    sp_t = jnp.sum(jnp.where(rank[None, :, :] == ii, jj, 0), axis=1)
    sp_ref[...] = sp_t.T


def _tc_sp(z2d_t, xc_t):
    return pl.pallas_call(
        _sp_body,
        grid=(B // GB,),
        in_specs=[
            pl.BlockSpec((T, GB), lambda i: (0, i)),
            pl.BlockSpec((T, GB), lambda i: (0, i)),
        ],
        out_specs=pl.BlockSpec((GB, T), lambda i: (i, 0)),
        out_shape=jax.ShapeDtypeStruct((B, T), jnp.int32),
    )(z2d_t, xc_t)


_GDN = lax.GatherDimensionNumbers(
    offset_dims=(), collapsed_slice_dims=(0,), start_index_map=(0,)
)


def _permute(x, idx):
    return lax.gather(
        x, idx[:, None], _GDN, (1,),
        mode=lax.GatherScatterMode.PROMISE_IN_BOUNDS,
    )


@functools.lru_cache(maxsize=1)
def _get_sc_kernel():
    mesh = plsc.VectorSubcoreMesh(
        core_axis_name="c", subcore_axis_name="s", num_cores=NC, num_subcores=NS
    )

    @functools.partial(
        pl.kernel,
        out_type=jax.ShapeDtypeStruct((B * T, EMBED_DIM), jnp.float32),
        mesh=mesh,
        scratch_types=[
            pltpu.VMEM((T, EMBED_DIM), jnp.float32),
            pltpu.VMEM((GPW, T), jnp.float32),
            pltpu.VMEM((GPW, T), jnp.int32),
            pltpu.VMEM((GPW, T), jnp.int32),
            pltpu.SemaphoreType.DMA,
        ],
    )
    def _sc_emit(z_hbm, xc_hbm, table_hbm, emb_hbm,
                 table_v, z_v, xc_v, dest_v, sem):
        wid = lax.axis_index("s") * NC + lax.axis_index("c")
        base = wid * GPW
        pltpu.sync_copy(z_hbm.at[pl.ds(base, GPW)], z_v)
        pltpu.sync_copy(xc_hbm.at[pl.ds(base, GPW)], xc_v)
        pltpu.sync_copy(table_hbm, table_v)

        iota = lax.iota(jnp.int32, L)
        rot_idx = [(iota + r) & (L - 1) for r in range(L)]
        rot_lt = [((iota + r) & (L - 1)) < iota for r in range(L)]

        def graph_body(g, carry):
            ks = []
            for c in range(NV):
                zc = z_v[g, pl.ds(c * L, L)]
                xcc = xc_v[g, pl.ds(c * L, L)]
                ks.append(jnp.where(xcc == 0, zc, jnp.inf))
            ranks = [jnp.zeros((L,), jnp.int32) for _ in range(NV)]
            for r in range(L):
                kdr = [_permute(ks[d], rot_idx[r]) for d in range(NV)]
                for c in range(NV):
                    for d in range(NV):
                        if d < c:
                            cond = kdr[d] <= ks[c]
                        elif d > c:
                            cond = kdr[d] < ks[c]
                        else:
                            if r == 0:
                                continue
                            cond = (kdr[d] < ks[c]) | (
                                (kdr[d] == ks[c]) & rot_lt[r]
                            )
                        ranks[c] = ranks[c] + jnp.where(cond, 1, 0)
            rowbase = (base + g) * T
            for c in range(NV):
                dest_v[g, pl.ds(c * L, L)] = ranks[c] + rowbase
            pltpu.async_copy(table_v, emb_hbm.at[dest_v.at[g]], sem)
            return carry

        lax.fori_loop(0, GPW, graph_body, 0)

        def drain_body(g, carry):
            pltpu.make_async_copy(table_v, emb_hbm.at[dest_v.at[g]], sem).wait()
            return carry

        lax.fori_loop(0, GPW, drain_body, 0)

    return _sc_emit


def kernel(pos_clone, x, table):
    z2d = pos_clone[:, :, 2]
    xc = x[:, :, 0].astype(jnp.int32)
    emb_flat = _get_sc_kernel()(z2d, xc, table)
    sp = _tc_sp(z2d.T, xc.T)
    return (emb_flat.reshape(B, T, EMBED_DIM), sp)

# --- scband reference (transcript-rebuilt; emitter-appended) ---
"""Pipeline reference for scband-spatial-embedding-15616501088380 (READ-ONLY COPY).

The authoritative reference and input builder live on the scoring server;
editing this copy changes nothing except your own understanding.
"""

import jax, jax.numpy as jnp
import numpy as np

B = 4096
T = 64
F = 9
EMBED_DIM = 1024
MAX_NUM_TOKENS = 64


def setup_inputs(seed: int = 0) -> dict:
    key = jax.random.key(seed)
    k1, k2, k3 = jax.random.split(key, 3)
    pos_clone = jax.random.normal(k1, (B, T, 3), dtype=jnp.float32)
    # node features; column 0 == 0 marks a 'used' token (randint in [0,3) gives ~1/3 zeros)
    x = jax.random.randint(k2, (B, T, F), 0, 3)
    # learned embedding table (nn.Embedding(max_num_tokens, embed_dim))
    table = jax.random.normal(k3, (MAX_NUM_TOKENS, EMBED_DIM), dtype=jnp.float32) * 0.02
    return {"pos_clone": pos_clone, "x": x, "table": table}


def reference(pos_clone, x, table):
    n_graphs, n_tokens = x.shape[0], x.shape[1]
    # z coordinate
    z_pos = pos_clone[:, :, -1]
    # used tokens are those whose first feature column equals 0
    used_mask = (x[:, :, 0] == 0)
    # push unused tokens to the end of the sort by masking with +inf
    z_pos = jnp.where(~used_mask, jnp.inf, z_pos)
    sorted_indices = jnp.argsort(z_pos, axis=-1)
    poses = jnp.tile(jnp.arange(n_tokens, dtype=sorted_indices.dtype), (n_graphs, 1))
    sorted_pos = jnp.take_along_axis(poses, sorted_indices, axis=-1)
    emb = jnp.take(table, sorted_pos, axis=0)
    return (emb, sorted_pos)

if __name__ == "__main__":
    import jax
    _d = setup_inputs()
    print(jax.jit(kernel)(*tuple(_d.values())))

</pallas_src>

<mosaic_0001>
#map = affine_map<(d0, d1) -> (0, 0)>
module attributes {stable_mosaic.version = 14 : i64} {
  func.func @_sc_emit(%arg0: i32, %arg1: i32, %arg2: memref<4096x64xf32, #tpu.memory_space<hbm>>, %arg3: memref<4096x64xi32, #tpu.memory_space<hbm>>, %arg4: memref<64x1024xf32, #tpu.memory_space<hbm>>, %arg5: memref<262144x1024xf32, #tpu.memory_space<hbm>>, %arg6: memref<64x1024xf32, #tpu.memory_space<vmem>>, %arg7: memref<128x64xf32, #tpu.memory_space<vmem>>, %arg8: memref<128x64xi32, #tpu.memory_space<vmem>>, %arg9: memref<128x64xi32, #tpu.memory_space<vmem>>, %arg10: memref<!tpu.dma_semaphore, #tpu.memory_space<semaphore_mem>>) attributes {dimension_semantics = [#tpu.dimension_semantics<core_parallel>, #tpu.dimension_semantics<subcore_parallel>], iteration_bounds = array<i64: 2, 16>, scalar_prefetch = 0 : i64, scratch_operands = 5 : i64, tpu.core_type = #tpu.core_type<sc_vector_subcore>, window_params = [{transform_indices = #map}, {transform_indices = #map}, {transform_indices = #map}, {transform_indices = #map}]} {
    %mul3A = arith.constant 2 : i32
    %mul3A_0 = arith.muli %arg1, %mul3A : i32
    %add3A = arith.addi %mul3A_0, %arg0 : i32
    %mul3A_1 = arith.constant 128 : i32
    %mul3A_2 = arith.muli %add3A, %mul3A_1 : i32
    "tpu.region"() ({
      %run_scoped3A = tpu.sem_alloc : memref<!tpu.dma_semaphore, #tpu.memory_space<semaphore_mem>>
      %dma_start3A = arith.constant 0 : i32
      %dma_start3A_220 = tpu.memref_slice %arg2[%mul3A_2, %dma_start3A] : memref<4096x64xf32, #tpu.memory_space<hbm>> -> memref<128x64xf32, #tpu.memory_space<hbm>>
      %dma_start3A_221 = arith.constant 0 : i32
      %dma_start3A_222 = tpu.memref_slice %arg2[%mul3A_2, %dma_start3A_221] : memref<4096x64xf32, #tpu.memory_space<hbm>> -> memref<128x64xf32, #tpu.memory_space<hbm>>
      tpu.enqueue_dma source(%dma_start3A_222 : memref<128x64xf32, #tpu.memory_space<hbm>>) target(%arg7 : memref<128x64xf32, #tpu.memory_space<vmem>>) target_semaphore(%run_scoped3A : memref<!tpu.dma_semaphore, #tpu.memory_space<semaphore_mem>>)
      %dma_wait3A = arith.constant 0 : i32
      %dma_wait3A_223 = tpu.memref_slice %arg2[%mul3A_2, %dma_wait3A] : memref<4096x64xf32, #tpu.memory_space<hbm>> -> memref<128x64xf32, #tpu.memory_space<hbm>>
      %dma_wait3A_224 = arith.constant 0 : i32
      %dma_wait3A_225 = tpu.memref_slice %arg2[%mul3A_2, %dma_wait3A_224] : memref<4096x64xf32, #tpu.memory_space<hbm>> -> memref<128x64xf32, #tpu.memory_space<hbm>>
      tpu.wait_dma2 semaphore(%run_scoped3A : memref<!tpu.dma_semaphore, #tpu.memory_space<semaphore_mem>>) src(%dma_wait3A_225 : memref<128x64xf32, #tpu.memory_space<hbm>>) dst(%arg7 : memref<128x64xf32, #tpu.memory_space<vmem>>)
      tpu.yield
    }) : () -> ()
    "tpu.region"() ({
      %run_scoped3A = tpu.sem_alloc : memref<!tpu.dma_semaphore, #tpu.memory_space<semaphore_mem>>
      %dma_start3A = arith.constant 0 : i32
      %dma_start3A_220 = tpu.memref_slice %arg3[%mul3A_2, %dma_start3A] : memref<4096x64xi32, #tpu.memory_space<hbm>> -> memref<128x64xi32, #tpu.memory_space<hbm>>
      %dma_start3A_221 = arith.constant 0 : i32
      %dma_start3A_222 = tpu.memref_slice %arg3[%mul3A_2, %dma_start3A_221] : memref<4096x64xi32, #tpu.memory_space<hbm>> -> memref<128x64xi32, #tpu.memory_space<hbm>>
      tpu.enqueue_dma source(%dma_start3A_222 : memref<128x64xi32, #tpu.memory_space<hbm>>) target(%arg8 : memref<128x64xi32, #tpu.memory_space<vmem>>) target_semaphore(%run_scoped3A : memref<!tpu.dma_semaphore, #tpu.memory_space<semaphore_mem>>)
      %dma_wait3A = arith.constant 0 : i32
      %dma_wait3A_223 = tpu.memref_slice %arg3[%mul3A_2, %dma_wait3A] : memref<4096x64xi32, #tpu.memory_space<hbm>> -> memref<128x64xi32, #tpu.memory_space<hbm>>
      %dma_wait3A_224 = arith.constant 0 : i32
      %dma_wait3A_225 = tpu.memref_slice %arg3[%mul3A_2, %dma_wait3A_224] : memref<4096x64xi32, #tpu.memory_space<hbm>> -> memref<128x64xi32, #tpu.memory_space<hbm>>
      tpu.wait_dma2 semaphore(%run_scoped3A : memref<!tpu.dma_semaphore, #tpu.memory_space<semaphore_mem>>) src(%dma_wait3A_225 : memref<128x64xi32, #tpu.memory_space<hbm>>) dst(%arg8 : memref<128x64xi32, #tpu.memory_space<vmem>>)
      tpu.yield
    }) : () -> ()
    "tpu.region"() ({
      %run_scoped3A = tpu.sem_alloc : memref<!tpu.dma_semaphore, #tpu.memory_space<semaphore_mem>>
      tpu.enqueue_dma source(%arg4 : memref<64x1024xf32, #tpu.memory_space<hbm>>) target(%arg6 : memref<64x1024xf32, #tpu.memory_space<vmem>>) target_semaphore(%run_scoped3A : memref<!tpu.dma_semaphore, #tpu.memory_space<semaphore_mem>>)
      tpu.wait_dma2 semaphore(%run_scoped3A : memref<!tpu.dma_semaphore, #tpu.memory_space<semaphore_mem>>) src(%arg4 : memref<64x1024xf32, #tpu.memory_space<hbm>>) dst(%arg6 : memref<64x1024xf32, #tpu.memory_space<vmem>>)
      tpu.yield
    }) : () -> ()
    %iota3A = tpu.iota {dimensions = array<i32: 0>} : vector<16xi32>
    %add3A_3 = arith.constant 0 : i32
    %add3A_4 = vector.broadcast %add3A_3 : i32 to vector<16xi32>
    %add3A_5 = arith.addi %iota3A, %add3A_4 : vector<16xi32>
    %and3A = arith.constant 15 : i32
    %and3A_6 = vector.broadcast %and3A : i32 to vector<16xi32>
    %and3A_7 = arith.andi %add3A_5, %and3A_6 : vector<16xi32>
    %add3A_8 = arith.constant 1 : i32
    %add3A_9 = vector.broadcast %add3A_8 : i32 to vector<16xi32>
    %add3A_10 = arith.addi %iota3A, %add3A_9 : vector<16xi32>
    %and3A_11 = arith.constant 15 : i32
    %and3A_12 = vector.broadcast %and3A_11 : i32 to vector<16xi32>
    %and3A_13 = arith.andi %add3A_10, %and3A_12 : vector<16xi32>
    %add3A_14 = arith.constant 2 : i32
    %add3A_15 = vector.broadcast %add3A_14 : i32 to vector<16xi32>
    %add3A_16 = arith.addi %iota3A, %add3A_15 : vector<16xi32>
    %and3A_17 = arith.constant 15 : i32
    %and3A_18 = vector.broadcast %and3A_17 : i32 to vector<16xi32>
    %and3A_19 = arith.andi %add3A_16, %and3A_18 : vector<16xi32>
    %add3A_20 = arith.constant 3 : i32
    %add3A_21 = vector.broadcast %add3A_20 : i32 to vector<16xi32>
    %add3A_22 = arith.addi %iota3A, %add3A_21 : vector<16xi32>
    %and3A_23 = arith.constant 15 : i32
    %and3A_24 = vector.broadcast %and3A_23 : i32 to vector<16xi32>
    %and3A_25 = arith.andi %add3A_22, %and3A_24 : vector<16xi32>
    %add3A_26 = arith.constant 4 : i32
    %add3A_27 = vector.broadcast %add3A_26 : i32 to vector<16xi32>
    %add3A_28 = arith.addi %iota3A, %add3A_27 : vector<16xi32>
    %and3A_29 = arith.constant 15 : i32
    %and3A_30 = vector.broadcast %and3A_29 : i32 to vector<16xi32>
    %and3A_31 = arith.andi %add3A_28, %and3A_30 : vector<16xi32>
    %add3A_32 = arith.constant 5 : i32
    %add3A_33 = vector.broadcast %add3A_32 : i32 to vector<16xi32>
    %add3A_34 = arith.addi %iota3A, %add3A_33 : vector<16xi32>
    %and3A_35 = arith.constant 15 : i32
    %and3A_36 = vector.broadcast %and3A_35 : i32 to vector<16xi32>
    %and3A_37 = arith.andi %add3A_34, %and3A_36 : vector<16xi32>
    %add3A_38 = arith.constant 6 : i32
    %add3A_39 = vector.broadcast %add3A_38 : i32 to vector<16xi32>
    %add3A_40 = arith.addi %iota3A, %add3A_39 : vector<16xi32>
    %and3A_41 = arith.constant 15 : i32
    %and3A_42 = vector.broadcast %and3A_41 : i32 to vector<16xi32>
    %and3A_43 = arith.andi %add3A_40, %and3A_42 : vector<16xi32>
    %add3A_44 = arith.constant 7 : i32
    %add3A_45 = vector.broadcast %add3A_44 : i32 to vector<16xi32>
    %add3A_46 = arith.addi %iota3A, %add3A_45 : vector<16xi32>
    %and3A_47 = arith.constant 15 : i32
    %and3A_48 = vector.broadcast %and3A_47 : i32 to vector<16xi32>
    %and3A_49 = arith.andi %add3A_46, %and3A_48 : vector<16xi32>
    %add3A_50 = arith.constant 8 : i32
    %add3A_51 = vector.broadcast %add3A_50 : i32 to vector<16xi32>
    %add3A_52 = arith.addi %iota3A, %add3A_51 : vector<16xi32>
    %and3A_53 = arith.constant 15 : i32
    %and3A_54 = vector.broadcast %and3A_53 : i32 to vector<16xi32>
    %and3A_55 = arith.andi %add3A_52, %and3A_54 : vector<16xi32>
    %add3A_56 = arith.constant 9 : i32
    %add3A_57 = vector.broadcast %add3A_56 : i32 to vector<16xi32>
    %add3A_58 = arith.addi %iota3A, %add3A_57 : vector<16xi32>
    %and3A_59 = arith.constant 15 : i32
    %and3A_60 = vector.broadcast %and3A_59 : i32 to vector<16xi32>
    %and3A_61 = arith.andi %add3A_58, %and3A_60 : vector<16xi32>
    %add3A_62 = arith.constant 10 : i32
    %add3A_63 = vector.broadcast %add3A_62 : i32 to vector<16xi32>
    %add3A_64 = arith.addi %iota3A, %add3A_63 : vector<16xi32>
    %and3A_65 = arith.constant 15 : i32
    %and3A_66 = vector.broadcast %and3A_65 : i32 to vector<16xi32>
    %and3A_67 = arith.andi %add3A_64, %and3A_66 : vector<16xi32>
    %add3A_68 = arith.constant 11 : i32
    %add3A_69 = vector.broadcast %add3A_68 : i32 to vector<16xi32>
    %add3A_70 = arith.addi %iota3A, %add3A_69 : vector<16xi32>
    %and3A_71 = arith.constant 15 : i32
    %and3A_72 = vector.broadcast %and3A_71 : i32 to vector<16xi32>
    %and3A_73 = arith.andi %add3A_70, %and3A_72 : vector<16xi32>
    %add3A_74 = arith.constant 12 : i32
    %add3A_75 = vector.broadcast %add3A_74 : i32 to vector<16xi32>
    %add3A_76 = arith.addi %iota3A, %add3A_75 : vector<16xi32>
    %and3A_77 = arith.constant 15 : i32
    %and3A_78 = vector.broadcast %and3A_77 : i32 to vector<16xi32>
    %and3A_79 = arith.andi %add3A_76, %and3A_78 : vector<16xi32>
    %add3A_80 = arith.constant 13 : i32
    %add3A_81 = vector.broadcast %add3A_80 : i32 to vector<16xi32>
    %add3A_82 = arith.addi %iota3A, %add3A_81 : vector<16xi32>
    %and3A_83 = arith.constant 15 : i32
    %and3A_84 = vector.broadcast %and3A_83 : i32 to vector<16xi32>
    %and3A_85 = arith.andi %add3A_82, %and3A_84 : vector<16xi32>
    %add3A_86 = arith.constant 14 : i32
    %add3A_87 = vector.broadcast %add3A_86 : i32 to vector<16xi32>
    %add3A_88 = arith.addi %iota3A, %add3A_87 : vector<16xi32>
    %and3A_89 = arith.constant 15 : i32
    %and3A_90 = vector.broadcast %and3A_89 : i32 to vector<16xi32>
    %and3A_91 = arith.andi %add3A_88, %and3A_90 : vector<16xi32>
    %add3A_92 = arith.constant 15 : i32
    %add3A_93 = vector.broadcast %add3A_92 : i32 to vector<16xi32>
    %add3A_94 = arith.addi %iota3A, %add3A_93 : vector<16xi32>
    %and3A_95 = arith.constant 15 : i32
    %and3A_96 = vector.broadcast %and3A_95 : i32 to vector<16xi32>
    %and3A_97 = arith.andi %add3A_94, %and3A_96 : vector<16xi32>
    %add3A_98 = arith.constant 0 : i32
    %add3A_99 = vector.broadcast %add3A_98 : i32 to vector<16xi32>
    %add3A_100 = arith.addi %iota3A, %add3A_99 : vector<16xi32>
    %and3A_101 = arith.constant 15 : i32
    %and3A_102 = vector.broadcast %and3A_101 : i32 to vector<16xi32>
    %and3A_103 = arith.andi %add3A_100, %and3A_102 : vector<16xi32>
    %lt3A = arith.cmpi slt, %and3A_103, %iota3A : vector<16xi32>
    %add3A_104 = arith.constant 1 : i32
    %add3A_105 = vector.broadcast %add3A_104 : i32 to vector<16xi32>
    %add3A_106 = arith.addi %iota3A, %add3A_105 : vector<16xi32>
    %and3A_107 = arith.constant 15 : i32
    %and3A_108 = vector.broadcast %and3A_107 : i32 to vector<16xi32>
    %and3A_109 = arith.andi %add3A_106, %and3A_108 : vector<16xi32>
    %lt3A_110 = arith.cmpi slt, %and3A_109, %iota3A : vector<16xi32>
    %add3A_111 = arith.constant 2 : i32
    %add3A_112 = vector.broadcast %add3A_111 : i32 to vector<16xi32>
    %add3A_113 = arith.addi %iota3A, %add3A_112 : vector<16xi32>
    %and3A_114 = arith.constant 15 : i32
    %and3A_115 = vector.broadcast %and3A_114 : i32 to vector<16xi32>
    %and3A_116 = arith.andi %add3A_113, %and3A_115 : vector<16xi32>
    %lt3A_117 = arith.cmpi slt, %and3A_116, %iota3A : vector<16xi32>
    %add3A_118 = arith.constant 3 : i32
    %add3A_119 = vector.broadcast %add3A_118 : i32 to vector<16xi32>
    %add3A_120 = arith.addi %iota3A, %add3A_119 : vector<16xi32>
    %and3A_121 = arith.constant 15 : i32
    %and3A_122 = vector.broadcast %and3A_121 : i32 to vector<16xi32>
    %and3A_123 = arith.andi %add3A_120, %and3A_122 : vector<16xi32>
    %lt3A_124 = arith.cmpi slt, %and3A_123, %iota3A : vector<16xi32>
    %add3A_125 = arith.constant 4 : i32
    %add3A_126 = vector.broadcast %add3A_125 : i32 to vector<16xi32>
    %add3A_127 = arith.addi %iota3A, %add3A_126 : vector<16xi32>
    %and3A_128 = arith.constant 15 : i32
    %and3A_129 = vector.broadcast %and3A_128 : i32 to vector<16xi32>
    %and3A_130 = arith.andi %add3A_127, %and3A_129 : vector<16xi32>
    %lt3A_131 = arith.cmpi slt, %and3A_130, %iota3A : vector<16xi32>
    %add3A_132 = arith.constant 5 : i32
    %add3A_133 = vector.broadcast %add3A_132 : i32 to vector<16xi32>
    %add3A_134 = arith.addi %iota3A, %add3A_133 : vector<16xi32>
    %and3A_135 = arith.constant 15 : i32
    %and3A_136 = vector.broadcast %and3A_135 : i32 to vector<16xi32>
    %and3A_137 = arith.andi %add3A_134, %and3A_136 : vector<16xi32>
    %lt3A_138 = arith.cmpi slt, %and3A_137, %iota3A : vector<16xi32>
    %add3A_139 = arith.constant 6 : i32
    %add3A_140 = vector.broadcast %add3A_139 : i32 to vector<16xi32>
    %add3A_141 = arith.addi %iota3A, %add3A_140 : vector<16xi32>
    %and3A_142 = arith.constant 15 : i32
    %and3A_143 = vector.broadcast %and3A_142 : i32 to vector<16xi32>
    %and3A_144 = arith.andi %add3A_141, %and3A_143 : vector<16xi32>
    %lt3A_145 = arith.cmpi slt, %and3A_144, %iota3A : vector<16xi32>
    %add3A_146 = arith.constant 7 : i32
    %add3A_147 = vector.broadcast %add3A_146 : i32 to vector<16xi32>
    %add3A_148 = arith.addi %iota3A, %add3A_147 : vector<16xi32>
    %and3A_149 = arith.constant 15 : i32
    %and3A_150 = vector.broadcast %and3A_149 : i32 to vector<16xi32>
    %and3A_151 = arith.andi %add3A_148, %and3A_150 : vector<16xi32>
    %lt3A_152 = arith.cmpi slt, %and3A_151, %iota3A : vector<16xi32>
    %add3A_153 = arith.constant 8 : i32
    %add3A_154 = vector.broadcast %add3A_153 : i32 to vector<16xi32>
    %add3A_155 = arith.addi %iota3A, %add3A_154 : vector<16xi32>
    %and3A_156 = arith.constant 15 : i32
    %and3A_157 = vector.broadcast %and3A_156 : i32 to vector<16xi32>
    %and3A_158 = arith.andi %add3A_155, %and3A_157 : vector<16xi32>
    %lt3A_159 = arith.cmpi slt, %and3A_158, %iota3A : vector<16xi32>
    %add3A_160 = arith.constant 9 : i32
    %add3A_161 = vector.broadcast %add3A_160 : i32 to vector<16xi32>
    %add3A_162 = arith.addi %iota3A, %add3A_161 : vector<16xi32>
    %and3A_163 = arith.constant 15 : i32
    %and3A_164 = vector.broadcast %and3A_163 : i32 to vector<16xi32>
    %and3A_165 = arith.andi %add3A_162, %and3A_164 : vector<16xi32>
    %lt3A_166 = arith.cmpi slt, %and3A_165, %iota3A : vector<16xi32>
    %add3A_167 = arith.constant 10 : i32
    %add3A_168 = vector.broadcast %add3A_167 : i32 to vector<16xi32>
    %add3A_169 = arith.addi %iota3A, %add3A_168 : vector<16xi32>
    %and3A_170 = arith.constant 15 : i32
    %and3A_171 = vector.broadcast %and3A_170 : i32 to vector<16xi32>
    %and3A_172 = arith.andi %add3A_169, %and3A_171 : vector<16xi32>
    %lt3A_173 = arith.cmpi slt, %and3A_172, %iota3A : vector<16xi32>
    %add3A_174 = arith.constant 11 : i32
    %add3A_175 = vector.broadcast %add3A_174 : i32 to vector<16xi32>
    %add3A_176 = arith.addi %iota3A, %add3A_175 : vector<16xi32>
    %and3A_177 = arith.constant 15 : i32
    %and3A_178 = vector.broadcast %and3A_177 : i32 to vector<16xi32>
    %and3A_179 = arith.andi %add3A_176, %and3A_178 : vector<16xi32>
    %lt3A_180 = arith.cmpi slt, %and3A_179, %iota3A : vector<16xi32>
    %add3A_181 = arith.constant 12 : i32
    %add3A_182 = vector.broadcast %add3A_181 : i32 to vector<16xi32>
    %add3A_183 = arith.addi %iota3A, %add3A_182 : vector<16xi32>
    %and3A_184 = arith.constant 15 : i32
    %and3A_185 = vector.broadcast %and3A_184 : i32 to vector<16xi32>
    %and3A_186 = arith.andi %add3A_183, %and3A_185 : vector<16xi32>
    %lt3A_187 = arith.cmpi slt, %and3A_186, %iota3A : vector<16xi32>
    %add3A_188 = arith.constant 13 : i32
    %add3A_189 = vector.broadcast %add3A_188 : i32 to vector<16xi32>
    %add3A_190 = arith.addi %iota3A, %add3A_189 : vector<16xi32>
    %and3A_191 = arith.constant 15 : i32
    %and3A_192 = vector.broadcast %and3A_191 : i32 to vector<16xi32>
    %and3A_193 = arith.andi %add3A_190, %and3A_192 : vector<16xi32>
    %lt3A_194 = arith.cmpi slt, %and3A_193, %iota3A : vector<16xi32>
    %add3A_195 = arith.constant 14 : i32
    %add3A_196 = vector.broadcast %add3A_195 : i32 to vector<16xi32>
    %add3A_197 = arith.addi %iota3A, %add3A_196 : vector<16xi32>
    %and3A_198 = arith.constant 15 : i32
    %and3A_199 = vector.broadcast %and3A_198 : i32 to vector<16xi32>
    %and3A_200 = arith.andi %add3A_197, %and3A_199 : vector<16xi32>
    %lt3A_201 = arith.cmpi slt, %and3A_200, %iota3A : vector<16xi32>
    %add3A_202 = arith.constant 15 : i32
    %add3A_203 = vector.broadcast %add3A_202 : i32 to vector<16xi32>
    %add3A_204 = arith.addi %iota3A, %add3A_203 : vector<16xi32>
    %and3A_205 = arith.constant 15 : i32
    %and3A_206 = vector.broadcast %and3A_205 : i32 to vector<16xi32>
    %and3A_207 = arith.andi %add3A_204, %and3A_206 : vector<16xi32>
    %lt3A_208 = arith.cmpi slt, %and3A_207, %iota3A : vector<16xi32>
    %scan3A = arith.constant 0 : i32
    %scan3A_209 = arith.constant 0 : i32
    %scan3A_210 = arith.constant 128 : i32
    %scan3A_211 = arith.addi %scan3A_209, %scan3A_210 : i32
    %scan3A_212 = arith.constant 1 : i32
    scf.for %scan3A_220 = %scan3A_209 to %scan3A_211 step %scan3A_212  : i32 {
      %get3A = arith.index_cast %scan3A_220 : i32 to index
      %get3A_221 = arith.constant 0 : index
      %get3A_222 = tpu.vector_load %arg7[%get3A, %get3A_221] {strides = array<i32>} : memref<128x64xf32, #tpu.memory_space<vmem>>, vector<1x16xf32>,
      %get3A_223 = vector.shape_cast %get3A_222 : vector<1x16xf32> to vector<16xf32>
      %get3A_224 = arith.index_cast %scan3A_220 : i32 to index
      %get3A_225 = arith.constant 0 : index
      %get3A_226 = tpu.vector_load %arg8[%get3A_224, %get3A_225] {strides = array<i32>} : memref<128x64xi32, #tpu.memory_space<vmem>>, vector<1x16xi32>,
      %get3A_227 = vector.shape_cast %get3A_226 : vector<1x16xi32> to vector<16xi32>
      %eq3A = arith.constant 0 : i32
      %eq3A_228 = vector.broadcast %eq3A : i32 to vector<16xi32>
      %eq3A_229 = arith.cmpi eq, %get3A_227, %eq3A_228 : vector<16xi32>
      %jit3A = arith.constant 0x7F800000 : f32
      %broadcast_in_dim3A = vector.broadcast %jit3A : f32 to vector<16xf32>
      %select_n3A = arith.select %eq3A_229, %get3A_223, %broadcast_in_dim3A : vector<16xi1>, vector<16xf32>
      %get3A_230 = arith.index_cast %scan3A_220 : i32 to index
      %get3A_231 = arith.constant 16 : index
      %get3A_232 = tpu.vector_load %arg7[%get3A_230, %get3A_231] {strides = array<i32>} : memref<128x64xf32, #tpu.memory_space<vmem>>, vector<1x16xf32>,
      %get3A_233 = vector.shape_cast %get3A_232 : vector<1x16xf32> to vector<16xf32>
      %get3A_234 = arith.index_cast %scan3A_220 : i32 to index
      %get3A_235 = arith.constant 16 : index
      %get3A_236 = tpu.vector_load %arg8[%get3A_234, %get3A_235] {strides = array<i32>} : memref<128x64xi32, #tpu.memory_space<vmem>>, vector<1x16xi32>,
      %get3A_237 = vector.shape_cast %get3A_236 : vector<1x16xi32> to vector<16xi32>
      %eq3A_238 = arith.constant 0 : i32
      %eq3A_239 = vector.broadcast %eq3A_238 : i32 to vector<16xi32>
      %eq3A_240 = arith.cmpi eq, %get3A_237, %eq3A_239 : vector<16xi32>
      %jit3A_241 = arith.constant 0x7F800000 : f32
      %broadcast_in_dim3A_242 = vector.broadcast %jit3A_241 : f32 to vector<16xf32>
      %select_n3A_243 = arith.select %eq3A_240, %get3A_233, %broadcast_in_dim3A_242 : vector<16xi1>, vector<16xf32>
      %get3A_244 = arith.index_cast %scan3A_220 : i32 to index
      %get3A_245 = arith.constant 32 : index
      %get3A_246 = tpu.vector_load %arg7[%get3A_244, %get3A_245] {strides = array<i32>} : memref<128x64xf32, #tpu.memory_space<vmem>>, vector<1x16xf32>,
      %get3A_247 = vector.shape_cast %get3A_246 : vector<1x16xf32> to vector<16xf32>
      %get3A_248 = arith.index_cast %scan3A_220 : i32 to index
      %get3A_249 = arith.constant 32 : index
      %get3A_250 = tpu.vector_load %arg8[%get3A_248, %get3A_249] {strides = array<i32>} : memref<128x64xi32, #tpu.memory_space<vmem>>, vector<1x16xi32>,
      %get3A_251 = vector.shape_cast %get3A_250 : vector<1x16xi32> to vector<16xi32>
      %eq3A_252 = arith.constant 0 : i32
      %eq3A_253 = vector.broadcast %eq3A_252 : i32 to vector<16xi32>
      %eq3A_254 = arith.cmpi eq, %get3A_251, %eq3A_253 : vector<16xi32>
      %jit3A_255 = arith.constant 0x7F800000 : f32
      %broadcast_in_dim3A_256 = vector.broadcast %jit3A_255 : f32 to vector<16xf32>
      %select_n3A_257 = arith.select %eq3A_254, %get3A_247, %broadcast_in_dim3A_256 : vector<16xi1>, vector<16xf32>
      %get3A_258 = arith.index_cast %scan3A_220 : i32 to index
      %get3A_259 = arith.constant 48 : index
      %get3A_260 = tpu.vector_load %arg7[%get3A_258, %get3A_259] {strides = array<i32>} : memref<128x64xf32, #tpu.memory_space<vmem>>, vector<1x16xf32>,
      %get3A_261 = vector.shape_cast %get3A_260 : vector<1x16xf32> to vector<16xf32>
      %get3A_262 = arith.index_cast %scan3A_220 : i32 to index
      %get3A_263 = arith.constant 48 : index
      %get3A_264 = tpu.vector_load %arg8[%get3A_262, %get3A_263] {strides = array<i32>} : memref<128x64xi32, #tpu.memory_space<vmem>>, vector<1x16xi32>,
      %get3A_265 = vector.shape_cast %get3A_264 : vector<1x16xi32> to vector<16xi32>
      %eq3A_266 = arith.constant 0 : i32
      %eq3A_267 = vector.broadcast %eq3A_266 : i32 to vector<16xi32>
      %eq3A_268 = arith.cmpi eq, %get3A_265, %eq3A_267 : vector<16xi32>
      %jit3A_269 = arith.constant 0x7F800000 : f32
      %broadcast_in_dim3A_270 = vector.broadcast %jit3A_269 : f32 to vector<16xf32>
      %select_n3A_271 = arith.select %eq3A_268, %get3A_261, %broadcast_in_dim3A_270 : vector<16xi1>, vector<16xf32>
      %broadcast_in_dim3A_272 = arith.constant 0 : i32
      %broadcast_in_dim3A_273 = vector.broadcast %broadcast_in_dim3A_272 : i32 to vector<16xi32>
      %broadcast_in_dim3A_274 = arith.constant 0 : i32
      %broadcast_in_dim3A_275 = vector.broadcast %broadcast_in_dim3A_274 : i32 to vector<16xi32>
      %broadcast_in_dim3A_276 = arith.constant 0 : i32
      %broadcast_in_dim3A_277 = vector.broadcast %broadcast_in_dim3A_276 : i32 to vector<16xi32>
      %broadcast_in_dim3A_278 = arith.constant 0 : i32
      %broadcast_in_dim3A_279 = vector.broadcast %broadcast_in_dim3A_278 : i32 to vector<16xi32>
      %broadcast_in_dim3A_280 = vector.shape_cast %and3A_7 : vector<16xi32> to vector<16x1xi32>
      %gather3A = vector.shape_cast %broadcast_in_dim3A_280 : vector<16x1xi32> to vector<16xi32>
      %gather3A_281 = tpu.dynamic_gather %select_n3A[%gather3A] in [0] : vector<16xf32>, vector<16xi32> -> vector<16xf32>
      %broadcast_in_dim3A_282 = vector.shape_cast %and3A_7 : vector<16xi32> to vector<16x1xi32>
      %gather3A_283 = vector.shape_cast %broadcast_in_dim3A_282 : vector<16x1xi32> to vector<16xi32>
      %gather3A_284 = tpu.dynamic_gather %select_n3A_243[%gather3A_283] in [0] : vector<16xf32>, vector<16xi32> -> vector<16xf32>
      %broadcast_in_dim3A_285 = vector.shape_cast %and3A_7 : vector<16xi32> to vector<16x1xi32>
      %gather3A_286 = vector.shape_cast %broadcast_in_dim3A_285 : vector<16x1xi32> to vector<16xi32>
      %gather3A_287 = tpu.dynamic_gather %select_n3A_257[%gather3A_286] in [0] : vector<16xf32>, vector<16xi32> -> vector<16xf32>
      %broadcast_in_dim3A_288 = vector.shape_cast %and3A_7 : vector<16xi32> to vector<16x1xi32>
      %gather3A_289 = vector.shape_cast %broadcast_in_dim3A_288 : vector<16x1xi32> to vector<16xi32>
      %gather3A_290 = tpu.dynamic_gather %select_n3A_271[%gather3A_289] in [0] : vector<16xf32>, vector<16xi32> -> vector<16xf32>
      %lt3A_291 = arith.cmpf olt, %gather3A_284, %select_n3A : vector<16xf32>
      %jit3A_292 = arith.constant 1 : i32
      %jit3A_293 = arith.constant 0 : i32
      %broadcast_in_dim3A_294 = vector.broadcast %jit3A_292 : i32 to vector<16xi32>
      %broadcast_in_dim3A_295 = vector.broadcast %jit3A_293 : i32 to vector<16xi32>
      %select_n3A_296 = arith.select %lt3A_291, %broadcast_in_dim3A_294, %broadcast_in_dim3A_295 : vector<16xi1>, vector<16xi32>
      %add3A_297 = arith.addi %broadcast_in_dim3A_273, %select_n3A_296 : vector<16xi32>
      %lt3A_298 = arith.cmpf olt, %gather3A_287, %select_n3A : vector<16xf32>
      %jit3A_299 = arith.constant 1 : i32
      %jit3A_300 = arith.constant 0 : i32
      %broadcast_in_dim3A_301 = vector.broadcast %jit3A_299 : i32 to vector<16xi32>
      %broadcast_in_dim3A_302 = vector.broadcast %jit3A_300 : i32 to vector<16xi32>
      %select_n3A_303 = arith.select %lt3A_298, %broadcast_in_dim3A_301, %broadcast_in_dim3A_302 : vector<16xi1>, vector<16xi32>
      %add3A_304 = arith.addi %add3A_297, %select_n3A_303 : vector<16xi32>
      %lt3A_305 = arith.cmpf olt, %gather3A_290, %select_n3A : vector<16xf32>
      %jit3A_306 = arith.constant 1 : i32
      %jit3A_307 = arith.constant 0 : i32
      %broadcast_in_dim3A_308 = vector.broadcast %jit3A_306 : i32 to vector<16xi32>
      %broadcast_in_dim3A_309 = vector.broadcast %jit3A_307 : i32 to vector<16xi32>
      %select_n3A_310 = arith.select %lt3A_305, %broadcast_in_dim3A_308, %broadcast_in_dim3A_309 : vector<16xi1>, vector<16xi32>
      %add3A_311 = arith.addi %add3A_304, %select_n3A_310 : vector<16xi32>
      %le3A = arith.cmpf ole, %gather3A_281, %select_n3A_243 : vector<16xf32>
      %jit3A_312 = arith.constant 1 : i32
      %jit3A_313 = arith.constant 0 : i32
      %broadcast_in_dim3A_314 = vector.broadcast %jit3A_312 : i32 to vector<16xi32>
      %broadcast_in_dim3A_315 = vector.broadcast %jit3A_313 : i32 to vector<16xi32>
      %select_n3A_316 = arith.select %le3A, %broadcast_in_dim3A_314, %broadcast_in_dim3A_315 : vector<16xi1>, vector<16xi32>
      %add3A_317 = arith.addi %broadcast_in_dim3A_275, %select_n3A_316 : vector<16xi32>
      %lt3A_318 = arith.cmpf olt, %gather3A_287, %select_n3A_243 : vector<16xf32>
      %jit3A_319 = arith.constant 1 : i32
      %jit3A_320 = arith.constant 0 : i32
      %broadcast_in_dim3A_321 = vector.broadcast %jit3A_319 : i32 to vector<16xi32>
      %broadcast_in_dim3A_322 = vector.broadcast %jit3A_320 : i32 to vector<16xi32>
      %select_n3A_323 = arith.select %lt3A_318, %broadcast_in_dim3A_321, %broadcast_in_dim3A_322 : vector<16xi1>, vector<16xi32>
      %add3A_324 = arith.addi %add3A_317, %select_n3A_323 : vector<16xi32>
      %lt3A_325 = arith.cmpf olt, %gather3A_290, %select_n3A_243 : vector<16xf32>
      %jit3A_326 = arith.constant 1 : i32
      %jit3A_327 = arith.constant 0 : i32
      %broadcast_in_dim3A_328 = vector.broadcast %jit3A_326 : i32 to vector<16xi32>
      %broadcast_in_dim3A_329 = vector.broadcast %jit3A_327 : i32 to vector<16xi32>
      %select_n3A_330 = arith.select %lt3A_325, %broadcast_in_dim3A_328, %broadcast_in_dim3A_329 : vector<16xi1>, vector<16xi32>
      %add3A_331 = arith.addi %add3A_324, %select_n3A_330 : vector<16xi32>
      %le3A_332 = arith.cmpf ole, %gather3A_281, %select_n3A_257 : vector<16xf32>
      %jit3A_333 = arith.constant 1 : i32
      %jit3A_334 = arith.constant 0 : i32
      %broadcast_in_dim3A_335 = vector.broadcast %jit3A_333 : i32 to vector<16xi32>
      %broadcast_in_dim3A_336 = vector.broadcast %jit3A_334 : i32 to vector<16xi32>
      %select_n3A_337 = arith.select %le3A_332, %broadcast_in_dim3A_335, %broadcast_in_dim3A_336 : vector<16xi1>, vector<16xi32>
      %add3A_338 = arith.addi %broadcast_in_dim3A_277, %select_n3A_337 : vector<16xi32>
      %le3A_339 = arith.cmpf ole, %gather3A_284, %select_n3A_257 : vector<16xf32>
      %jit3A_340 = arith.constant 1 : i32
      %jit3A_341 = arith.constant 0 : i32
      %broadcast_in_dim3A_342 = vector.broadcast %jit3A_340 : i32 to vector<16xi32>
      %broadcast_in_dim3A_343 = vector.broadcast %jit3A_341 : i32 to vector<16xi32>
      %select_n3A_344 = arith.select %le3A_339, %broadcast_in_dim3A_342, %broadcast_in_dim3A_343 : vector<16xi1>, vector<16xi32>
      %add3A_345 = arith.addi %add3A_338, %select_n3A_344 : vector<16xi32>
      %lt3A_346 = arith.cmpf olt, %gather3A_290, %select_n3A_257 : vector<16xf32>
      %jit3A_347 = arith.constant 1 : i32
      %jit3A_348 = arith.constant 0 : i32
      %broadcast_in_dim3A_349 = vector.broadcast %jit3A_347 : i32 to vector<16xi32>
      %broadcast_in_dim3A_350 = vector.broadcast %jit3A_348 : i32 to vector<16xi32>
      %select_n3A_351 = arith.select %lt3A_346, %broadcast_in_dim3A_349, %broadcast_in_dim3A_350 : vector<16xi1>, vector<16xi32>
      %add3A_352 = arith.addi %add3A_345, %select_n3A_351 : vector<16xi32>
      %le3A_353 = arith.cmpf ole, %gather3A_281, %select_n3A_271 : vector<16xf32>
      %jit3A_354 = arith.constant 1 : i32
      %jit3A_355 = arith.constant 0 : i32
      %broadcast_in_dim3A_356 = vector.broadcast %jit3A_354 : i32 to vector<16xi32>
      %broadcast_in_dim3A_357 = vector.broadcast %jit3A_355 : i32 to vector<16xi32>
      %select_n3A_358 = arith.select %le3A_353, %broadcast_in_dim3A_356, %broadcast_in_dim3A_357 : vector<16xi1>, vector<16xi32>
      %add3A_359 = arith.addi %broadcast_in_dim3A_279, %select_n3A_358 : vector<16xi32>
      %le3A_360 = arith.cmpf ole, %gather3A_284, %select_n3A_271 : vector<16xf32>
      %jit3A_361 = arith.constant 1 : i32
      %jit3A_362 = arith.constant 0 : i32
      %broadcast_in_dim3A_363 = vector.broadcast %jit3A_361 : i32 to vector<16xi32>
      %broadcast_in_dim3A_364 = vector.broadcast %jit3A_362 : i32 to vector<16xi32>
      %select_n3A_365 = arith.select %le3A_360, %broadcast_in_dim3A_363, %broadcast_in_dim3A_364 : vector<16xi1>, vector<16xi32>
      %add3A_366 = arith.addi %add3A_359, %select_n3A_365 : vector<16xi32>
      %le3A_367 = arith.cmpf ole, %gather3A_287, %select_n3A_271 : vector<16xf32>
      %jit3A_368 = arith.constant 1 : i32
      %jit3A_369 = arith.constant 0 : i32
      %broadcast_in_dim3A_370 = vector.broadcast %jit3A_368 : i32 to vector<16xi32>
      %broadcast_in_dim3A_371 = vector.broadcast %jit3A_369 : i32 to vector<16xi32>
      %select_n3A_372 = arith.select %le3A_367, %broadcast_in_dim3A_370, %broadcast_in_dim3A_371 : vector<16xi1>, vector<16xi32>
      %add3A_373 = arith.addi %add3A_366, %select_n3A_372 : vector<16xi32>
      %broadcast_in_dim3A_374 = vector.shape_cast %and3A_13 : vector<16xi32> to vector<16x1xi32>
      %gather3A_375 = vector.shape_cast %broadcast_in_dim3A_374 : vector<16x1xi32> to vector<16xi32>
      %gather3A_376 = tpu.dynamic_gather %select_n3A[%gather3A_375] in [0] : vector<16xf32>, vector<16xi32> -> vector<16xf32>
      %broadcast_in_dim3A_377 = vector.shape_cast %and3A_13 : vector<16xi32> to vector<16x1xi32>
      %gather3A_378 = vector.shape_cast %broadcast_in_dim3A_377 : vector<16x1xi32> to vector<16xi32>
      %gather3A_379 = tpu.dynamic_gather %select_n3A_243[%gather3A_378] in [0] : vector<16xf32>, vector<16xi32> -> vector<16xf32>
      %broadcast_in_dim3A_380 = vector.shape_cast %and3A_13 : vector<16xi32> to vector<16x1xi32>
      %gather3A_381 = vector.shape_cast %broadcast_in_dim3A_380 : vector<16x1xi32> to vector<16xi32>
      %gather3A_382 = tpu.dynamic_gather %select_n3A_257[%gather3A_381] in [0] : vector<16xf32>, vector<16xi32> -> vector<16xf32>
      %broadcast_in_dim3A_383 = vector.shape_cast %and3A_13 : vector<16xi32> to vector<16x1xi32>
      %gather3A_384 = vector.shape_cast %broadcast_in_dim3A_383 : vector<16x1xi32> to vector<16xi32>
      %gather3A_385 = tpu.dynamic_gather %select_n3A_271[%gather3A_384] in [0] : vector<16xf32>, vector<16xi32> -> vector<16xf32>
      %lt3A_386 = arith.cmpf olt, %gather3A_376, %select_n3A : vector<16xf32>
      %eq3A_387 = arith.cmpf oeq, %gather3A_376, %select_n3A : vector<16xf32>
      %and3A_388 = arith.andi %eq3A_387, %lt3A_110 : vector<16xi1>
      %or3A = arith.ori %lt3A_386, %and3A_388 : vector<16xi1>
      %jit3A_389 = arith.constant 1 : i32
      %jit3A_390 = arith.constant 0 : i32
      %broadcast_in_dim3A_391 = vector.broadcast %jit3A_389 : i32 to vector<16xi32>
      %broadcast_in_dim3A_392 = vector.broadcast %jit3A_390 : i32 to vector<16xi32>
      %select_n3A_393 = arith.select %or3A, %broadcast_in_dim3A_391, %broadcast_in_dim3A_392 : vector<16xi1>, vector<16xi32>
      %add3A_394 = arith.addi %add3A_311, %select_n3A_393 : vector<16xi32>
      %lt3A_395 = arith.cmpf olt, %gather3A_379, %select_n3A : vector<16xf32>
      %jit3A_396 = arith.constant 1 : i32
      %jit3A_397 = arith.constant 0 : i32
      %broadcast_in_dim3A_398 = vector.broadcast %jit3A_396 : i32 to vector<16xi32>
      %broadcast_in_dim3A_399 = vector.broadcast %jit3A_397 : i32 to vector<16xi32>
      %select_n3A_400 = arith.select %lt3A_395, %broadcast_in_dim3A_398, %broadcast_in_dim3A_399 : vector<16xi1>, vector<16xi32>
      %add3A_401 = arith.addi %add3A_394, %select_n3A_400 : vector<16xi32>
      %lt3A_402 = arith.cmpf olt, %gather3A_382, %select_n3A : vector<16xf32>
      %jit3A_403 = arith.constant 1 : i32
      %jit3A_404 = arith.constant 0 : i32
      %broadcast_in_dim3A_405 = vector.broadcast %jit3A_403 : i32 to vector<16xi32>
      %broadcast_in_dim3A_406 = vector.broadcast %jit3A_404 : i32 to vector<16xi32>
      %select_n3A_407 = arith.select %lt3A_402, %broadcast_in_dim3A_405, %broadcast_in_dim3A_406 : vector<16xi1>, vector<16xi32>
      %add3A_408 = arith.addi %add3A_401, %select_n3A_407 : vector<16xi32>
      %lt3A_409 = arith.cmpf olt, %gather3A_385, %select_n3A : vector<16xf32>
      %jit3A_410 = arith.constant 1 : i32
      %jit3A_411 = arith.constant 0 : i32
      %broadcast_in_dim3A_412 = vector.broadcast %jit3A_410 : i32 to vector<16xi32>
      %broadcast_in_dim3A_413 = vector.broadcast %jit3A_411 : i32 to vector<16xi32>
      %select_n3A_414 = arith.select %lt3A_409, %broadcast_in_dim3A_412, %broadcast_in_dim3A_413 : vector<16xi1>, vector<16xi32>
      %add3A_415 = arith.addi %add3A_408, %select_n3A_414 : vector<16xi32>
      %le3A_416 = arith.cmpf ole, %gather3A_376, %select_n3A_243 : vector<16xf32>
      %jit3A_417 = arith.constant 1 : i32
      %jit3A_418 = arith.constant 0 : i32
      %broadcast_in_dim3A_419 = vector.broadcast %jit3A_417 : i32 to vector<16xi32>
      %broadcast_in_dim3A_420 = vector.broadcast %jit3A_418 : i32 to vector<16xi32>
      %select_n3A_421 = arith.select %le3A_416, %broadcast_in_dim3A_419, %broadcast_in_dim3A_420 : vector<16xi1>, vector<16xi32>
      %add3A_422 = arith.addi %add3A_331, %select_n3A_421 : vector<16xi32>
      %lt3A_423 = arith.cmpf olt, %gather3A_379, %select_n3A_243 : vector<16xf32>
      %eq3A_424 = arith.cmpf oeq, %gather3A_379, %select_n3A_243 : vector<16xf32>
      %and3A_425 = arith.andi %eq3A_424, %lt3A_110 : vector<16xi1>
      %or3A_426 = arith.ori %lt3A_423, %and3A_425 : vector<16xi1>
      %jit3A_427 = arith.constant 1 : i32
      %jit3A_428 = arith.constant 0 : i32
      %broadcast_in_dim3A_429 = vector.broadcast %jit3A_427 : i32 to vector<16xi32>
      %broadcast_in_dim3A_430 = vector.broadcast %jit3A_428 : i32 to vector<16xi32>
      %select_n3A_431 = arith.select %or3A_426, %broadcast_in_dim3A_429, %broadcast_in_dim3A_430 : vector<16xi1>, vector<16xi32>
      %add3A_432 = arith.addi %add3A_422, %select_n3A_431 : vector<16xi32>
      %lt3A_433 = arith.cmpf olt, %gather3A_382, %select_n3A_243 : vector<16xf32>
      %jit3A_434 = arith.constant 1 : i32
      %jit3A_435 = arith.constant 0 : i32
      %broadcast_in_dim3A_436 = vector.broadcast %jit3A_434 : i32 to vector<16xi32>
      %broadcast_in_dim3A_437 = vector.broadcast %jit3A_435 : i32 to vector<16xi32>
      %select_n3A_438 = arith.select %lt3A_433, %broadcast_in_dim3A_436, %broadcast_in_dim3A_437 : vector<16xi1>, vector<16xi32>
      %add3A_439 = arith.addi %add3A_432, %select_n3A_438 : vector<16xi32>
      %lt3A_440 = arith.cmpf olt, %gather3A_385, %select_n3A_243 : vector<16xf32>
      %jit3A_441 = arith.constant 1 : i32
      %jit3A_442 = arith.constant 0 : i32
      %broadcast_in_dim3A_443 = vector.broadcast %jit3A_441 : i32 to vector<16xi32>
      %broadcast_in_dim3A_444 = vector.broadcast %jit3A_442 : i32 to vector<16xi32>
      %select_n3A_445 = arith.select %lt3A_440, %broadcast_in_dim3A_443, %broadcast_in_dim3A_444 : vector<16xi1>, vector<16xi32>
      %add3A_446 = arith.addi %add3A_439, %select_n3A_445 : vector<16xi32>
      %le3A_447 = arith.cmpf ole, %gather3A_376, %select_n3A_257 : vector<16xf32>
      %jit3A_448 = arith.constant 1 : i32
      %jit3A_449 = arith.constant 0 : i32
      %broadcast_in_dim3A_450 = vector.broadcast %jit3A_448 : i32 to vector<16xi32>
      %broadcast_in_dim3A_451 = vector.broadcast %jit3A_449 : i32 to vector<16xi32>
      %select_n3A_452 = arith.select %le3A_447, %broadcast_in_dim3A_450, %broadcast_in_dim3A_451 : vector<16xi1>, vector<16xi32>
      %add3A_453 = arith.addi %add3A_352, %select_n3A_452 : vector<16xi32>
      %le3A_454 = arith.cmpf ole, %gather3A_379, %select_n3A_257 : vector<16xf32>
      %jit3A_455 = arith.constant 1 : i32
      %jit3A_456 = arith.constant 0 : i32
      %broadcast_in_dim3A_457 = vector.broadcast %jit3A_455 : i32 to vector<16xi32>
      %broadcast_in_dim3A_458 = vector.broadcast %jit3A_456 : i32 to vector<16xi32>
      %select_n3A_459 = arith.select %le3A_454, %broadcast_in_dim3A_457, %broadcast_in_dim3A_458 : vector<16xi1>, vector<16xi32>
      %add3A_460 = arith.addi %add3A_453, %select_n3A_459 : vector<16xi32>
      %lt3A_461 = arith.cmpf olt, %gather3A_382, %select_n3A_257 : vector<16xf32>
      %eq3A_462 = arith.cmpf oeq, %gather3A_382, %select_n3A_257 : vector<16xf32>
      %and3A_463 = arith.andi %eq3A_462, %lt3A_110 : vector<16xi1>
      %or3A_464 = arith.ori %lt3A_461, %and3A_463 : vector<16xi1>
      %jit3A_465 = arith.constant 1 : i32
      %jit3A_466 = arith.constant 0 : i32
      %broadcast_in_dim3A_467 = vector.broadcast %jit3A_465 : i32 to vector<16xi32>
      %broadcast_in_dim3A_468 = vector.broadcast %jit3A_466 : i32 to vector<16xi32>
      %select_n3A_469 = arith.select %or3A_464, %broadcast_in_dim3A_467, %broadcast_in_dim3A_468 : vector<16xi1>, vector<16xi32>
      %add3A_470 = arith.addi %add3A_460, %select_n3A_469 : vector<16xi32>
      %lt3A_471 = arith.cmpf olt, %gather3A_385, %select_n3A_257 : vector<16xf32>
      %jit3A_472 = arith.constant 1 : i32
      %jit3A_473 = arith.constant 0 : i32
      %broadcast_in_dim3A_474 = vector.broadcast %jit3A_472 : i32 to vector<16xi32>
      %broadcast_in_dim3A_475 = vector.broadcast %jit3A_473 : i32 to vector<16xi32>
      %select_n3A_476 = arith.select %lt3A_471, %broadcast_in_dim3A_474, %broadcast_in_dim3A_475 : vector<16xi1>, vector<16xi32>
      %add3A_477 = arith.addi %add3A_470, %select_n3A_476 : vector<16xi32>
      %le3A_478 = arith.cmpf ole, %gather3A_376, %select_n3A_271 : vector<16xf32>
      %jit3A_479 = arith.constant 1 : i32
      %jit3A_480 = arith.constant 0 : i32
      %broadcast_in_dim3A_481 = vector.broadcast %jit3A_479 : i32 to vector<16xi32>
      %broadcast_in_dim3A_482 = vector.broadcast %jit3A_480 : i32 to vector<16xi32>
      %select_n3A_483 = arith.select %le3A_478, %broadcast_in_dim3A_481, %broadcast_in_dim3A_482 : vector<16xi1>, vector<16xi32>
      %add3A_484 = arith.addi %add3A_373, %select_n3A_483 : vector<16xi32>
      %le3A_485 = arith.cmpf ole, %gather3A_379, %select_n3A_271 : vector<16xf32>
      %jit3A_486 = arith.constant 1 : i32
      %jit3A_487 = arith.constant 0 : i32
      %broadcast_in_dim3A_488 = vector.broadcast %jit3A_486 : i32 to vector<16xi32>
      %broadcast_in_dim3A_489 = vector.broadcast %jit3A_487 : i32 to vector<16xi32>
      %select_n3A_490 = arith.select %le3A_485, %broadcast_in_dim3A_488, %broadcast_in_dim3A_489 : vector<16xi1>, vector<16xi32>
      %add3A_491 = arith.addi %add3A_484, %select_n3A_490 : vector<16xi32>
      %le3A_492 = arith.cmpf ole, %gather3A_382, %select_n3A_271 : vector<16xf32>
      %jit3A_493 = arith.constant 1 : i32
      %jit3A_494 = arith.constant 0 : i32
      %broadcast_in_dim3A_495 = vector.broadcast %jit3A_493 : i32 to vector<16xi32>
      %broadcast_in_dim3A_496 = vector.broadcast %jit3A_494 : i32 to vector<16xi32>
      %select_n3A_497 = arith.select %le3A_492, %broadcast_in_dim3A_495, %broadcast_in_dim3A_496 : vector<16xi1>, vector<16xi32>
      %add3A_498 = arith.addi %add3A_491, %select_n3A_497 : vector<16xi32>
      %lt3A_499 = arith.cmpf olt, %gather3A_385, %select_n3A_271 : vector<16xf32>
      %eq3A_500 = arith.cmpf oeq, %gather3A_385, %select_n3A_271 : vector<16xf32>
      %and3A_501 = arith.andi %eq3A_500, %lt3A_110 : vector<16xi1>
      %or3A_502 = arith.ori %lt3A_499, %and3A_501 : vector<16xi1>
      %jit3A_503 = arith.constant 1 : i32
      %jit3A_504 = arith.constant 0 : i32
      %broadcast_in_dim3A_505 = vector.broadcast %jit3A_503 : i32 to vector<16xi32>
      %broadcast_in_dim3A_506 = vector.broadcast %jit3A_504 : i32 to vector<16xi32>
      %select_n3A_507 = arith.select %or3A_502, %broadcast_in_dim3A_505, %broadcast_in_dim3A_506 : vector<16xi1>, vector<16xi32>
      %add3A_508 = arith.addi %add3A_498, %select_n3A_507 : vector<16xi32>
      %broadcast_in_dim3A_509 = vector.shape_cast %and3A_19 : vector<16xi32> to vector<16x1xi32>
      %gather3A_510 = vector.shape_cast %broadcast_in_dim3A_509 : vector<16x1xi32> to vector<16xi32>
      %gather3A_511 = tpu.dynamic_gather %select_n3A[%gather3A_510] in [0] : vector<16xf32>, vector<16xi32> -> vector<16xf32>
      %broadcast_in_dim3A_512 = vector.shape_cast %and3A_19 : vector<16xi32> to vector<16x1xi32>
      %gather3A_513 = vector.shape_cast %broadcast_in_dim3A_512 : vector<16x1xi32> to vector<16xi32>
      %gather3A_514 = tpu.dynamic_gather %select_n3A_243[%gather3A_513] in [0] : vector<16xf32>, vector<16xi32> -> vector<16xf32>
      %broadcast_in_dim3A_515 = vector.shape_cast %and3A_19 : vector<16xi32> to vector<16x1xi32>
      %gather3A_516 = vector.shape_cast %broadcast_in_dim3A_515 : vector<16x1xi32> to vector<16xi32>
      %gather3A_517 = tpu.dynamic_gather %select_n3A_257[%gather3A_516] in [0] : vector<16xf32>, vector<16xi32> -> vector<16xf32>
      %broadcast_in_dim3A_518 = vector.shape_cast %and3A_19 : vector<16xi32> to vector<16x1xi32>
      %gather3A_519 = vector.shape_cast %broadcast_in_dim3A_518 : vector<16x1xi32> to vector<16xi32>
      %gather3A_520 = tpu.dynamic_gather %select_n3A_271[%gather3A_519] in [0] : vector<16xf32>, vector<16xi32> -> vector<16xf32>
      %lt3A_521 = arith.cmpf olt, %gather3A_511, %select_n3A : vector<16xf32>
      %eq3A_522 = arith.cmpf oeq, %gather3A_511, %select_n3A : vector<16xf32>
      %and3A_523 = arith.andi %eq3A_522, %lt3A_117 : vector<16xi1>
      %or3A_524 = arith.ori %lt3A_521, %and3A_523 : vector<16xi1>
      %jit3A_525 = arith.constant 1 : i32
      %jit3A_526 = arith.constant 0 : i32
      %broadcast_in_dim3A_527 = vector.broadcast %jit3A_525 : i32 to vector<16xi32>
      %broadcast_in_dim3A_528 = vector.broadcast %jit3A_526 : i32 to vector<16xi32>
      %select_n3A_529 = arith.select %or3A_524, %broadcast_in_dim3A_527, %broadcast_in_dim3A_528 : vector<16xi1>, vector<16xi32>
      %add3A_530 = arith.addi %add3A_415, %select_n3A_529 : vector<16xi32>
      %lt3A_531 = arith.cmpf olt, %gather3A_514, %select_n3A : vector<16xf32>
      %jit3A_532 = arith.constant 1 : i32
      %jit3A_533 = arith.constant 0 : i32
      %broadcast_in_dim3A_534 = vector.broadcast %jit3A_532 : i32 to vector<16xi32>
      %broadcast_in_dim3A_535 = vector.broadcast %jit3A_533 : i32 to vector<16xi32>
      %select_n3A_536 = arith.select %lt3A_531, %broadcast_in_dim3A_534, %broadcast_in_dim3A_535 : vector<16xi1>, vector<16xi32>
      %add3A_537 = arith.addi %add3A_530, %select_n3A_536 : vector<16xi32>
      %lt3A_538 = arith.cmpf olt, %gather3A_517, %select_n3A : vector<16xf32>
      %jit3A_539 = arith.constant 1 : i32
      %jit3A_540 = arith.constant 0 : i32
      %broadcast_in_dim3A_541 = vector.broadcast %jit3A_539 : i32 to vector<16xi32>
      %broadcast_in_dim3A_542 = vector.broadcast %jit3A_540 : i32 to vector<16xi32>
      %select_n3A_543 = arith.select %lt3A_538, %broadcast_in_dim3A_541, %broadcast_in_dim3A_542 : vector<16xi1>, vector<16xi32>
      %add3A_544 = arith.addi %add3A_537, %select_n3A_543 : vector<16xi32>
      %lt3A_545 = arith.cmpf olt, %gather3A_520, %select_n3A : vector<16xf32>
      %jit3A_546 = arith.constant 1 : i32
      %jit3A_547 = arith.constant 0 : i32
      %broadcast_in_dim3A_548 = vector.broadcast %jit3A_546 : i32 to vector<16xi32>
      %broadcast_in_dim3A_549 = vector.broadcast %jit3A_547 : i32 to vector<16xi32>
      %select_n3A_550 = arith.select %lt3A_545, %broadcast_in_dim3A_548, %broadcast_in_dim3A_549 : vector<16xi1>, vector<16xi32>
      %add3A_551 = arith.addi %add3A_544, %select_n3A_550 : vector<16xi32>
      %le3A_552 = arith.cmpf ole, %gather3A_511, %select_n3A_243 : vector<16xf32>
      %jit3A_553 = arith.constant 1 : i32
      %jit3A_554 = arith.constant 0 : i32
      %broadcast_in_dim3A_555 = vector.broadcast %jit3A_553 : i32 to vector<16xi32>
      %broadcast_in_dim3A_556 = vector.broadcast %jit3A_554 : i32 to vector<16xi32>
      %select_n3A_557 = arith.select %le3A_552, %broadcast_in_dim3A_555, %broadcast_in_dim3A_556 : vector<16xi1>, vector<16xi32>
      %add3A_558 = arith.addi %add3A_446, %select_n3A_557 : vector<16xi32>
      %lt3A_559 = arith.cmpf olt, %gather3A_514, %select_n3A_243 : vector<16xf32>
      %eq3A_560 = arith.cmpf oeq, %gather3A_514, %select_n3A_243 : vector<16xf32>
      %and3A_561 = arith.andi %eq3A_560, %lt3A_117 : vector<16xi1>
      %or3A_562 = arith.ori %lt3A_559, %and3A_561 : vector<16xi1>
      %jit3A_563 = arith.constant 1 : i32
      %jit3A_564 = arith.constant 0 : i32
      %broadcast_in_dim3A_565 = vector.broadcast %jit3A_563 : i32 to vector<16xi32>
      %broadcast_in_dim3A_566 = vector.broadcast %jit3A_564 : i32 to vector<16xi32>
      %select_n3A_567 = arith.select %or3A_562, %broadcast_in_dim3A_565, %broadcast_in_dim3A_566 : vector<16xi1>, vector<16xi32>
      %add3A_568 = arith.addi %add3A_558, %select_n3A_567 : vector<16xi32>
      %lt3A_569 = arith.cmpf olt, %gather3A_517, %select_n3A_243 : vector<16xf32>
      %jit3A_570 = arith.constant 1 : i32
      %jit3A_571 = arith.constant 0 : i32
      %broadcast_in_dim3A_572 = vector.broadcast %jit3A_570 : i32 to vector<16xi32>
      %broadcast_in_dim3A_573 = vector.broadcast %jit3A_571 : i32 to vector<16xi32>
      %select_n3A_574 = arith.select %lt3A_569, %broadcast_in_dim3A_572, %broadcast_in_dim3A_573 : vector<16xi1>, vector<16xi32>
      %add3A_575 = arith.addi %add3A_568, %select_n3A_574 : vector<16xi32>
      %lt3A_576 = arith.cmpf olt, %gather3A_520, %select_n3A_243 : vector<16xf32>
      %jit3A_577 = arith.constant 1 : i32
      %jit3A_578 = arith.constant 0 : i32
      %broadcast_in_dim3A_579 = vector.broadcast %jit3A_577 : i32 to vector<16xi32>
      %broadcast_in_dim3A_580 = vector.broadcast %jit3A_578 : i32 to vector<16xi32>
      %select_n3A_581 = arith.select %lt3A_576, %broadcast_in_dim3A_579, %broadcast_in_dim3A_580 : vector<16xi1>, vector<16xi32>
      %add3A_582 = arith.addi %add3A_575, %select_n3A_581 : vector<16xi32>
      %le3A_583 = arith.cmpf ole, %gather3A_511, %select_n3A_257 : vector<16xf32>
      %jit3A_584 = arith.constant 1 : i32
      %jit3A_585 = arith.constant 0 : i32
      %broadcast_in_dim3A_586 = vector.broadcast %jit3A_584 : i32 to vector<16xi32>
      %broadcast_in_dim3A_587 = vector.broadcast %jit3A_585 : i32 to vector<16xi32>
      %select_n3A_588 = arith.select %le3A_583, %broadcast_in_dim3A_586, %broadcast_in_dim3A_587 : vector<16xi1>, vector<16xi32>
      %add3A_589 = arith.addi %add3A_477, %select_n3A_588 : vector<16xi32>
      %le3A_590 = arith.cmpf ole, %gather3A_514, %select_n3A_257 : vector<16xf32>
      %jit3A_591 = arith.constant 1 : i32
      %jit3A_592 = arith.constant 0 : i32
      %broadcast_in_dim3A_593 = vector.broadcast %jit3A_591 : i32 to vector<16xi32>
      %broadcast_in_dim3A_594 = vector.broadcast %jit3A_592 : i32 to vector<16xi32>
      %select_n3A_595 = arith.select %le3A_590, %broadcast_in_dim3A_593, %broadcast_in_dim3A_594 : vector<16xi1>, vector<16xi32>
      %add3A_596 = arith.addi %add3A_589, %select_n3A_595 : vector<16xi32>
      %lt3A_597 = arith.cmpf olt, %gather3A_517, %select_n3A_257 : vector<16xf32>
      %eq3A_598 = arith.cmpf oeq, %gather3A_517, %select_n3A_257 : vector<16xf32>
      %and3A_599 = arith.andi %eq3A_598, %lt3A_117 : vector<16xi1>
      %or3A_600 = arith.ori %lt3A_597, %and3A_599 : vector<16xi1>
      %jit3A_601 = arith.constant 1 : i32
      %jit3A_602 = arith.constant 0 : i32
      %broadcast_in_dim3A_603 = vector.broadcast %jit3A_601 : i32 to vector<16xi32>
      %broadcast_in_dim3A_604 = vector.broadcast %jit3A_602 : i32 to vector<16xi32>
      %select_n3A_605 = arith.select %or3A_600, %broadcast_in_dim3A_603, %broadcast_in_dim3A_604 : vector<16xi1>, vector<16xi32>
      %add3A_606 = arith.addi %add3A_596, %select_n3A_605 : vector<16xi32>
      %lt3A_607 = arith.cmpf olt, %gather3A_520, %select_n3A_257 : vector<16xf32>
      %jit3A_608 = arith.constant 1 : i32
      %jit3A_609 = arith.constant 0 : i32
      %broadcast_in_dim3A_610 = vector.broadcast %jit3A_608 : i32 to vector<16xi32>
      %broadcast_in_dim3A_611 = vector.broadcast %jit3A_609 : i32 to vector<16xi32>
      %select_n3A_612 = arith.select %lt3A_607, %broadcast_in_dim3A_610, %broadcast_in_dim3A_611 : vector<16xi1>, vector<16xi32>
      %add3A_613 = arith.addi %add3A_606, %select_n3A_612 : vector<16xi32>
      %le3A_614 = arith.cmpf ole, %gather3A_511, %select_n3A_271 : vector<16xf32>
      %jit3A_615 = arith.constant 1 : i32
      %jit3A_616 = arith.constant 0 : i32
      %broadcast_in_dim3A_617 = vector.broadcast %jit3A_615 : i32 to vector<16xi32>
      %broadcast_in_dim3A_618 = vector.broadcast %jit3A_616 : i32 to vector<16xi32>
      %select_n3A_619 = arith.select %le3A_614, %broadcast_in_dim3A_617, %broadcast_in_dim3A_618 : vector<16xi1>, vector<16xi32>
      %add3A_620 = arith.addi %add3A_508, %select_n3A_619 : vector<16xi32>
      %le3A_621 = arith.cmpf ole, %gather3A_514, %select_n3A_271 : vector<16xf32>
      %jit3A_622 = arith.constant 1 : i32
      %jit3A_623 = arith.constant 0 : i32
      %broadcast_in_dim3A_624 = vector.broadcast %jit3A_622 : i32 to vector<16xi32>
      %broadcast_in_dim3A_625 = vector.broadcast %jit3A_623 : i32 to vector<16xi32>
      %select_n3A_626 = arith.select %le3A_621, %broadcast_in_dim3A_624, %broadcast_in_dim3A_625 : vector<16xi1>, vector<16xi32>
      %add3A_627 = arith.addi %add3A_620, %select_n3A_626 : vector<16xi32>
      %le3A_628 = arith.cmpf ole, %gather3A_517, %select_n3A_271 : vector<16xf32>
      %jit3A_629 = arith.constant 1 : i32
      %jit3A_630 = arith.constant 0 : i32
      %broadcast_in_dim3A_631 = vector.broadcast %jit3A_629 : i32 to vector<16xi32>
      %broadcast_in_dim3A_632 = vector.broadcast %jit3A_630 : i32 to vector<16xi32>
      %select_n3A_633 = arith.select %le3A_628, %broadcast_in_dim3A_631, %broadcast_in_dim3A_632 : vector<16xi1>, vector<16xi32>
      %add3A_634 = arith.addi %add3A_627, %select_n3A_633 : vector<16xi32>
      %lt3A_635 = arith.cmpf olt, %gather3A_520, %select_n3A_271 : vector<16xf32>
      %eq3A_636 = arith.cmpf oeq, %gather3A_520, %select_n3A_271 : vector<16xf32>
      %and3A_637 = arith.andi %eq3A_636, %lt3A_117 : vector<16xi1>
      %or3A_638 = arith.ori %lt3A_635, %and3A_637 : vector<16xi1>
      %jit3A_639 = arith.constant 1 : i32
      %jit3A_640 = arith.constant 0 : i32
      %broadcast_in_dim3A_641 = vector.broadcast %jit3A_639 : i32 to vector<16xi32>
      %broadcast_in_dim3A_642 = vector.broadcast %jit3A_640 : i32 to vector<16xi32>
      %select_n3A_643 = arith.select %or3A_638, %broadcast_in_dim3A_641, %broadcast_in_dim3A_642 : vector<16xi1>, vector<16xi32>
      %add3A_644 = arith.addi %add3A_634, %select_n3A_643 : vector<16xi32>
      %broadcast_in_dim3A_645 = vector.shape_cast %and3A_25 : vector<16xi32> to vector<16x1xi32>
      %gather3A_646 = vector.shape_cast %broadcast_in_dim3A_645 : vector<16x1xi32> to vector<16xi32>
      %gather3A_647 = tpu.dynamic_gather %select_n3A[%gather3A_646] in [0] : vector<16xf32>, vector<16xi32> -> vector<16xf32>
      %broadcast_in_dim3A_648 = vector.shape_cast %and3A_25 : vector<16xi32> to vector<16x1xi32>
      %gather3A_649 = vector.shape_cast %broadcast_in_dim3A_648 : vector<16x1xi32> to vector<16xi32>
      %gather3A_650 = tpu.dynamic_gather %select_n3A_243[%gather3A_649] in [0] : vector<16xf32>, vector<16xi32> -> vector<16xf32>
      %broadcast_in_dim3A_651 = vector.shape_cast %and3A_25 : vector<16xi32> to vector<16x1xi32>
      %gather3A_652 = vector.shape_cast %broadcast_in_dim3A_651 : vector<16x1xi32> to vector<16xi32>
      %gather3A_653 = tpu.dynamic_gather %select_n3A_257[%gather3A_652] in [0] : vector<16xf32>, vector<16xi32> -> vector<16xf32>
      %broadcast_in_dim3A_654 = vector.shape_cast %and3A_25 : vector<16xi32> to vector<16x1xi32>
      %gather3A_655 = vector.shape_cast %broadcast_in_dim3A_654 : vector<16x1xi32> to vector<16xi32>
      %gather3A_656 = tpu.dynamic_gather %select_n3A_271[%gather3A_655] in [0] : vector<16xf32>, vector<16xi32> -> vector<16xf32>
      %lt3A_657 = arith.cmpf olt, %gather3A_647, %select_n3A : vector<16xf32>
      %eq3A_658 = arith.cmpf oeq, %gather3A_647, %select_n3A : vector<16xf32>
      %and3A_659 = arith.andi %eq3A_658, %lt3A_124 : vector<16xi1>
      %or3A_660 = arith.ori %lt3A_657, %and3A_659 : vector<16xi1>
      %jit3A_661 = arith.constant 1 : i32
      %jit3A_662 = arith.constant 0 : i32
      %broadcast_in_dim3A_663 = vector.broadcast %jit3A_661 : i32 to vector<16xi32>
      %broadcast_in_dim3A_664 = vector.broadcast %jit3A_662 : i32 to vector<16xi32>
      %select_n3A_665 = arith.select %or3A_660, %broadcast_in_dim3A_663, %broadcast_in_dim3A_664 : vector<16xi1>, vector<16xi32>
      %add3A_666 = arith.addi %add3A_551, %select_n3A_665 : vector<16xi32>
      %lt3A_667 = arith.cmpf olt, %gather3A_650, %select_n3A : vector<16xf32>
      %jit3A_668 = arith.constant 1 : i32
      %jit3A_669 = arith.constant 0 : i32
      %broadcast_in_dim3A_670 = vector.broadcast %jit3A_668 : i32 to vector<16xi32>
      %broadcast_in_dim3A_671 = vector.broadcast %jit3A_669 : i32 to vector<16xi32>
      %select_n3A_672 = arith.select %lt3A_667, %broadcast_in_dim3A_670, %broadcast_in_dim3A_671 : vector<16xi1>, vector<16xi32>
      %add3A_673 = arith.addi %add3A_666, %select_n3A_672 : vector<16xi32>
      %lt3A_674 = arith.cmpf olt, %gather3A_653, %select_n3A : vector<16xf32>
      %jit3A_675 = arith.constant 1 : i32
      %jit3A_676 = arith.constant 0 : i32
      %broadcast_in_dim3A_677 = vector.broadcast %jit3A_675 : i32 to vector<16xi32>
      %broadcast_in_dim3A_678 = vector.broadcast %jit3A_676 : i32 to vector<16xi32>
      %select_n3A_679 = arith.select %lt3A_674, %broadcast_in_dim3A_677, %broadcast_in_dim3A_678 : vector<16xi1>, vector<16xi32>
      %add3A_680 = arith.addi %add3A_673, %select_n3A_679 : vector<16xi32>
      %lt3A_681 = arith.cmpf olt, %gather3A_656, %select_n3A : vector<16xf32>
      %jit3A_682 = arith.constant 1 : i32
      %jit3A_683 = arith.constant 0 : i32
      %broadcast_in_dim3A_684 = vector.broadcast %jit3A_682 : i32 to vector<16xi32>
      %broadcast_in_dim3A_685 = vector.broadcast %jit3A_683 : i32 to vector<16xi32>
      %select_n3A_686 = arith.select %lt3A_681, %broadcast_in_dim3A_684, %broadcast_in_dim3A_685 : vector<16xi1>, vector<16xi32>
      %add3A_687 = arith.addi %add3A_680, %select_n3A_686 : vector<16xi32>
      %le3A_688 = arith.cmpf ole, %gather3A_647, %select_n3A_243 : vector<16xf32>
      %jit3A_689 = arith.constant 1 : i32
      %jit3A_690 = arith.constant 0 : i32
      %broadcast_in_dim3A_691 = vector.broadcast %jit3A_689 : i32 to vector<16xi32>
      %broadcast_in_dim3A_692 = vector.broadcast %jit3A_690 : i32 to vector<16xi32>
      %select_n3A_693 = arith.select %le3A_688, %broadcast_in_dim3A_691, %broadcast_in_dim3A_692 : vector<16xi1>, vector<16xi32>
      %add3A_694 = arith.addi %add3A_582, %select_n3A_693 : vector<16xi32>
      %lt3A_695 = arith.cmpf olt, %gather3A_650, %select_n3A_243 : vector<16xf32>
      %eq3A_696 = arith.cmpf oeq, %gather3A_650, %select_n3A_243 : vector<16xf32>
      %and3A_697 = arith.andi %eq3A_696, %lt3A_124 : vector<16xi1>
      %or3A_698 = arith.ori %lt3A_695, %and3A_697 : vector<16xi1>
      %jit3A_699 = arith.constant 1 : i32
      %jit3A_700 = arith.constant 0 : i32
      %broadcast_in_dim3A_701 = vector.broadcast %jit3A_699 : i32 to vector<16xi32>
      %broadcast_in_dim3A_702 = vector.broadcast %jit3A_700 : i32 to vector<16xi32>
      %select_n3A_703 = arith.select %or3A_698, %broadcast_in_dim3A_701, %broadcast_in_dim3A_702 : vector<16xi1>, vector<16xi32>
      %add3A_704 = arith.addi %add3A_694, %select_n3A_703 : vector<16xi32>
      %lt3A_705 = arith.cmpf olt, %gather3A_653, %select_n3A_243 : vector<16xf32>
      %jit3A_706 = arith.constant 1 : i32
      %jit3A_707 = arith.constant 0 : i32
      %broadcast_in_dim3A_708 = vector.broadcast %jit3A_706 : i32 to vector<16xi32>
      %broadcast_in_dim3A_709 = vector.broadcast %jit3A_707 : i32 to vector<16xi32>
      %select_n3A_710 = arith.select %lt3A_705, %broadcast_in_dim3A_708, %broadcast_in_dim3A_709 : vector<16xi1>, vector<16xi32>
      %add3A_711 = arith.addi %add3A_704, %select_n3A_710 : vector<16xi32>
      %lt3A_712 = arith.cmpf olt, %gather3A_656, %select_n3A_243 : vector<16xf32>
      %jit3A_713 = arith.constant 1 : i32
      %jit3A_714 = arith.constant 0 : i32
      %broadcast_in_dim3A_715 = vector.broadcast %jit3A_713 : i32 to vector<16xi32>
      %broadcast_in_dim3A_716 = vector.broadcast %jit3A_714 : i32 to vector<16xi32>
      %select_n3A_717 = arith.select %lt3A_712, %broadcast_in_dim3A_715, %broadcast_in_dim3A_716 : vector<16xi1>, vector<16xi32>
      %add3A_718 = arith.addi %add3A_711, %select_n3A_717 : vector<16xi32>
      %le3A_719 = arith.cmpf ole, %gather3A_647, %select_n3A_257 : vector<16xf32>
      %jit3A_720 = arith.constant 1 : i32
      %jit3A_721 = arith.constant 0 : i32
      %broadcast_in_dim3A_722 = vector.broadcast %jit3A_720 : i32 to vector<16xi32>
      %broadcast_in_dim3A_723 = vector.broadcast %jit3A_721 : i32 to vector<16xi32>
      %select_n3A_724 = arith.select %le3A_719, %broadcast_in_dim3A_722, %broadcast_in_dim3A_723 : vector<16xi1>, vector<16xi32>
      %add3A_725 = arith.addi %add3A_613, %select_n3A_724 : vector<16xi32>
      %le3A_726 = arith.cmpf ole, %gather3A_650, %select_n3A_257 : vector<16xf32>
      %jit3A_727 = arith.constant 1 : i32
      %jit3A_728 = arith.constant 0 : i32
      %broadcast_in_dim3A_729 = vector.broadcast %jit3A_727 : i32 to vector<16xi32>
      %broadcast_in_dim3A_730 = vector.broadcast %jit3A_728 : i32 to vector<16xi32>
      %select_n3A_731 = arith.select %le3A_726, %broadcast_in_dim3A_729, %broadcast_in_dim3A_730 : vector<16xi1>, vector<16xi32>
      %add3A_732 = arith.addi %add3A_725, %select_n3A_731 : vector<16xi32>
      %lt3A_733 = arith.cmpf olt, %gather3A_653, %select_n3A_257 : vector<16xf32>
      %eq3A_734 = arith.cmpf oeq, %gather3A_653, %select_n3A_257 : vector<16xf32>
      %and3A_735 = arith.andi %eq3A_734, %lt3A_124 : vector<16xi1>
      %or3A_736 = arith.ori %lt3A_733, %and3A_735 : vector<16xi1>
      %jit3A_737 = arith.constant 1 : i32
      %jit3A_738 = arith.constant 0 : i32
      %broadcast_in_dim3A_739 = vector.broadcast %jit3A_737 : i32 to vector<16xi32>
      %broadcast_in_dim3A_740 = vector.broadcast %jit3A_738 : i32 to vector<16xi32>
      %select_n3A_741 = arith.select %or3A_736, %broadcast_in_dim3A_739, %broadcast_in_dim3A_740 : vector<16xi1>, vector<16xi32>
      %add3A_742 = arith.addi %add3A_732, %select_n3A_741 : vector<16xi32>
      %lt3A_743 = arith.cmpf olt, %gather3A_656, %select_n3A_257 : vector<16xf32>
      %jit3A_744 = arith.constant 1 : i32
      %jit3A_745 = arith.constant 0 : i32
      %broadcast_in_dim3A_746 = vector.broadcast %jit3A_744 : i32 to vector<16xi32>
      %broadcast_in_dim3A_747 = vector.broadcast %jit3A_745 : i32 to vector<16xi32>
      %select_n3A_748 = arith.select %lt3A_743, %broadcast_in_dim3A_746, %broadcast_in_dim3A_747 : vector<16xi1>, vector<16xi32>
      %add3A_749 = arith.addi %add3A_742, %select_n3A_748 : vector<16xi32>
      %le3A_750 = arith.cmpf ole, %gather3A_647, %select_n3A_271 : vector<16xf32>
      %jit3A_751 = arith.constant 1 : i32
      %jit3A_752 = arith.constant 0 : i32
      %broadcast_in_dim3A_753 = vector.broadcast %jit3A_751 : i32 to vector<16xi32>
      %broadcast_in_dim3A_754 = vector.broadcast %jit3A_752 : i32 to vector<16xi32>
      %select_n3A_755 = arith.select %le3A_750, %broadcast_in_dim3A_753, %broadcast_in_dim3A_754 : vector<16xi1>, vector<16xi32>
      %add3A_756 = arith.addi %add3A_644, %select_n3A_755 : vector<16xi32>
      %le3A_757 = arith.cmpf ole, %gather3A_650, %select_n3A_271 : vector<16xf32>
      %jit3A_758 = arith.constant 1 : i32
      %jit3A_759 = arith.constant 0 : i32
      %broadcast_in_dim3A_760 = vector.broadcast %jit3A_758 : i32 to vector<16xi32>
      %broadcast_in_dim3A_761 = vector.broadcast %jit3A_759 : i32 to vector<16xi32>
      %select_n3A_762 = arith.select %le3A_757, %broadcast_in_dim3A_760, %broadcast_in_dim3A_761 : vector<16xi1>, vector<16xi32>
      %add3A_763 = arith.addi %add3A_756, %select_n3A_762 : vector<16xi32>
      %le3A_764 = arith.cmpf ole, %gather3A_653, %select_n3A_271 : vector<16xf32>
      %jit3A_765 = arith.constant 1 : i32
      %jit3A_766 = arith.constant 0 : i32
      %broadcast_in_dim3A_767 = vector.broadcast %jit3A_765 : i32 to vector<16xi32>
      %broadcast_in_dim3A_768 = vector.broadcast %jit3A_766 : i32 to vector<16xi32>
      %select_n3A_769 = arith.select %le3A_764, %broadcast_in_dim3A_767, %broadcast_in_dim3A_768 : vector<16xi1>, vector<16xi32>
      %add3A_770 = arith.addi %add3A_763, %select_n3A_769 : vector<16xi32>
      %lt3A_771 = arith.cmpf olt, %gather3A_656, %select_n3A_271 : vector<16xf32>
      %eq3A_772 = arith.cmpf oeq, %gather3A_656, %select_n3A_271 : vector<16xf32>
      %and3A_773 = arith.andi %eq3A_772, %lt3A_124 : vector<16xi1>
      %or3A_774 = arith.ori %lt3A_771, %and3A_773 : vector<16xi1>
      %jit3A_775 = arith.constant 1 : i32
      %jit3A_776 = arith.constant 0 : i32
      %broadcast_in_dim3A_777 = vector.broadcast %jit3A_775 : i32 to vector<16xi32>
      %broadcast_in_dim3A_778 = vector.broadcast %jit3A_776 : i32 to vector<16xi32>
      %select_n3A_779 = arith.select %or3A_774, %broadcast_in_dim3A_777, %broadcast_in_dim3A_778 : vector<16xi1>, vector<16xi32>
      %add3A_780 = arith.addi %add3A_770, %select_n3A_779 : vector<16xi32>
      %broadcast_in_dim3A_781 = vector.shape_cast %and3A_31 : vector<16xi32> to vector<16x1xi32>
      %gather3A_782 = vector.shape_cast %broadcast_in_dim3A_781 : vector<16x1xi32> to vector<16xi32>
      %gather3A_783 = tpu.dynamic_gather %select_n3A[%gather3A_782] in [0] : vector<16xf32>, vector<16xi32> -> vector<16xf32>
      %broadcast_in_dim3A_784 = vector.shape_cast %and3A_31 : vector<16xi32> to vector<16x1xi32>
      %gather3A_785 = vector.shape_cast %broadcast_in_dim3A_784 : vector<16x1xi32> to vector<16xi32>
      %gather3A_786 = tpu.dynamic_gather %select_n3A_243[%gather3A_785] in [0] : vector<16xf32>, vector<16xi32> -> vector<16xf32>
      %broadcast_in_dim3A_787 = vector.shape_cast %and3A_31 : vector<16xi32> to vector<16x1xi32>
      %gather3A_788 = vector.shape_cast %broadcast_in_dim3A_787 : vector<16x1xi32> to vector<16xi32>
      %gather3A_789 = tpu.dynamic_gather %select_n3A_257[%gather3A_788] in [0] : vector<16xf32>, vector<16xi32> -> vector<16xf32>
      %broadcast_in_dim3A_790 = vector.shape_cast %and3A_31 : vector<16xi32> to vector<16x1xi32>
      %gather3A_791 = vector.shape_cast %broadcast_in_dim3A_790 : vector<16x1xi32> to vector<16xi32>
      %gather3A_792 = tpu.dynamic_gather %select_n3A_271[%gather3A_791] in [0] : vector<16xf32>, vector<16xi32> -> vector<16xf32>
      %lt3A_793 = arith.cmpf olt, %gather3A_783, %select_n3A : vector<16xf32>
      %eq3A_794 = arith.cmpf oeq, %gather3A_783, %select_n3A : vector<16xf32>
      %and3A_795 = arith.andi %eq3A_794, %lt3A_131 : vector<16xi1>
      %or3A_796 = arith.ori %lt3A_793, %and3A_795 : vector<16xi1>
      %jit3A_797 = arith.constant 1 : i32
      %jit3A_798 = arith.constant 0 : i32
      %broadcast_in_dim3A_799 = vector.broadcast %jit3A_797 : i32 to vector<16xi32>
      %broadcast_in_dim3A_800 = vector.broadcast %jit3A_798 : i32 to vector<16xi32>
      %select_n3A_801 = arith.select %or3A_796, %broadcast_in_dim3A_799, %broadcast_in_dim3A_800 : vector<16xi1>, vector<16xi32>
      %add3A_802 = arith.addi %add3A_687, %select_n3A_801 : vector<16xi32>
      %lt3A_803 = arith.cmpf olt, %gather3A_786, %select_n3A : vector<16xf32>
      %jit3A_804 = arith.constant 1 : i32
      %jit3A_805 = arith.constant 0 : i32
      %broadcast_in_dim3A_806 = vector.broadcast %jit3A_804 : i32 to vector<16xi32>
      %broadcast_in_dim3A_807 = vector.broadcast %jit3A_805 : i32 to vector<16xi32>
      %select_n3A_808 = arith.select %lt3A_803, %broadcast_in_dim3A_806, %broadcast_in_dim3A_807 : vector<16xi1>, vector<16xi32>
      %add3A_809 = arith.addi %add3A_802, %select_n3A_808 : vector<16xi32>
      %lt3A_810 = arith.cmpf olt, %gather3A_789, %select_n3A : vector<16xf32>
      %jit3A_811 = arith.constant 1 : i32
      %jit3A_812 = arith.constant 0 : i32
      %broadcast_in_dim3A_813 = vector.broadcast %jit3A_811 : i32 to vector<16xi32>
      %broadcast_in_dim3A_814 = vector.broadcast %jit3A_812 : i32 to vector<16xi32>
      %select_n3A_815 = arith.select %lt3A_810, %broadcast_in_dim3A_813, %broadcast_in_dim3A_814 : vector<16xi1>, vector<16xi32>
      %add3A_816 = arith.addi %add3A_809, %select_n3A_815 : vector<16xi32>
      %lt3A_817 = arith.cmpf olt, %gather3A_792, %select_n3A : vector<16xf32>
      %jit3A_818 = arith.constant 1 : i32
      %jit3A_819 = arith.constant 0 : i32
      %broadcast_in_dim3A_820 = vector.broadcast %jit3A_818 : i32 to vector<16xi32>
      %broadcast_in_dim3A_821 = vector.broadcast %jit3A_819 : i32 to vector<16xi32>
      %select_n3A_822 = arith.select %lt3A_817, %broadcast_in_dim3A_820, %broadcast_in_dim3A_821 : vector<16xi1>, vector<16xi32>
      %add3A_823 = arith.addi %add3A_816, %select_n3A_822 : vector<16xi32>
      %le3A_824 = arith.cmpf ole, %gather3A_783, %select_n3A_243 : vector<16xf32>
      %jit3A_825 = arith.constant 1 : i32
      %jit3A_826 = arith.constant 0 : i32
      %broadcast_in_dim3A_827 = vector.broadcast %jit3A_825 : i32 to vector<16xi32>
      %broadcast_in_dim3A_828 = vector.broadcast %jit3A_826 : i32 to vector<16xi32>
      %select_n3A_829 = arith.select %le3A_824, %broadcast_in_dim3A_827, %broadcast_in_dim3A_828 : vector<16xi1>, vector<16xi32>
      %add3A_830 = arith.addi %add3A_718, %select_n3A_829 : vector<16xi32>
      %lt3A_831 = arith.cmpf olt, %gather3A_786, %select_n3A_243 : vector<16xf32>
      %eq3A_832 = arith.cmpf oeq, %gather3A_786, %select_n3A_243 : vector<16xf32>
      %and3A_833 = arith.andi %eq3A_832, %lt3A_131 : vector<16xi1>
      %or3A_834 = arith.ori %lt3A_831, %and3A_833 : vector<16xi1>
      %jit3A_835 = arith.constant 1 : i32
      %jit3A_836 = arith.constant 0 : i32
      %broadcast_in_dim3A_837 = vector.broadcast %jit3A_835 : i32 to vector<16xi32>
      %broadcast_in_dim3A_838 = vector.broadcast %jit3A_836 : i32 to vector<16xi32>
      %select_n3A_839 = arith.select %or3A_834, %broadcast_in_dim3A_837, %broadcast_in_dim3A_838 : vector<16xi1>, vector<16xi32>
      %add3A_840 = arith.addi %add3A_830, %select_n3A_839 : vector<16xi32>
      %lt3A_841 = arith.cmpf olt, %gather3A_789, %select_n3A_243 : vector<16xf32>
      %jit3A_842 = arith.constant 1 : i32
      %jit3A_843 = arith.constant 0 : i32
      %broadcast_in_dim3A_844 = vector.broadcast %jit3A_842 : i32 to vector<16xi32>
      %broadcast_in_dim3A_845 = vector.broadcast %jit3A_843 : i32 to vector<16xi32>
      %select_n3A_846 = arith.select %lt3A_841, %broadcast_in_dim3A_844, %broadcast_in_dim3A_845 : vector<16xi1>, vector<16xi32>
      %add3A_847 = arith.addi %add3A_840, %select_n3A_846 : vector<16xi32>
      %lt3A_848 = arith.cmpf olt, %gather3A_792, %select_n3A_243 : vector<16xf32>
      %jit3A_849 = arith.constant 1 : i32
      %jit3A_850 = arith.constant 0 : i32
      %broadcast_in_dim3A_851 = vector.broadcast %jit3A_849 : i32 to vector<16xi32>
      %broadcast_in_dim3A_852 = vector.broadcast %jit3A_850 : i32 to vector<16xi32>
      %select_n3A_853 = arith.select %lt3A_848, %broadcast_in_dim3A_851, %broadcast_in_dim3A_852 : vector<16xi1>, vector<16xi32>
      %add3A_854 = arith.addi %add3A_847, %select_n3A_853 : vector<16xi32>
      %le3A_855 = arith.cmpf ole, %gather3A_783, %select_n3A_257 : vector<16xf32>
      %jit3A_856 = arith.constant 1 : i32
      %jit3A_857 = arith.constant 0 : i32
      %broadcast_in_dim3A_858 = vector.broadcast %jit3A_856 : i32 to vector<16xi32>
      %broadcast_in_dim3A_859 = vector.broadcast %jit3A_857 : i32 to vector<16xi32>
      %select_n3A_860 = arith.select %le3A_855, %broadcast_in_dim3A_858, %broadcast_in_dim3A_859 : vector<16xi1>, vector<16xi32>
      %add3A_861 = arith.addi %add3A_749, %select_n3A_860 : vector<16xi32>
      %le3A_862 = arith.cmpf ole, %gather3A_786, %select_n3A_257 : vector<16xf32>
      %jit3A_863 = arith.constant 1 : i32
      %jit3A_864 = arith.constant 0 : i32
      %broadcast_in_dim3A_865 = vector.broadcast %jit3A_863 : i32 to vector<16xi32>
      %broadcast_in_dim3A_866 = vector.broadcast %jit3A_864 : i32 to vector<16xi32>
      %select_n3A_867 = arith.select %le3A_862, %broadcast_in_dim3A_865, %broadcast_in_dim3A_866 : vector<16xi1>, vector<16xi32>
      %add3A_868 = arith.addi %add3A_861, %select_n3A_867 : vector<16xi32>
      %lt3A_869 = arith.cmpf olt, %gather3A_789, %select_n3A_257 : vector<16xf32>
      %eq3A_870 = arith.cmpf oeq, %gather3A_789, %select_n3A_257 : vector<16xf32>
      %and3A_871 = arith.andi %eq3A_870, %lt3A_131 : vector<16xi1>
      %or3A_872 = arith.ori %lt3A_869, %and3A_871 : vector<16xi1>
      %jit3A_873 = arith.constant 1 : i32
      %jit3A_874 = arith.constant 0 : i32
      %broadcast_in_dim3A_875 = vector.broadcast %jit3A_873 : i32 to vector<16xi32>
      %broadcast_in_dim3A_876 = vector.broadcast %jit3A_874 : i32 to vector<16xi32>
      %select_n3A_877 = arith.select %or3A_872, %broadcast_in_dim3A_875, %broadcast_in_dim3A_876 : vector<16xi1>, vector<16xi32>
      %add3A_878 = arith.addi %add3A_868, %select_n3A_877 : vector<16xi32>
      %lt3A_879 = arith.cmpf olt, %gather3A_792, %select_n3A_257 : vector<16xf32>
      %jit3A_880 = arith.constant 1 : i32
      %jit3A_881 = arith.constant 0 : i32
      %broadcast_in_dim3A_882 = vector.broadcast %jit3A_880 : i32 to vector<16xi32>
      %broadcast_in_dim3A_883 = vector.broadcast %jit3A_881 : i32 to vector<16xi32>
      %select_n3A_884 = arith.select %lt3A_879, %broadcast_in_dim3A_882, %broadcast_in_dim3A_883 : vector<16xi1>, vector<16xi32>
      %add3A_885 = arith.addi %add3A_878, %select_n3A_884 : vector<16xi32>
      %le3A_886 = arith.cmpf ole, %gather3A_783, %select_n3A_271 : vector<16xf32>
      %jit3A_887 = arith.constant 1 : i32
      %jit3A_888 = arith.constant 0 : i32
      %broadcast_in_dim3A_889 = vector.broadcast %jit3A_887 : i32 to vector<16xi32>
      %broadcast_in_dim3A_890 = vector.broadcast %jit3A_888 : i32 to vector<16xi32>
      %select_n3A_891 = arith.select %le3A_886, %broadcast_in_dim3A_889, %broadcast_in_dim3A_890 : vector<16xi1>, vector<16xi32>
      %add3A_892 = arith.addi %add3A_780, %select_n3A_891 : vector<16xi32>
      %le3A_893 = arith.cmpf ole, %gather3A_786, %select_n3A_271 : vector<16xf32>
      %jit3A_894 = arith.constant 1 : i32
      %jit3A_895 = arith.constant 0 : i32
      %broadcast_in_dim3A_896 = vector.broadcast %jit3A_894 : i32 to vector<16xi32>
      %broadcast_in_dim3A_897 = vector.broadcast %jit3A_895 : i32 to vector<16xi32>
      %select_n3A_898 = arith.select %le3A_893, %broadcast_in_dim3A_896, %broadcast_in_dim3A_897 : vector<16xi1>, vector<16xi32>
      %add3A_899 = arith.addi %add3A_892, %select_n3A_898 : vector<16xi32>
      %le3A_900 = arith.cmpf ole, %gather3A_789, %select_n3A_271 : vector<16xf32>
      %jit3A_901 = arith.constant 1 : i32
      %jit3A_902 = arith.constant 0 : i32
      %broadcast_in_dim3A_903 = vector.broadcast %jit3A_901 : i32 to vector<16xi32>
      %broadcast_in_dim3A_904 = vector.broadcast %jit3A_902 : i32 to vector<16xi32>
      %select_n3A_905 = arith.select %le3A_900, %broadcast_in_dim3A_903, %broadcast_in_dim3A_904 : vector<16xi1>, vector<16xi32>
      %add3A_906 = arith.addi %add3A_899, %select_n3A_905 : vector<16xi32>
      %lt3A_907 = arith.cmpf olt, %gather3A_792, %select_n3A_271 : vector<16xf32>
      %eq3A_908 = arith.cmpf oeq, %gather3A_792, %select_n3A_271 : vector<16xf32>
      %and3A_909 = arith.andi %eq3A_908, %lt3A_131 : vector<16xi1>
      %or3A_910 = arith.ori %lt3A_907, %and3A_909 : vector<16xi1>
      %jit3A_911 = arith.constant 1 : i32
      %jit3A_912 = arith.constant 0 : i32
      %broadcast_in_dim3A_913 = vector.broadcast %jit3A_911 : i32 to vector<16xi32>
      %broadcast_in_dim3A_914 = vector.broadcast %jit3A_912 : i32 to vector<16xi32>
      %select_n3A_915 = arith.select %or3A_910, %broadcast_in_dim3A_913, %broadcast_in_dim3A_914 : vector<16xi1>, vector<16xi32>
      %add3A_916 = arith.addi %add3A_906, %select_n3A_915 : vector<16xi32>
      %broadcast_in_dim3A_917 = vector.shape_cast %and3A_37 : vector<16xi32> to vector<16x1xi32>
      %gather3A_918 = vector.shape_cast %broadcast_in_dim3A_917 : vector<16x1xi32> to vector<16xi32>
      %gather3A_919 = tpu.dynamic_gather %select_n3A[%gather3A_918] in [0] : vector<16xf32>, vector<16xi32> -> vector<16xf32>
      %broadcast_in_dim3A_920 = vector.shape_cast %and3A_37 : vector<16xi32> to vector<16x1xi32>
      %gather3A_921 = vector.shape_cast %broadcast_in_dim3A_920 : vector<16x1xi32> to vector<16xi32>
      %gather3A_922 = tpu.dynamic_gather %select_n3A_243[%gather3A_921] in [0] : vector<16xf32>, vector<16xi32> -> vector<16xf32>
      %broadcast_in_dim3A_923 = vector.shape_cast %and3A_37 : vector<16xi32> to vector<16x1xi32>
      %gather3A_924 = vector.shape_cast %broadcast_in_dim3A_923 : vector<16x1xi32> to vector<16xi32>
      %gather3A_925 = tpu.dynamic_gather %select_n3A_257[%gather3A_924] in [0] : vector<16xf32>, vector<16xi32> -> vector<16xf32>
      %broadcast_in_dim3A_926 = vector.shape_cast %and3A_37 : vector<16xi32> to vector<16x1xi32>
      %gather3A_927 = vector.shape_cast %broadcast_in_dim3A_926 : vector<16x1xi32> to vector<16xi32>
      %gather3A_928 = tpu.dynamic_gather %select_n3A_271[%gather3A_927] in [0] : vector<16xf32>, vector<16xi32> -> vector<16xf32>
      %lt3A_929 = arith.cmpf olt, %gather3A_919, %select_n3A : vector<16xf32>
      %eq3A_930 = arith.cmpf oeq, %gather3A_919, %select_n3A : vector<16xf32>
      %and3A_931 = arith.andi %eq3A_930, %lt3A_138 : vector<16xi1>
      %or3A_932 = arith.ori %lt3A_929, %and3A_931 : vector<16xi1>
      %jit3A_933 = arith.constant 1 : i32
      %jit3A_934 = arith.constant 0 : i32
      %broadcast_in_dim3A_935 = vector.broadcast %jit3A_933 : i32 to vector<16xi32>
      %broadcast_in_dim3A_936 = vector.broadcast %jit3A_934 : i32 to vector<16xi32>
      %select_n3A_937 = arith.select %or3A_932, %broadcast_in_dim3A_935, %broadcast_in_dim3A_936 : vector<16xi1>, vector<16xi32>
      %add3A_938 = arith.addi %add3A_823, %select_n3A_937 : vector<16xi32>
      %lt3A_939 = arith.cmpf olt, %gather3A_922, %select_n3A : vector<16xf32>
      %jit3A_940 = arith.constant 1 : i32
      %jit3A_941 = arith.constant 0 : i32
      %broadcast_in_dim3A_942 = vector.broadcast %jit3A_940 : i32 to vector<16xi32>
      %broadcast_in_dim3A_943 = vector.broadcast %jit3A_941 : i32 to vector<16xi32>
      %select_n3A_944 = arith.select %lt3A_939, %broadcast_in_dim3A_942, %broadcast_in_dim3A_943 : vector<16xi1>, vector<16xi32>
      %add3A_945 = arith.addi %add3A_938, %select_n3A_944 : vector<16xi32>
      %lt3A_946 = arith.cmpf olt, %gather3A_925, %select_n3A : vector<16xf32>
      %jit3A_947 = arith.constant 1 : i32
      %jit3A_948 = arith.constant 0 : i32
      %broadcast_in_dim3A_949 = vector.broadcast %jit3A_947 : i32 to vector<16xi32>
      %broadcast_in_dim3A_950 = vector.broadcast %jit3A_948 : i32 to vector<16xi32>
      %select_n3A_951 = arith.select %lt3A_946, %broadcast_in_dim3A_949, %broadcast_in_dim3A_950 : vector<16xi1>, vector<16xi32>
      %add3A_952 = arith.addi %add3A_945, %select_n3A_951 : vector<16xi32>
      %lt3A_953 = arith.cmpf olt, %gather3A_928, %select_n3A : vector<16xf32>
      %jit3A_954 = arith.constant 1 : i32
      %jit3A_955 = arith.constant 0 : i32
      %broadcast_in_dim3A_956 = vector.broadcast %jit3A_954 : i32 to vector<16xi32>
      %broadcast_in_dim3A_957 = vector.broadcast %jit3A_955 : i32 to vector<16xi32>
      %select_n3A_958 = arith.select %lt3A_953, %broadcast_in_dim3A_956, %broadcast_in_dim3A_957 : vector<16xi1>, vector<16xi32>
      %add3A_959 = arith.addi %add3A_952, %select_n3A_958 : vector<16xi32>
      %le3A_960 = arith.cmpf ole, %gather3A_919, %select_n3A_243 : vector<16xf32>
      %jit3A_961 = arith.constant 1 : i32
      %jit3A_962 = arith.constant 0 : i32
      %broadcast_in_dim3A_963 = vector.broadcast %jit3A_961 : i32 to vector<16xi32>
      %broadcast_in_dim3A_964 = vector.broadcast %jit3A_962 : i32 to vector<16xi32>
      %select_n3A_965 = arith.select %le3A_960, %broadcast_in_dim3A_963, %broadcast_in_dim3A_964 : vector<16xi1>, vector<16xi32>
      %add3A_966 = arith.addi %add3A_854, %select_n3A_965 : vector<16xi32>
      %lt3A_967 = arith.cmpf olt, %gather3A_922, %select_n3A_243 : vector<16xf32>
      %eq3A_968 = arith.cmpf oeq, %gather3A_922, %select_n3A_243 : vector<16xf32>
      %and3A_969 = arith.andi %eq3A_968, %lt3A_138 : vector<16xi1>
      %or3A_970 = arith.ori %lt3A_967, %and3A_969 : vector<16xi1>
      %jit3A_971 = arith.constant 1 : i32
      %jit3A_972 = arith.constant 0 : i32
      %broadcast_in_dim3A_973 = vector.broadcast %jit3A_971 : i32 to vector<16xi32>
      %broadcast_in_dim3A_974 = vector.broadcast %jit3A_972 : i32 to vector<16xi32>
      %select_n3A_975 = arith.select %or3A_970, %broadcast_in_dim3A_973, %broadcast_in_dim3A_974 : vector<16xi1>, vector<16xi32>
      %add3A_976 = arith.addi %add3A_966, %select_n3A_975 : vector<16xi32>
      %lt3A_977 = arith.cmpf olt, %gather3A_925, %select_n3A_243 : vector<16xf32>
      %jit3A_978 = arith.constant 1 : i32
      %jit3A_979 = arith.constant 0 : i32
      %broadcast_in_dim3A_980 = vector.broadcast %jit3A_978 : i32 to vector<16xi32>
      %broadcast_in_dim3A_981 = vector.broadcast %jit3A_979 : i32 to vector<16xi32>
      %select_n3A_982 = arith.select %lt3A_977, %broadcast_in_dim3A_980, %broadcast_in_dim3A_981 : vector<16xi1>, vector<16xi32>
      %add3A_983 = arith.addi %add3A_976, %select_n3A_982 : vector<16xi32>
      %lt3A_984 = arith.cmpf olt, %gather3A_928, %select_n3A_243 : vector<16xf32>
      %jit3A_985 = arith.constant 1 : i32
      %jit3A_986 = arith.constant 0 : i32
      %broadcast_in_dim3A_987 = vector.broadcast %jit3A_985 : i32 to vector<16xi32>
      %broadcast_in_dim3A_988 = vector.broadcast %jit3A_986 : i32 to vector<16xi32>
      %select_n3A_989 = arith.select %lt3A_984, %broadcast_in_dim3A_987, %broadcast_in_dim3A_988 : vector<16xi1>, vector<16xi32>
      %add3A_990 = arith.addi %add3A_983, %select_n3A_989 : vector<16xi32>
      %le3A_991 = arith.cmpf ole, %gather3A_919, %select_n3A_257 : vector<16xf32>
      %jit3A_992 = arith.constant 1 : i32
      %jit3A_993 = arith.constant 0 : i32
      %broadcast_in_dim3A_994 = vector.broadcast %jit3A_992 : i32 to vector<16xi32>
      %broadcast_in_dim3A_995 = vector.broadcast %jit3A_993 : i32 to vector<16xi32>
      %select_n3A_996 = arith.select %le3A_991, %broadcast_in_dim3A_994, %broadcast_in_dim3A_995 : vector<16xi1>, vector<16xi32>
      %add3A_997 = arith.addi %add3A_885, %select_n3A_996 : vector<16xi32>
      %le3A_998 = arith.cmpf ole, %gather3A_922, %select_n3A_257 : vector<16xf32>
      %jit3A_999 = arith.constant 1 : i32
      %jit3A_1000 = arith.constant 0 : i32
      %broadcast_in_dim3A_1001 = vector.broadcast %jit3A_999 : i32 to vector<16xi32>
      %broadcast_in_dim3A_1002 = vector.broadcast %jit3A_1000 : i32 to vector<16xi32>
      %select_n3A_1003 = arith.select %le3A_998, %broadcast_in_dim3A_1001, %broadcast_in_dim3A_1002 : vector<16xi1>, vector<16xi32>
      %add3A_1004 = arith.addi %add3A_997, %select_n3A_1003 : vector<16xi32>
      %lt3A_1005 = arith.cmpf olt, %gather3A_925, %select_n3A_257 : vector<16xf32>
      %eq3A_1006 = arith.cmpf oeq, %gather3A_925, %select_n3A_257 : vector<16xf32>
      %and3A_1007 = arith.andi %eq3A_1006, %lt3A_138 : vector<16xi1>
      %or3A_1008 = arith.ori %lt3A_1005, %and3A_1007 : vector<16xi1>
      %jit3A_1009 = arith.constant 1 : i32
      %jit3A_1010 = arith.constant 0 : i32
      %broadcast_in_dim3A_1011 = vector.broadcast %jit3A_1009 : i32 to vector<16xi32>
      %broadcast_in_dim3A_1012 = vector.broadcast %jit3A_1010 : i32 to vector<16xi32>
      %select_n3A_1013 = arith.select %or3A_1008, %broadcast_in_dim3A_1011, %broadcast_in_dim3A_1012 : vector<16xi1>, vector<16xi32>
      %add3A_1014 = arith.addi %add3A_1004, %select_n3A_1013 : vector<16xi32>
      %lt3A_1015 = arith.cmpf olt, %gather3A_928, %select_n3A_257 : vector<16xf32>
      %jit3A_1016 = arith.constant 1 : i32
      %jit3A_1017 = arith.constant 0 : i32
      %broadcast_in_dim3A_1018 = vector.broadcast %jit3A_1016 : i32 to vector<16xi32>
      %broadcast_in_dim3A_1019 = vector.broadcast %jit3A_1017 : i32 to vector<16xi32>
      %select_n3A_1020 = arith.select %lt3A_1015, %broadcast_in_dim3A_1018, %broadcast_in_dim3A_1019 : vector<16xi1>, vector<16xi32>
      %add3A_1021 = arith.addi %add3A_1014, %select_n3A_1020 : vector<16xi32>
      %le3A_1022 = arith.cmpf ole, %gather3A_919, %select_n3A_271 : vector<16xf32>
      %jit3A_1023 = arith.constant 1 : i32
      %jit3A_1024 = arith.constant 0 : i32
      %broadcast_in_dim3A_1025 = vector.broadcast %jit3A_1023 : i32 to vector<16xi32>
      %broadcast_in_dim3A_1026 = vector.broadcast %jit3A_1024 : i32 to vector<16xi32>
      %select_n3A_1027 = arith.select %le3A_1022, %broadcast_in_dim3A_1025, %broadcast_in_dim3A_1026 : vector<16xi1>, vector<16xi32>
      %add3A_1028 = arith.addi %add3A_916, %select_n3A_1027 : vector<16xi32>
      %le3A_1029 = arith.cmpf ole, %gather3A_922, %select_n3A_271 : vector<16xf32>
      %jit3A_1030 = arith.constant 1 : i32
      %jit3A_1031 = arith.constant 0 : i32
      %broadcast_in_dim3A_1032 = vector.broadcast %jit3A_1030 : i32 to vector<16xi32>
      %broadcast_in_dim3A_1033 = vector.broadcast %jit3A_1031 : i32 to vector<16xi32>
      %select_n3A_1034 = arith.select %le3A_1029, %broadcast_in_dim3A_1032, %broadcast_in_dim3A_1033 : vector<16xi1>, vector<16xi32>
      %add3A_1035 = arith.addi %add3A_1028, %select_n3A_1034 : vector<16xi32>
      %le3A_1036 = arith.cmpf ole, %gather3A_925, %select_n3A_271 : vector<16xf32>
      %jit3A_1037 = arith.constant 1 : i32
      %jit3A_1038 = arith.constant 0 : i32
      %broadcast_in_dim3A_1039 = vector.broadcast %jit3A_1037 : i32 to vector<16xi32>
      %broadcast_in_dim3A_1040 = vector.broadcast %jit3A_1038 : i32 to vector<16xi32>
      %select_n3A_1041 = arith.select %le3A_1036, %broadcast_in_dim3A_1039, %broadcast_in_dim3A_1040 : vector<16xi1>, vector<16xi32>
      %add3A_1042 = arith.addi %add3A_1035, %select_n3A_1041 : vector<16xi32>
      %lt3A_1043 = arith.cmpf olt, %gather3A_928, %select_n3A_271 : vector<16xf32>
      %eq3A_1044 = arith.cmpf oeq, %gather3A_928, %select_n3A_271 : vector<16xf32>
      %and3A_1045 = arith.andi %eq3A_1044, %lt3A_138 : vector<16xi1>
      %or3A_1046 = arith.ori %lt3A_1043, %and3A_1045 : vector<16xi1>
      %jit3A_1047 = arith.constant 1 : i32
      %jit3A_1048 = arith.constant 0 : i32
      %broadcast_in_dim3A_1049 = vector.broadcast %jit3A_1047 : i32 to vector<16xi32>
      %broadcast_in_dim3A_1050 = vector.broadcast %jit3A_1048 : i32 to vector<16xi32>
      %select_n3A_1051 = arith.select %or3A_1046, %broadcast_in_dim3A_1049, %broadcast_in_dim3A_1050 : vector<16xi1>, vector<16xi32>
      %add3A_1052 = arith.addi %add3A_1042, %select_n3A_1051 : vector<16xi32>
      %broadcast_in_dim3A_1053 = vector.shape_cast %and3A_43 : vector<16xi32> to vector<16x1xi32>
      %gather3A_1054 = vector.shape_cast %broadcast_in_dim3A_1053 : vector<16x1xi32> to vector<16xi32>
      %gather3A_1055 = tpu.dynamic_gather %select_n3A[%gather3A_1054] in [0] : vector<16xf32>, vector<16xi32> -> vector<16xf32>
      %broadcast_in_dim3A_1056 = vector.shape_cast %and3A_43 : vector<16xi32> to vector<16x1xi32>
      %gather3A_1057 = vector.shape_cast %broadcast_in_dim3A_1056 : vector<16x1xi32> to vector<16xi32>
      %gather3A_1058 = tpu.dynamic_gather %select_n3A_243[%gather3A_1057] in [0] : vector<16xf32>, vector<16xi32> -> vector<16xf32>
      %broadcast_in_dim3A_1059 = vector.shape_cast %and3A_43 : vector<16xi32> to vector<16x1xi32>
      %gather3A_1060 = vector.shape_cast %broadcast_in_dim3A_1059 : vector<16x1xi32> to vector<16xi32>
      %gather3A_1061 = tpu.dynamic_gather %select_n3A_257[%gather3A_1060] in [0] : vector<16xf32>, vector<16xi32> -> vector<16xf32>
      %broadcast_in_dim3A_1062 = vector.shape_cast %and3A_43 : vector<16xi32> to vector<16x1xi32>
      %gather3A_1063 = vector.shape_cast %broadcast_in_dim3A_1062 : vector<16x1xi32> to vector<16xi32>
      %gather3A_1064 = tpu.dynamic_gather %select_n3A_271[%gather3A_1063] in [0] : vector<16xf32>, vector<16xi32> -> vector<16xf32>
      %lt3A_1065 = arith.cmpf olt, %gather3A_1055, %select_n3A : vector<16xf32>
      %eq3A_1066 = arith.cmpf oeq, %gather3A_1055, %select_n3A : vector<16xf32>
      %and3A_1067 = arith.andi %eq3A_1066, %lt3A_145 : vector<16xi1>
      %or3A_1068 = arith.ori %lt3A_1065, %and3A_1067 : vector<16xi1>
      %jit3A_1069 = arith.constant 1 : i32
      %jit3A_1070 = arith.constant 0 : i32
      %broadcast_in_dim3A_1071 = vector.broadcast %jit3A_1069 : i32 to vector<16xi32>
      %broadcast_in_dim3A_1072 = vector.broadcast %jit3A_1070 : i32 to vector<16xi32>
      %select_n3A_1073 = arith.select %or3A_1068, %broadcast_in_dim3A_1071, %broadcast_in_dim3A_1072 : vector<16xi1>, vector<16xi32>
      %add3A_1074 = arith.addi %add3A_959, %select_n3A_1073 : vector<16xi32>
      %lt3A_1075 = arith.cmpf olt, %gather3A_1058, %select_n3A : vector<16xf32>
      %jit3A_1076 = arith.constant 1 : i32
      %jit3A_1077 = arith.constant 0 : i32
      %broadcast_in_dim3A_1078 = vector.broadcast %jit3A_1076 : i32 to vector<16xi32>
      %broadcast_in_dim3A_1079 = vector.broadcast %jit3A_1077 : i32 to vector<16xi32>
      %select_n3A_1080 = arith.select %lt3A_1075, %broadcast_in_dim3A_1078, %broadcast_in_dim3A_1079 : vector<16xi1>, vector<16xi32>
      %add3A_1081 = arith.addi %add3A_1074, %select_n3A_1080 : vector<16xi32>
      %lt3A_1082 = arith.cmpf olt, %gather3A_1061, %select_n3A : vector<16xf32>
      %jit3A_1083 = arith.constant 1 : i32
      %jit3A_1084 = arith.constant 0 : i32
      %broadcast_in_dim3A_1085 = vector.broadcast %jit3A_1083 : i32 to vector<16xi32>
      %broadcast_in_dim3A_1086 = vector.broadcast %jit3A_1084 : i32 to vector<16xi32>
      %select_n3A_1087 = arith.select %lt3A_1082, %broadcast_in_dim3A_1085, %broadcast_in_dim3A_1086 : vector<16xi1>, vector<16xi32>
      %add3A_1088 = arith.addi %add3A_1081, %select_n3A_1087 : vector<16xi32>
      %lt3A_1089 = arith.cmpf olt, %gather3A_1064, %select_n3A : vector<16xf32>
      %jit3A_1090 = arith.constant 1 : i32
      %jit3A_1091 = arith.constant 0 : i32
      %broadcast_in_dim3A_1092 = vector.broadcast %jit3A_1090 : i32 to vector<16xi32>
      %broadcast_in_dim3A_1093 = vector.broadcast %jit3A_1091 : i32 to vector<16xi32>
      %select_n3A_1094 = arith.select %lt3A_1089, %broadcast_in_dim3A_1092, %broadcast_in_dim3A_1093 : vector<16xi1>, vector<16xi32>
      %add3A_1095 = arith.addi %add3A_1088, %select_n3A_1094 : vector<16xi32>
      %le3A_1096 = arith.cmpf ole, %gather3A_1055, %select_n3A_243 : vector<16xf32>
      %jit3A_1097 = arith.constant 1 : i32
      %jit3A_1098 = arith.constant 0 : i32
      %broadcast_in_dim3A_1099 = vector.broadcast %jit3A_1097 : i32 to vector<16xi32>
      %broadcast_in_dim3A_1100 = vector.broadcast %jit3A_1098 : i32 to vector<16xi32>
      %select_n3A_1101 = arith.select %le3A_1096, %broadcast_in_dim3A_1099, %broadcast_in_dim3A_1100 : vector<16xi1>, vector<16xi32>
      %add3A_1102 = arith.addi %add3A_990, %select_n3A_1101 : vector<16xi32>
      %lt3A_1103 = arith.cmpf olt, %gather3A_1058, %select_n3A_243 : vector<16xf32>
      %eq3A_1104 = arith.cmpf oeq, %gather3A_1058, %select_n3A_243 : vector<16xf32>
      %and3A_1105 = arith.andi %eq3A_1104, %lt3A_145 : vector<16xi1>
      %or3A_1106 = arith.ori %lt3A_1103, %and3A_1105 : vector<16xi1>
      %jit3A_1107 = arith.constant 1 : i32
      %jit3A_1108 = arith.constant 0 : i32
      %broadcast_in_dim3A_1109 = vector.broadcast %jit3A_1107 : i32 to vector<16xi32>
      %broadcast_in_dim3A_1110 = vector.broadcast %jit3A_1108 : i32 to vector<16xi32>
      %select_n3A_1111 = arith.select %or3A_1106, %broadcast_in_dim3A_1109, %broadcast_in_dim3A_1110 : vector<16xi1>, vector<16xi32>
      %add3A_1112 = arith.addi %add3A_1102, %select_n3A_1111 : vector<16xi32>
      %lt3A_1113 = arith.cmpf olt, %gather3A_1061, %select_n3A_243 : vector<16xf32>
      %jit3A_1114 = arith.constant 1 : i32
      %jit3A_1115 = arith.constant 0 : i32
      %broadcast_in_dim3A_1116 = vector.broadcast %jit3A_1114 : i32 to vector<16xi32>
      %broadcast_in_dim3A_1117 = vector.broadcast %jit3A_1115 : i32 to vector<16xi32>
      %select_n3A_1118 = arith.select %lt3A_1113, %broadcast_in_dim3A_1116, %broadcast_in_dim3A_1117 : vector<16xi1>, vector<16xi32>
      %add3A_1119 = arith.addi %add3A_1112, %select_n3A_1118 : vector<16xi32>
      %lt3A_1120 = arith.cmpf olt, %gather3A_1064, %select_n3A_243 : vector<16xf32>
      %jit3A_1121 = arith.constant 1 : i32
      %jit3A_1122 = arith.constant 0 : i32
      %broadcast_in_dim3A_1123 = vector.broadcast %jit3A_1121 : i32 to vector<16xi32>
      %broadcast_in_dim3A_1124 = vector.broadcast %jit3A_1122 : i32 to vector<16xi32>
      %select_n3A_1125 = arith.select %lt3A_1120, %broadcast_in_dim3A_1123, %broadcast_in_dim3A_1124 : vector<16xi1>, vector<16xi32>
      %add3A_1126 = arith.addi %add3A_1119, %select_n3A_1125 : vector<16xi32>
      %le3A_1127 = arith.cmpf ole, %gather3A_1055, %select_n3A_257 : vector<16xf32>
      %jit3A_1128 = arith.constant 1 : i32
      %jit3A_1129 = arith.constant 0 : i32
      %broadcast_in_dim3A_1130 = vector.broadcast %jit3A_1128 : i32 to vector<16xi32>
      %broadcast_in_dim3A_1131 = vector.broadcast %jit3A_1129 : i32 to vector<16xi32>
      %select_n3A_1132 = arith.select %le3A_1127, %broadcast_in_dim3A_1130, %broadcast_in_dim3A_1131 : vector<16xi1>, vector<16xi32>
      %add3A_1133 = arith.addi %add3A_1021, %select_n3A_1132 : vector<16xi32>
      %le3A_1134 = arith.cmpf ole, %gather3A_1058, %select_n3A_257 : vector<16xf32>
      %jit3A_1135 = arith.constant 1 : i32
      %jit3A_1136 = arith.constant 0 : i32
      %broadcast_in_dim3A_1137 = vector.broadcast %jit3A_1135 : i32 to vector<16xi32>
      %broadcast_in_dim3A_1138 = vector.broadcast %jit3A_1136 : i32 to vector<16xi32>
      %select_n3A_1139 = arith.select %le3A_1134, %broadcast_in_dim3A_1137, %broadcast_in_dim3A_1138 : vector<16xi1>, vector<16xi32>
      %add3A_1140 = arith.addi %add3A_1133, %select_n3A_1139 : vector<16xi32>
      %lt3A_1141 = arith.cmpf olt, %gather3A_1061, %select_n3A_257 : vector<16xf32>
      %eq3A_1142 = arith.cmpf oeq, %gather3A_1061, %select_n3A_257 : vector<16xf32>
      %and3A_1143 = arith.andi %eq3A_1142, %lt3A_145 : vector<16xi1>
      %or3A_1144 = arith.ori %lt3A_1141, %and3A_1143 : vector<16xi1>
      %jit3A_1145 = arith.constant 1 : i32
      %jit3A_1146 = arith.constant 0 : i32
      %broadcast_in_dim3A_1147 = vector.broadcast %jit3A_1145 : i32 to vector<16xi32>
      %broadcast_in_dim3A_1148 = vector.broadcast %jit3A_1146 : i32 to vector<16xi32>
      %select_n3A_1149 = arith.select %or3A_1144, %broadcast_in_dim3A_1147, %broadcast_in_dim3A_1148 : vector<16xi1>, vector<16xi32>
      %add3A_1150 = arith.addi %add3A_1140, %select_n3A_1149 : vector<16xi32>
      %lt3A_1151 = arith.cmpf olt, %gather3A_1064, %select_n3A_257 : vector<16xf32>
      %jit3A_1152 = arith.constant 1 : i32
      %jit3A_1153 = arith.constant 0 : i32
      %broadcast_in_dim3A_1154 = vector.broadcast %jit3A_1152 : i32 to vector<16xi32>
      %broadcast_in_dim3A_1155 = vector.broadcast %jit3A_1153 : i32 to vector<16xi32>
      %select_n3A_1156 = arith.select %lt3A_1151, %broadcast_in_dim3A_1154, %broadcast_in_dim3A_1155 : vector<16xi1>, vector<16xi32>
      %add3A_1157 = arith.addi %add3A_1150, %select_n3A_1156 : vector<16xi32>
      %le3A_1158 = arith.cmpf ole, %gather3A_1055, %select_n3A_271 : vector<16xf32>
      %jit3A_1159 = arith.constant 1 : i32
      %jit3A_1160 = arith.constant 0 : i32
      %broadcast_in_dim3A_1161 = vector.broadcast %jit3A_1159 : i32 to vector<16xi32>
      %broadcast_in_dim3A_1162 = vector.broadcast %jit3A_1160 : i32 to vector<16xi32>
      %select_n3A_1163 = arith.select %le3A_1158, %broadcast_in_dim3A_1161, %broadcast_in_dim3A_1162 : vector<16xi1>, vector<16xi32>
      %add3A_1164 = arith.addi %add3A_1052, %select_n3A_1163 : vector<16xi32>
      %le3A_1165 = arith.cmpf ole, %gather3A_1058, %select_n3A_271 : vector<16xf32>
      %jit3A_1166 = arith.constant 1 : i32
      %jit3A_1167 = arith.constant 0 : i32
      %broadcast_in_dim3A_1168 = vector.broadcast %jit3A_1166 : i32 to vector<16xi32>
      %broadcast_in_dim3A_1169 = vector.broadcast %jit3A_1167 : i32 to vector<16xi32>
      %select_n3A_1170 = arith.select %le3A_1165, %broadcast_in_dim3A_1168, %broadcast_in_dim3A_1169 : vector<16xi1>, vector<16xi32>
      %add3A_1171 = arith.addi %add3A_1164, %select_n3A_1170 : vector<16xi32>
      %le3A_1172 = arith.cmpf ole, %gather3A_1061, %select_n3A_271 : vector<16xf32>
      %jit3A_1173 = arith.constant 1 : i32
      %jit3A_1174 = arith.constant 0 : i32
      %broadcast_in_dim3A_1175 = vector.broadcast %jit3A_1173 : i32 to vector<16xi32>
      %broadcast_in_dim3A_1176 = vector.broadcast %jit3A_1174 : i32 to vector<16xi32>
      %select_n3A_1177 = arith.select %le3A_1172, %broadcast_in_dim3A_1175, %broadcast_in_dim3A_1176 : vector<16xi1>, vector<16xi32>
      %add3A_1178 = arith.addi %add3A_1171, %select_n3A_1177 : vector<16xi32>
      %lt3A_1179 = arith.cmpf olt, %gather3A_1064, %select_n3A_271 : vector<16xf32>
      %eq3A_1180 = arith.cmpf oeq, %gather3A_1064, %select_n3A_271 : vector<16xf32>
      %and3A_1181 = arith.andi %eq3A_1180, %lt3A_145 : vector<16xi1>
      %or3A_1182 = arith.ori %lt3A_1179, %and3A_1181 : vector<16xi1>
      %jit3A_1183 = arith.constant 1 : i32
      %jit3A_1184 = arith.constant 0 : i32
      %broadcast_in_dim3A_1185 = vector.broadcast %jit3A_1183 : i32 to vector<16xi32>
      %broadcast_in_dim3A_1186 = vector.broadcast %jit3A_1184 : i32 to vector<16xi32>
      %select_n3A_1187 = arith.select %or3A_1182, %broadcast_in_dim3A_1185, %broadcast_in_dim3A_1186 : vector<16xi1>, vector<16xi32>
      %add3A_1188 = arith.addi %add3A_1178, %select_n3A_1187 : vector<16xi32>
      %broadcast_in_dim3A_1189 = vector.shape_cast %and3A_49 : vector<16xi32> to vector<16x1xi32>
      %gather3A_1190 = vector.shape_cast %broadcast_in_dim3A_1189 : vector<16x1xi32> to vector<16xi32>
      %gather3A_1191 = tpu.dynamic_gather %select_n3A[%gather3A_1190] in [0] : vector<16xf32>, vector<16xi32> -> vector<16xf32>
      %broadcast_in_dim3A_1192 = vector.shape_cast %and3A_49 : vector<16xi32> to vector<16x1xi32>
      %gather3A_1193 = vector.shape_cast %broadcast_in_dim3A_1192 : vector<16x1xi32> to vector<16xi32>
      %gather3A_1194 = tpu.dynamic_gather %select_n3A_243[%gather3A_1193] in [0] : vector<16xf32>, vector<16xi32> -> vector<16xf32>
      %broadcast_in_dim3A_1195 = vector.shape_cast %and3A_49 : vector<16xi32> to vector<16x1xi32>
      %gather3A_1196 = vector.shape_cast %broadcast_in_dim3A_1195 : vector<16x1xi32> to vector<16xi32>
      %gather3A_1197 = tpu.dynamic_gather %select_n3A_257[%gather3A_1196] in [0] : vector<16xf32>, vector<16xi32> -> vector<16xf32>
      %broadcast_in_dim3A_1198 = vector.shape_cast %and3A_49 : vector<16xi32> to vector<16x1xi32>
      %gather3A_1199 = vector.shape_cast %broadcast_in_dim3A_1198 : vector<16x1xi32> to vector<16xi32>
      %gather3A_1200 = tpu.dynamic_gather %select_n3A_271[%gather3A_1199] in [0] : vector<16xf32>, vector<16xi32> -> vector<16xf32>
      %lt3A_1201 = arith.cmpf olt, %gather3A_1191, %select_n3A : vector<16xf32>
      %eq3A_1202 = arith.cmpf oeq, %gather3A_1191, %select_n3A : vector<16xf32>
      %and3A_1203 = arith.andi %eq3A_1202, %lt3A_152 : vector<16xi1>
      %or3A_1204 = arith.ori %lt3A_1201, %and3A_1203 : vector<16xi1>
      %jit3A_1205 = arith.constant 1 : i32
      %jit3A_1206 = arith.constant 0 : i32
      %broadcast_in_dim3A_1207 = vector.broadcast %jit3A_1205 : i32 to vector<16xi32>
      %broadcast_in_dim3A_1208 = vector.broadcast %jit3A_1206 : i32 to vector<16xi32>
      %select_n3A_1209 = arith.select %or3A_1204, %broadcast_in_dim3A_1207, %broadcast_in_dim3A_1208 : vector<16xi1>, vector<16xi32>
      %add3A_1210 = arith.addi %add3A_1095, %select_n3A_1209 : vector<16xi32>
      %lt3A_1211 = arith.cmpf olt, %gather3A_1194, %select_n3A : vector<16xf32>
      %jit3A_1212 = arith.constant 1 : i32
      %jit3A_1213 = arith.constant 0 : i32
      %broadcast_in_dim3A_1214 = vector.broadcast %jit3A_1212 : i32 to vector<16xi32>
      %broadcast_in_dim3A_1215 = vector.broadcast %jit3A_1213 : i32 to vector<16xi32>
      %select_n3A_1216 = arith.select %lt3A_1211, %broadcast_in_dim3A_1214, %broadcast_in_dim3A_1215 : vector<16xi1>, vector<16xi32>
      %add3A_1217 = arith.addi %add3A_1210, %select_n3A_1216 : vector<16xi32>
      %lt3A_1218 = arith.cmpf olt, %gather3A_1197, %select_n3A : vector<16xf32>
      %jit3A_1219 = arith.constant 1 : i32
      %jit3A_1220 = arith.constant 0 : i32
      %broadcast_in_dim3A_1221 = vector.broadcast %jit3A_1219 : i32 to vector<16xi32>
      %broadcast_in_dim3A_1222 = vector.broadcast %jit3A_1220 : i32 to vector<16xi32>
      %select_n3A_1223 = arith.select %lt3A_1218, %broadcast_in_dim3A_1221, %broadcast_in_dim3A_1222 : vector<16xi1>, vector<16xi32>
      %add3A_1224 = arith.addi %add3A_1217, %select_n3A_1223 : vector<16xi32>
      %lt3A_1225 = arith.cmpf olt, %gather3A_1200, %select_n3A : vector<16xf32>
      %jit3A_1226 = arith.constant 1 : i32
      %jit3A_1227 = arith.constant 0 : i32
      %broadcast_in_dim3A_1228 = vector.broadcast %jit3A_1226 : i32 to vector<16xi32>
      %broadcast_in_dim3A_1229 = vector.broadcast %jit3A_1227 : i32 to vector<16xi32>
      %select_n3A_1230 = arith.select %lt3A_1225, %broadcast_in_dim3A_1228, %broadcast_in_dim3A_1229 : vector<16xi1>, vector<16xi32>
      %add3A_1231 = arith.addi %add3A_1224, %select_n3A_1230 : vector<16xi32>
      %le3A_1232 = arith.cmpf ole, %gather3A_1191, %select_n3A_243 : vector<16xf32>
      %jit3A_1233 = arith.constant 1 : i32
      %jit3A_1234 = arith.constant 0 : i32
      %broadcast_in_dim3A_1235 = vector.broadcast %jit3A_1233 : i32 to vector<16xi32>
      %broadcast_in_dim3A_1236 = vector.broadcast %jit3A_1234 : i32 to vector<16xi32>
      %select_n3A_1237 = arith.select %le3A_1232, %broadcast_in_dim3A_1235, %broadcast_in_dim3A_1236 : vector<16xi1>, vector<16xi32>
      %add3A_1238 = arith.addi %add3A_1126, %select_n3A_1237 : vector<16xi32>
      %lt3A_1239 = arith.cmpf olt, %gather3A_1194, %select_n3A_243 : vector<16xf32>
      %eq3A_1240 = arith.cmpf oeq, %gather3A_1194, %select_n3A_243 : vector<16xf32>
      %and3A_1241 = arith.andi %eq3A_1240, %lt3A_152 : vector<16xi1>
      %or3A_1242 = arith.ori %lt3A_1239, %and3A_1241 : vector<16xi1>
      %jit3A_1243 = arith.constant 1 : i32
      %jit3A_1244 = arith.constant 0 : i32
      %broadcast_in_dim3A_1245 = vector.broadcast %jit3A_1243 : i32 to vector<16xi32>
      %broadcast_in_dim3A_1246 = vector.broadcast %jit3A_1244 : i32 to vector<16xi32>
      %select_n3A_1247 = arith.select %or3A_1242, %broadcast_in_dim3A_1245, %broadcast_in_dim3A_1246 : vector<16xi1>, vector<16xi32>
      %add3A_1248 = arith.addi %add3A_1238, %select_n3A_1247 : vector<16xi32>
      %lt3A_1249 = arith.cmpf olt, %gather3A_1197, %select_n3A_243 : vector<16xf32>
      %jit3A_1250 = arith.constant 1 : i32
      %jit3A_1251 = arith.constant 0 : i32
      %broadcast_in_dim3A_1252 = vector.broadcast %jit3A_1250 : i32 to vector<16xi32>
      %broadcast_in_dim3A_1253 = vector.broadcast %jit3A_1251 : i32 to vector<16xi32>
      %select_n3A_1254 = arith.select %lt3A_1249, %broadcast_in_dim3A_1252, %broadcast_in_dim3A_1253 : vector<16xi1>, vector<16xi32>
      %add3A_1255 = arith.addi %add3A_1248, %select_n3A_1254 : vector<16xi32>
      %lt3A_1256 = arith.cmpf olt, %gather3A_1200, %select_n3A_243 : vector<16xf32>
      %jit3A_1257 = arith.constant 1 : i32
      %jit3A_1258 = arith.constant 0 : i32
      %broadcast_in_dim3A_1259 = vector.broadcast %jit3A_1257 : i32 to vector<16xi32>
      %broadcast_in_dim3A_1260 = vector.broadcast %jit3A_1258 : i32 to vector<16xi32>
      %select_n3A_1261 = arith.select %lt3A_1256, %broadcast_in_dim3A_1259, %broadcast_in_dim3A_1260 : vector<16xi1>, vector<16xi32>
      %add3A_1262 = arith.addi %add3A_1255, %select_n3A_1261 : vector<16xi32>
      %le3A_1263 = arith.cmpf ole, %gather3A_1191, %select_n3A_257 : vector<16xf32>
      %jit3A_1264 = arith.constant 1 : i32
      %jit3A_1265 = arith.constant 0 : i32
      %broadcast_in_dim3A_1266 = vector.broadcast %jit3A_1264 : i32 to vector<16xi32>
      %broadcast_in_dim3A_1267 = vector.broadcast %jit3A_1265 : i32 to vector<16xi32>
      %select_n3A_1268 = arith.select %le3A_1263, %broadcast_in_dim3A_1266, %broadcast_in_dim3A_1267 : vector<16xi1>, vector<16xi32>
      %add3A_1269 = arith.addi %add3A_1157, %select_n3A_1268 : vector<16xi32>
      %le3A_1270 = arith.cmpf ole, %gather3A_1194, %select_n3A_257 : vector<16xf32>
      %jit3A_1271 = arith.constant 1 : i32
      %jit3A_1272 = arith.constant 0 : i32
      %broadcast_in_dim3A_1273 = vector.broadcast %jit3A_1271 : i32 to vector<16xi32>
      %broadcast_in_dim3A_1274 = vector.broadcast %jit3A_1272 : i32 to vector<16xi32>
      %select_n3A_1275 = arith.select %le3A_1270, %broadcast_in_dim3A_1273, %broadcast_in_dim3A_1274 : vector<16xi1>, vector<16xi32>
      %add3A_1276 = arith.addi %add3A_1269, %select_n3A_1275 : vector<16xi32>
      %lt3A_1277 = arith.cmpf olt, %gather3A_1197, %select_n3A_257 : vector<16xf32>
      %eq3A_1278 = arith.cmpf oeq, %gather3A_1197, %select_n3A_257 : vector<16xf32>
      %and3A_1279 = arith.andi %eq3A_1278, %lt3A_152 : vector<16xi1>
      %or3A_1280 = arith.ori %lt3A_1277, %and3A_1279 : vector<16xi1>
      %jit3A_1281 = arith.constant 1 : i32
      %jit3A_1282 = arith.constant 0 : i32
      %broadcast_in_dim3A_1283 = vector.broadcast %jit3A_1281 : i32 to vector<16xi32>
      %broadcast_in_dim3A_1284 = vector.broadcast %jit3A_1282 : i32 to vector<16xi32>
      %select_n3A_1285 = arith.select %or3A_1280, %broadcast_in_dim3A_1283, %broadcast_in_dim3A_1284 : vector<16xi1>, vector<16xi32>
      %add3A_1286 = arith.addi %add3A_1276, %select_n3A_1285 : vector<16xi32>
      %lt3A_1287 = arith.cmpf olt, %gather3A_1200, %select_n3A_257 : vector<16xf32>
      %jit3A_1288 = arith.constant 1 : i32
      %jit3A_1289 = arith.constant 0 : i32
      %broadcast_in_dim3A_1290 = vector.broadcast %jit3A_1288 : i32 to vector<16xi32>
      %broadcast_in_dim3A_1291 = vector.broadcast %jit3A_1289 : i32 to vector<16xi32>
      %select_n3A_1292 = arith.select %lt3A_1287, %broadcast_in_dim3A_1290, %broadcast_in_dim3A_1291 : vector<16xi1>, vector<16xi32>
      %add3A_1293 = arith.addi %add3A_1286, %select_n3A_1292 : vector<16xi32>
      %le3A_1294 = arith.cmpf ole, %gather3A_1191, %select_n3A_271 : vector<16xf32>
      %jit3A_1295 = arith.constant 1 : i32
      %jit3A_1296 = arith.constant 0 : i32
      %broadcast_in_dim3A_1297 = vector.broadcast %jit3A_1295 : i32 to vector<16xi32>
      %broadcast_in_dim3A_1298 = vector.broadcast %jit3A_1296 : i32 to vector<16xi32>
      %select_n3A_1299 = arith.select %le3A_1294, %broadcast_in_dim3A_1297, %broadcast_in_dim3A_1298 : vector<16xi1>, vector<16xi32>
      %add3A_1300 = arith.addi %add3A_1188, %select_n3A_1299 : vector<16xi32>
      %le3A_1301 = arith.cmpf ole, %gather3A_1194, %select_n3A_271 : vector<16xf32>
      %jit3A_1302 = arith.constant 1 : i32
      %jit3A_1303 = arith.constant 0 : i32
      %broadcast_in_dim3A_1304 = vector.broadcast %jit3A_1302 : i32 to vector<16xi32>
      %broadcast_in_dim3A_1305 = vector.broadcast %jit3A_1303 : i32 to vector<16xi32>
      %select_n3A_1306 = arith.select %le3A_1301, %broadcast_in_dim3A_1304, %broadcast_in_dim3A_1305 : vector<16xi1>, vector<16xi32>
      %add3A_1307 = arith.addi %add3A_1300, %select_n3A_1306 : vector<16xi32>
      %le3A_1308 = arith.cmpf ole, %gather3A_1197, %select_n3A_271 : vector<16xf32>
      %jit3A_1309 = arith.constant 1 : i32
      %jit3A_1310 = arith.constant 0 : i32
      %broadcast_in_dim3A_1311 = vector.broadcast %jit3A_1309 : i32 to vector<16xi32>
      %broadcast_in_dim3A_1312 = vector.broadcast %jit3A_1310 : i32 to vector<16xi32>
      %select_n3A_1313 = arith.select %le3A_1308, %broadcast_in_dim3A_1311, %broadcast_in_dim3A_1312 : vector<16xi1>, vector<16xi32>
      %add3A_1314 = arith.addi %add3A_1307, %select_n3A_1313 : vector<16xi32>
      %lt3A_1315 = arith.cmpf olt, %gather3A_1200, %select_n3A_271 : vector<16xf32>
      %eq3A_1316 = arith.cmpf oeq, %gather3A_1200, %select_n3A_271 : vector<16xf32>
      %and3A_1317 = arith.andi %eq3A_1316, %lt3A_152 : vector<16xi1>
      %or3A_1318 = arith.ori %lt3A_1315, %and3A_1317 : vector<16xi1>
      %jit3A_1319 = arith.constant 1 : i32
      %jit3A_1320 = arith.constant 0 : i32
      %broadcast_in_dim3A_1321 = vector.broadcast %jit3A_1319 : i32 to vector<16xi32>
      %broadcast_in_dim3A_1322 = vector.broadcast %jit3A_1320 : i32 to vector<16xi32>
      %select_n3A_1323 = arith.select %or3A_1318, %broadcast_in_dim3A_1321, %broadcast_in_dim3A_1322 : vector<16xi1>, vector<16xi32>
      %add3A_1324 = arith.addi %add3A_1314, %select_n3A_1323 : vector<16xi32>
      %broadcast_in_dim3A_1325 = vector.shape_cast %and3A_55 : vector<16xi32> to vector<16x1xi32>
      %gather3A_1326 = vector.shape_cast %broadcast_in_dim3A_1325 : vector<16x1xi32> to vector<16xi32>
      %gather3A_1327 = tpu.dynamic_gather %select_n3A[%gather3A_1326] in [0] : vector<16xf32>, vector<16xi32> -> vector<16xf32>
      %broadcast_in_dim3A_1328 = vector.shape_cast %and3A_55 : vector<16xi32> to vector<16x1xi32>
      %gather3A_1329 = vector.shape_cast %broadcast_in_dim3A_1328 : vector<16x1xi32> to vector<16xi32>
      %gather3A_1330 = tpu.dynamic_gather %select_n3A_243[%gather3A_1329] in [0] : vector<16xf32>, vector<16xi32> -> vector<16xf32>
      %broadcast_in_dim3A_1331 = vector.shape_cast %and3A_55 : vector<16xi32> to vector<16x1xi32>
      %gather3A_1332 = vector.shape_cast %broadcast_in_dim3A_1331 : vector<16x1xi32> to vector<16xi32>
      %gather3A_1333 = tpu.dynamic_gather %select_n3A_257[%gather3A_1332] in [0] : vector<16xf32>, vector<16xi32> -> vector<16xf32>
      %broadcast_in_dim3A_1334 = vector.shape_cast %and3A_55 : vector<16xi32> to vector<16x1xi32>
      %gather3A_1335 = vector.shape_cast %broadcast_in_dim3A_1334 : vector<16x1xi32> to vector<16xi32>
      %gather3A_1336 = tpu.dynamic_gather %select_n3A_271[%gather3A_1335] in [0] : vector<16xf32>, vector<16xi32> -> vector<16xf32>
      %lt3A_1337 = arith.cmpf olt, %gather3A_1327, %select_n3A : vector<16xf32>
      %eq3A_1338 = arith.cmpf oeq, %gather3A_1327, %select_n3A : vector<16xf32>
      %and3A_1339 = arith.andi %eq3A_1338, %lt3A_159 : vector<16xi1>
      %or3A_1340 = arith.ori %lt3A_1337, %and3A_1339 : vector<16xi1>
      %jit3A_1341 = arith.constant 1 : i32
      %jit3A_1342 = arith.constant 0 : i32
      %broadcast_in_dim3A_1343 = vector.broadcast %jit3A_1341 : i32 to vector<16xi32>
      %broadcast_in_dim3A_1344 = vector.broadcast %jit3A_1342 : i32 to vector<16xi32>
      %select_n3A_1345 = arith.select %or3A_1340, %broadcast_in_dim3A_1343, %broadcast_in_dim3A_1344 : vector<16xi1>, vector<16xi32>
      %add3A_1346 = arith.addi %add3A_1231, %select_n3A_1345 : vector<16xi32>
      %lt3A_1347 = arith.cmpf olt, %gather3A_1330, %select_n3A : vector<16xf32>
      %jit3A_1348 = arith.constant 1 : i32
      %jit3A_1349 = arith.constant 0 : i32
      %broadcast_in_dim3A_1350 = vector.broadcast %jit3A_1348 : i32 to vector<16xi32>
      %broadcast_in_dim3A_1351 = vector.broadcast %jit3A_1349 : i32 to vector<16xi32>
      %select_n3A_1352 = arith.select %lt3A_1347, %broadcast_in_dim3A_1350, %broadcast_in_dim3A_1351 : vector<16xi1>, vector<16xi32>
      %add3A_1353 = arith.addi %add3A_1346, %select_n3A_1352 : vector<16xi32>
      %lt3A_1354 = arith.cmpf olt, %gather3A_1333, %select_n3A : vector<16xf32>
      %jit3A_1355 = arith.constant 1 : i32
      %jit3A_1356 = arith.constant 0 : i32
      %broadcast_in_dim3A_1357 = vector.broadcast %jit3A_1355 : i32 to vector<16xi32>
      %broadcast_in_dim3A_1358 = vector.broadcast %jit3A_1356 : i32 to vector<16xi32>
      %select_n3A_1359 = arith.select %lt3A_1354, %broadcast_in_dim3A_1357, %broadcast_in_dim3A_1358 : vector<16xi1>, vector<16xi32>
      %add3A_1360 = arith.addi %add3A_1353, %select_n3A_1359 : vector<16xi32>
      %lt3A_1361 = arith.cmpf olt, %gather3A_1336, %select_n3A : vector<16xf32>
      %jit3A_1362 = arith.constant 1 : i32
      %jit3A_1363 = arith.constant 0 : i32
      %broadcast_in_dim3A_1364 = vector.broadcast %jit3A_1362 : i32 to vector<16xi32>
      %broadcast_in_dim3A_1365 = vector.broadcast %jit3A_1363 : i32 to vector<16xi32>
      %select_n3A_1366 = arith.select %lt3A_1361, %broadcast_in_dim3A_1364, %broadcast_in_dim3A_1365 : vector<16xi1>, vector<16xi32>
      %add3A_1367 = arith.addi %add3A_1360, %select_n3A_1366 : vector<16xi32>
      %le3A_1368 = arith.cmpf ole, %gather3A_1327, %select_n3A_243 : vector<16xf32>
      %jit3A_1369 = arith.constant 1 : i32
      %jit3A_1370 = arith.constant 0 : i32
      %broadcast_in_dim3A_1371 = vector.broadcast %jit3A_1369 : i32 to vector<16xi32>
      %broadcast_in_dim3A_1372 = vector.broadcast %jit3A_1370 : i32 to vector<16xi32>
      %select_n3A_1373 = arith.select %le3A_1368, %broadcast_in_dim3A_1371, %broadcast_in_dim3A_1372 : vector<16xi1>, vector<16xi32>
      %add3A_1374 = arith.addi %add3A_1262, %select_n3A_1373 : vector<16xi32>
      %lt3A_1375 = arith.cmpf olt, %gather3A_1330, %select_n3A_243 : vector<16xf32>
      %eq3A_1376 = arith.cmpf oeq, %gather3A_1330, %select_n3A_243 : vector<16xf32>
      %and3A_1377 = arith.andi %eq3A_1376, %lt3A_159 : vector<16xi1>
      %or3A_1378 = arith.ori %lt3A_1375, %and3A_1377 : vector<16xi1>
      %jit3A_1379 = arith.constant 1 : i32
      %jit3A_1380 = arith.constant 0 : i32
      %broadcast_in_dim3A_1381 = vector.broadcast %jit3A_1379 : i32 to vector<16xi32>
      %broadcast_in_dim3A_1382 = vector.broadcast %jit3A_1380 : i32 to vector<16xi32>
      %select_n3A_1383 = arith.select %or3A_1378, %broadcast_in_dim3A_1381, %broadcast_in_dim3A_1382 : vector<16xi1>, vector<16xi32>
      %add3A_1384 = arith.addi %add3A_1374, %select_n3A_1383 : vector<16xi32>
      %lt3A_1385 = arith.cmpf olt, %gather3A_1333, %select_n3A_243 : vector<16xf32>
      %jit3A_1386 = arith.constant 1 : i32
      %jit3A_1387 = arith.constant 0 : i32
      %broadcast_in_dim3A_1388 = vector.broadcast %jit3A_1386 : i32 to vector<16xi32>
      %broadcast_in_dim3A_1389 = vector.broadcast %jit3A_1387 : i32 to vector<16xi32>
      %select_n3A_1390 = arith.select %lt3A_1385, %broadcast_in_dim3A_1388, %broadcast_in_dim3A_1389 : vector<16xi1>, vector<16xi32>
      %add3A_1391 = arith.addi %add3A_1384, %select_n3A_1390 : vector<16xi32>
      %lt3A_1392 = arith.cmpf olt, %gather3A_1336, %select_n3A_243 : vector<16xf32>
      %jit3A_1393 = arith.constant 1 : i32
      %jit3A_1394 = arith.constant 0 : i32
      %broadcast_in_dim3A_1395 = vector.broadcast %jit3A_1393 : i32 to vector<16xi32>
      %broadcast_in_dim3A_1396 = vector.broadcast %jit3A_1394 : i32 to vector<16xi32>
      %select_n3A_1397 = arith.select %lt3A_1392, %broadcast_in_dim3A_1395, %broadcast_in_dim3A_1396 : vector<16xi1>, vector<16xi32>
      %add3A_1398 = arith.addi %add3A_1391, %select_n3A_1397 : vector<16xi32>
      %le3A_1399 = arith.cmpf ole, %gather3A_1327, %select_n3A_257 : vector<16xf32>
      %jit3A_1400 = arith.constant 1 : i32
      %jit3A_1401 = arith.constant 0 : i32
      %broadcast_in_dim3A_1402 = vector.broadcast %jit3A_1400 : i32 to vector<16xi32>
      %broadcast_in_dim3A_1403 = vector.broadcast %jit3A_1401 : i32 to vector<16xi32>
      %select_n3A_1404 = arith.select %le3A_1399, %broadcast_in_dim3A_1402, %broadcast_in_dim3A_1403 : vector<16xi1>, vector<16xi32>
      %add3A_1405 = arith.addi %add3A_1293, %select_n3A_1404 : vector<16xi32>
      %le3A_1406 = arith.cmpf ole, %gather3A_1330, %select_n3A_257 : vector<16xf32>
      %jit3A_1407 = arith.constant 1 : i32
      %jit3A_1408 = arith.constant 0 : i32
      %broadcast_in_dim3A_1409 = vector.broadcast %jit3A_1407 : i32 to vector<16xi32>
      %broadcast_in_dim3A_1410 = vector.broadcast %jit3A_1408 : i32 to vector<16xi32>
      %select_n3A_1411 = arith.select %le3A_1406, %broadcast_in_dim3A_1409, %broadcast_in_dim3A_1410 : vector<16xi1>, vector<16xi32>
      %add3A_1412 = arith.addi %add3A_1405, %select_n3A_1411 : vector<16xi32>
      %lt3A_1413 = arith.cmpf olt, %gather3A_1333, %select_n3A_257 : vector<16xf32>
      %eq3A_1414 = arith.cmpf oeq, %gather3A_1333, %select_n3A_257 : vector<16xf32>
      %and3A_1415 = arith.andi %eq3A_1414, %lt3A_159 : vector<16xi1>
      %or3A_1416 = arith.ori %lt3A_1413, %and3A_1415 : vector<16xi1>
      %jit3A_1417 = arith.constant 1 : i32
      %jit3A_1418 = arith.constant 0 : i32
      %broadcast_in_dim3A_1419 = vector.broadcast %jit3A_1417 : i32 to vector<16xi32>
      %broadcast_in_dim3A_1420 = vector.broadcast %jit3A_1418 : i32 to vector<16xi32>
      %select_n3A_1421 = arith.select %or3A_1416, %broadcast_in_dim3A_1419, %broadcast_in_dim3A_1420 : vector<16xi1>, vector<16xi32>
      %add3A_1422 = arith.addi %add3A_1412, %select_n3A_1421 : vector<16xi32>
      %lt3A_1423 = arith.cmpf olt, %gather3A_1336, %select_n3A_257 : vector<16xf32>
      %jit3A_1424 = arith.constant 1 : i32
      %jit3A_1425 = arith.constant 0 : i32
      %broadcast_in_dim3A_1426 = vector.broadcast %jit3A_1424 : i32 to vector<16xi32>
      %broadcast_in_dim3A_1427 = vector.broadcast %jit3A_1425 : i32 to vector<16xi32>
      %select_n3A_1428 = arith.select %lt3A_1423, %broadcast_in_dim3A_1426, %broadcast_in_dim3A_1427 : vector<16xi1>, vector<16xi32>
      %add3A_1429 = arith.addi %add3A_1422, %select_n3A_1428 : vector<16xi32>
      %le3A_1430 = arith.cmpf ole, %gather3A_1327, %select_n3A_271 : vector<16xf32>
      %jit3A_1431 = arith.constant 1 : i32
      %jit3A_1432 = arith.constant 0 : i32
      %broadcast_in_dim3A_1433 = vector.broadcast %jit3A_1431 : i32 to vector<16xi32>
      %broadcast_in_dim3A_1434 = vector.broadcast %jit3A_1432 : i32 to vector<16xi32>
      %select_n3A_1435 = arith.select %le3A_1430, %broadcast_in_dim3A_1433, %broadcast_in_dim3A_1434 : vector<16xi1>, vector<16xi32>
      %add3A_1436 = arith.addi %add3A_1324, %select_n3A_1435 : vector<16xi32>
      %le3A_1437 = arith.cmpf ole, %gather3A_1330, %select_n3A_271 : vector<16xf32>
      %jit3A_1438 = arith.constant 1 : i32
      %jit3A_1439 = arith.constant 0 : i32
      %broadcast_in_dim3A_1440 = vector.broadcast %jit3A_1438 : i32 to vector<16xi32>
      %broadcast_in_dim3A_1441 = vector.broadcast %jit3A_1439 : i32 to vector<16xi32>
      %select_n3A_1442 = arith.select %le3A_1437, %broadcast_in_dim3A_1440, %broadcast_in_dim3A_1441 : vector<16xi1>, vector<16xi32>
      %add3A_1443 = arith.addi %add3A_1436, %select_n3A_1442 : vector<16xi32>
      %le3A_1444 = arith.cmpf ole, %gather3A_1333, %select_n3A_271 : vector<16xf32>
      %jit3A_1445 = arith.constant 1 : i32
      %jit3A_1446 = arith.constant 0 : i32
      %broadcast_in_dim3A_1447 = vector.broadcast %jit3A_1445 : i32 to vector<16xi32>
      %broadcast_in_dim3A_1448 = vector.broadcast %jit3A_1446 : i32 to vector<16xi32>
      %select_n3A_1449 = arith.select %le3A_1444, %broadcast_in_dim3A_1447, %broadcast_in_dim3A_1448 : vector<16xi1>, vector<16xi32>
      %add3A_1450 = arith.addi %add3A_1443, %select_n3A_1449 : vector<16xi32>
      %lt3A_1451 = arith.cmpf olt, %gather3A_1336, %select_n3A_271 : vector<16xf32>
      %eq3A_1452 = arith.cmpf oeq, %gather3A_1336, %select_n3A_271 : vector<16xf32>
      %and3A_1453 = arith.andi %eq3A_1452, %lt3A_159 : vector<16xi1>
      %or3A_1454 = arith.ori %lt3A_1451, %and3A_1453 : vector<16xi1>
      %jit3A_1455 = arith.constant 1 : i32
      %jit3A_1456 = arith.constant 0 : i32
      %broadcast_in_dim3A_1457 = vector.broadcast %jit3A_1455 : i32 to vector<16xi32>
      %broadcast_in_dim3A_1458 = vector.broadcast %jit3A_1456 : i32 to vector<16xi32>
      %select_n3A_1459 = arith.select %or3A_1454, %broadcast_in_dim3A_1457, %broadcast_in_dim3A_1458 : vector<16xi1>, vector<16xi32>
      %add3A_1460 = arith.addi %add3A_1450, %select_n3A_1459 : vector<16xi32>
      %broadcast_in_dim3A_1461 = vector.shape_cast %and3A_61 : vector<16xi32> to vector<16x1xi32>
      %gather3A_1462 = vector.shape_cast %broadcast_in_dim3A_1461 : vector<16x1xi32> to vector<16xi32>
      %gather3A_1463 = tpu.dynamic_gather %select_n3A[%gather3A_1462] in [0] : vector<16xf32>, vector<16xi32> -> vector<16xf32>
      %broadcast_in_dim3A_1464 = vector.shape_cast %and3A_61 : vector<16xi32> to vector<16x1xi32>
      %gather3A_1465 = vector.shape_cast %broadcast_in_dim3A_1464 : vector<16x1xi32> to vector<16xi32>
      %gather3A_1466 = tpu.dynamic_gather %select_n3A_243[%gather3A_1465] in [0] : vector<16xf32>, vector<16xi32> -> vector<16xf32>
      %broadcast_in_dim3A_1467 = vector.shape_cast %and3A_61 : vector<16xi32> to vector<16x1xi32>
      %gather3A_1468 = vector.shape_cast %broadcast_in_dim3A_1467 : vector<16x1xi32> to vector<16xi32>
      %gather3A_1469 = tpu.dynamic_gather %select_n3A_257[%gather3A_1468] in [0] : vector<16xf32>, vector<16xi32> -> vector<16xf32>
      %broadcast_in_dim3A_1470 = vector.shape_cast %and3A_61 : vector<16xi32> to vector<16x1xi32>
      %gather3A_1471 = vector.shape_cast %broadcast_in_dim3A_1470 : vector<16x1xi32> to vector<16xi32>
      %gather3A_1472 = tpu.dynamic_gather %select_n3A_271[%gather3A_1471] in [0] : vector<16xf32>, vector<16xi32> -> vector<16xf32>
      %lt3A_1473 = arith.cmpf olt, %gather3A_1463, %select_n3A : vector<16xf32>
      %eq3A_1474 = arith.cmpf oeq, %gather3A_1463, %select_n3A : vector<16xf32>
      %and3A_1475 = arith.andi %eq3A_1474, %lt3A_166 : vector<16xi1>
      %or3A_1476 = arith.ori %lt3A_1473, %and3A_1475 : vector<16xi1>
      %jit3A_1477 = arith.constant 1 : i32
      %jit3A_1478 = arith.constant 0 : i32
      %broadcast_in_dim3A_1479 = vector.broadcast %jit3A_1477 : i32 to vector<16xi32>
      %broadcast_in_dim3A_1480 = vector.broadcast %jit3A_1478 : i32 to vector<16xi32>
      %select_n3A_1481 = arith.select %or3A_1476, %broadcast_in_dim3A_1479, %broadcast_in_dim3A_1480 : vector<16xi1>, vector<16xi32>
      %add3A_1482 = arith.addi %add3A_1367, %select_n3A_1481 : vector<16xi32>
      %lt3A_1483 = arith.cmpf olt, %gather3A_1466, %select_n3A : vector<16xf32>
      %jit3A_1484 = arith.constant 1 : i32
      %jit3A_1485 = arith.constant 0 : i32
      %broadcast_in_dim3A_1486 = vector.broadcast %jit3A_1484 : i32 to vector<16xi32>
      %broadcast_in_dim3A_1487 = vector.broadcast %jit3A_1485 : i32 to vector<16xi32>
      %select_n3A_1488 = arith.select %lt3A_1483, %broadcast_in_dim3A_1486, %broadcast_in_dim3A_1487 : vector<16xi1>, vector<16xi32>
      %add3A_1489 = arith.addi %add3A_1482, %select_n3A_1488 : vector<16xi32>
      %lt3A_1490 = arith.cmpf olt, %gather3A_1469, %select_n3A : vector<16xf32>
      %jit3A_1491 = arith.constant 1 : i32
      %jit3A_1492 = arith.constant 0 : i32
      %broadcast_in_dim3A_1493 = vector.broadcast %jit3A_1491 : i32 to vector<16xi32>
      %broadcast_in_dim3A_1494 = vector.broadcast %jit3A_1492 : i32 to vector<16xi32>
      %select_n3A_1495 = arith.select %lt3A_1490, %broadcast_in_dim3A_1493, %broadcast_in_dim3A_1494 : vector<16xi1>, vector<16xi32>
      %add3A_1496 = arith.addi %add3A_1489, %select_n3A_1495 : vector<16xi32>
      %lt3A_1497 = arith.cmpf olt, %gather3A_1472, %select_n3A : vector<16xf32>
      %jit3A_1498 = arith.constant 1 : i32
      %jit3A_1499 = arith.constant 0 : i32
      %broadcast_in_dim3A_1500 = vector.broadcast %jit3A_1498 : i32 to vector<16xi32>
      %broadcast_in_dim3A_1501 = vector.broadcast %jit3A_1499 : i32 to vector<16xi32>
      %select_n3A_1502 = arith.select %lt3A_1497, %broadcast_in_dim3A_1500, %broadcast_in_dim3A_1501 : vector<16xi1>, vector<16xi32>
      %add3A_1503 = arith.addi %add3A_1496, %select_n3A_1502 : vector<16xi32>
      %le3A_1504 = arith.cmpf ole, %gather3A_1463, %select_n3A_243 : vector<16xf32>
      %jit3A_1505 = arith.constant 1 : i32
      %jit3A_1506 = arith.constant 0 : i32
      %broadcast_in_dim3A_1507 = vector.broadcast %jit3A_1505 : i32 to vector<16xi32>
      %broadcast_in_dim3A_1508 = vector.broadcast %jit3A_1506 : i32 to vector<16xi32>
      %select_n3A_1509 = arith.select %le3A_1504, %broadcast_in_dim3A_1507, %broadcast_in_dim3A_1508 : vector<16xi1>, vector<16xi32>
      %add3A_1510 = arith.addi %add3A_1398, %select_n3A_1509 : vector<16xi32>
      %lt3A_1511 = arith.cmpf olt, %gather3A_1466, %select_n3A_243 : vector<16xf32>
      %eq3A_1512 = arith.cmpf oeq, %gather3A_1466, %select_n3A_243 : vector<16xf32>
      %and3A_1513 = arith.andi %eq3A_1512, %lt3A_166 : vector<16xi1>
      %or3A_1514 = arith.ori %lt3A_1511, %and3A_1513 : vector<16xi1>
      %jit3A_1515 = arith.constant 1 : i32
      %jit3A_1516 = arith.constant 0 : i32
      %broadcast_in_dim3A_1517 = vector.broadcast %jit3A_1515 : i32 to vector<16xi32>
      %broadcast_in_dim3A_1518 = vector.broadcast %jit3A_1516 : i32 to vector<16xi32>
      %select_n3A_1519 = arith.select %or3A_1514, %broadcast_in_dim3A_1517, %broadcast_in_dim3A_1518 : vector<16xi1>, vector<16xi32>
      %add3A_1520 = arith.addi %add3A_1510, %select_n3A_1519 : vector<16xi32>
      %lt3A_1521 = arith.cmpf olt, %gather3A_1469, %select_n3A_243 : vector<16xf32>
      %jit3A_1522 = arith.constant 1 : i32
      %jit3A_1523 = arith.constant 0 : i32
      %broadcast_in_dim3A_1524 = vector.broadcast %jit3A_1522 : i32 to vector<16xi32>
      %broadcast_in_dim3A_1525 = vector.broadcast %jit3A_1523 : i32 to vector<16xi32>
      %select_n3A_1526 = arith.select %lt3A_1521, %broadcast_in_dim3A_1524, %broadcast_in_dim3A_1525 : vector<16xi1>, vector<16xi32>
      %add3A_1527 = arith.addi %add3A_1520, %select_n3A_1526 : vector<16xi32>
      %lt3A_1528 = arith.cmpf olt, %gather3A_1472, %select_n3A_243 : vector<16xf32>
      %jit3A_1529 = arith.constant 1 : i32
      %jit3A_1530 = arith.constant 0 : i32
      %broadcast_in_dim3A_1531 = vector.broadcast %jit3A_1529 : i32 to vector<16xi32>
      %broadcast_in_dim3A_1532 = vector.broadcast %jit3A_1530 : i32 to vector<16xi32>
      %select_n3A_1533 = arith.select %lt3A_1528, %broadcast_in_dim3A_1531, %broadcast_in_dim3A_1532 : vector<16xi1>, vector<16xi32>
      %add3A_1534 = arith.addi %add3A_1527, %select_n3A_1533 : vector<16xi32>
      %le3A_1535 = arith.cmpf ole, %gather3A_1463, %select_n3A_257 : vector<16xf32>
      %jit3A_1536 = arith.constant 1 : i32
      %jit3A_1537 = arith.constant 0 : i32
      %broadcast_in_dim3A_1538 = vector.broadcast %jit3A_1536 : i32 to vector<16xi32>
      %broadcast_in_dim3A_1539 = vector.broadcast %jit3A_1537 : i32 to vector<16xi32>
      %select_n3A_1540 = arith.select %le3A_1535, %broadcast_in_dim3A_1538, %broadcast_in_dim3A_1539 : vector<16xi1>, vector<16xi32>
      %add3A_1541 = arith.addi %add3A_1429, %select_n3A_1540 : vector<16xi32>
      %le3A_1542 = arith.cmpf ole, %gather3A_1466, %select_n3A_257 : vector<16xf32>
      %jit3A_1543 = arith.constant 1 : i32
      %jit3A_1544 = arith.constant 0 : i32
      %broadcast_in_dim3A_1545 = vector.broadcast %jit3A_1543 : i32 to vector<16xi32>
      %broadcast_in_dim3A_1546 = vector.broadcast %jit3A_1544 : i32 to vector<16xi32>
      %select_n3A_1547 = arith.select %le3A_1542, %broadcast_in_dim3A_1545, %broadcast_in_dim3A_1546 : vector<16xi1>, vector<16xi32>
      %add3A_1548 = arith.addi %add3A_1541, %select_n3A_1547 : vector<16xi32>
      %lt3A_1549 = arith.cmpf olt, %gather3A_1469, %select_n3A_257 : vector<16xf32>
      %eq3A_1550 = arith.cmpf oeq, %gather3A_1469, %select_n3A_257 : vector<16xf32>
      %and3A_1551 = arith.andi %eq3A_1550, %lt3A_166 : vector<16xi1>
      %or3A_1552 = arith.ori %lt3A_1549, %and3A_1551 : vector<16xi1>
      %jit3A_1553 = arith.constant 1 : i32
      %jit3A_1554 = arith.constant 0 : i32
      %broadcast_in_dim3A_1555 = vector.broadcast %jit3A_1553 : i32 to vector<16xi32>
      %broadcast_in_dim3A_1556 = vector.broadcast %jit3A_1554 : i32 to vector<16xi32>
      %select_n3A_1557 = arith.select %or3A_1552, %broadcast_in_dim3A_1555, %broadcast_in_dim3A_1556 : vector<16xi1>, vector<16xi32>
      %add3A_1558 = arith.addi %add3A_1548, %select_n3A_1557 : vector<16xi32>
      %lt3A_1559 = arith.cmpf olt, %gather3A_1472, %select_n3A_257 : vector<16xf32>
      %jit3A_1560 = arith.constant 1 : i32
      %jit3A_1561 = arith.constant 0 : i32
      %broadcast_in_dim3A_1562 = vector.broadcast %jit3A_1560 : i32 to vector<16xi32>
      %broadcast_in_dim3A_1563 = vector.broadcast %jit3A_1561 : i32 to vector<16xi32>
      %select_n3A_1564 = arith.select %lt3A_1559, %broadcast_in_dim3A_1562, %broadcast_in_dim3A_1563 : vector<16xi1>, vector<16xi32>
      %add3A_1565 = arith.addi %add3A_1558, %select_n3A_1564 : vector<16xi32>
      %le3A_1566 = arith.cmpf ole, %gather3A_1463, %select_n3A_271 : vector<16xf32>
      %jit3A_1567 = arith.constant 1 : i32
      %jit3A_1568 = arith.constant 0 : i32
      %broadcast_in_dim3A_1569 = vector.broadcast %jit3A_1567 : i32 to vector<16xi32>
      %broadcast_in_dim3A_1570 = vector.broadcast %jit3A_1568 : i32 to vector<16xi32>
      %select_n3A_1571 = arith.select %le3A_1566, %broadcast_in_dim3A_1569, %broadcast_in_dim3A_1570 : vector<16xi1>, vector<16xi32>
      %add3A_1572 = arith.addi %add3A_1460, %select_n3A_1571 : vector<16xi32>
      %le3A_1573 = arith.cmpf ole, %gather3A_1466, %select_n3A_271 : vector<16xf32>
      %jit3A_1574 = arith.constant 1 : i32
      %jit3A_1575 = arith.constant 0 : i32
      %broadcast_in_dim3A_1576 = vector.broadcast %jit3A_1574 : i32 to vector<16xi32>
      %broadcast_in_dim3A_1577 = vector.broadcast %jit3A_1575 : i32 to vector<16xi32>
      %select_n3A_1578 = arith.select %le3A_1573, %broadcast_in_dim3A_1576, %broadcast_in_dim3A_1577 : vector<16xi1>, vector<16xi32>
      %add3A_1579 = arith.addi %add3A_1572, %select_n3A_1578 : vector<16xi32>
      %le3A_1580 = arith.cmpf ole, %gather3A_1469, %select_n3A_271 : vector<16xf32>
      %jit3A_1581 = arith.constant 1 : i32
      %jit3A_1582 = arith.constant 0 : i32
      %broadcast_in_dim3A_1583 = vector.broadcast %jit3A_1581 : i32 to vector<16xi32>
      %broadcast_in_dim3A_1584 = vector.broadcast %jit3A_1582 : i32 to vector<16xi32>
      %select_n3A_1585 = arith.select %le3A_1580, %broadcast_in_dim3A_1583, %broadcast_in_dim3A_1584 : vector<16xi1>, vector<16xi32>
      %add3A_1586 = arith.addi %add3A_1579, %select_n3A_1585 : vector<16xi32>
      %lt3A_1587 = arith.cmpf olt, %gather3A_1472, %select_n3A_271 : vector<16xf32>
      %eq3A_1588 = arith.cmpf oeq, %gather3A_1472, %select_n3A_271 : vector<16xf32>
      %and3A_1589 = arith.andi %eq3A_1588, %lt3A_166 : vector<16xi1>
      %or3A_1590 = arith.ori %lt3A_1587, %and3A_1589 : vector<16xi1>
      %jit3A_1591 = arith.constant 1 : i32
      %jit3A_1592 = arith.constant 0 : i32
      %broadcast_in_dim3A_1593 = vector.broadcast %jit3A_1591 : i32 to vector<16xi32>
      %broadcast_in_dim3A_1594 = vector.broadcast %jit3A_1592 : i32 to vector<16xi32>
      %select_n3A_1595 = arith.select %or3A_1590, %broadcast_in_dim3A_1593, %broadcast_in_dim3A_1594 : vector<16xi1>, vector<16xi32>
      %add3A_1596 = arith.addi %add3A_1586, %select_n3A_1595 : vector<16xi32>
      %broadcast_in_dim3A_1597 = vector.shape_cast %and3A_67 : vector<16xi32> to vector<16x1xi32>
      %gather3A_1598 = vector.shape_cast %broadcast_in_dim3A_1597 : vector<16x1xi32> to vector<16xi32>
      %gather3A_1599 = tpu.dynamic_gather %select_n3A[%gather3A_1598] in [0] : vector<16xf32>, vector<16xi32> -> vector<16xf32>
      %broadcast_in_dim3A_1600 = vector.shape_cast %and3A_67 : vector<16xi32> to vector<16x1xi32>
      %gather3A_1601 = vector.shape_cast %broadcast_in_dim3A_1600 : vector<16x1xi32> to vector<16xi32>
      %gather3A_1602 = tpu.dynamic_gather %select_n3A_243[%gather3A_1601] in [0] : vector<16xf32>, vector<16xi32> -> vector<16xf32>
      %broadcast_in_dim3A_1603 = vector.shape_cast %and3A_67 : vector<16xi32> to vector<16x1xi32>
      %gather3A_1604 = vector.shape_cast %broadcast_in_dim3A_1603 : vector<16x1xi32> to vector<16xi32>
      %gather3A_1605 = tpu.dynamic_gather %select_n3A_257[%gather3A_1604] in [0] : vector<16xf32>, vector<16xi32> -> vector<16xf32>
      %broadcast_in_dim3A_1606 = vector.shape_cast %and3A_67 : vector<16xi32> to vector<16x1xi32>
      %gather3A_1607 = vector.shape_cast %broadcast_in_dim3A_1606 : vector<16x1xi32> to vector<16xi32>
      %gather3A_1608 = tpu.dynamic_gather %select_n3A_271[%gather3A_1607] in [0] : vector<16xf32>, vector<16xi32> -> vector<16xf32>
      %lt3A_1609 = arith.cmpf olt, %gather3A_1599, %select_n3A : vector<16xf32>
      %eq3A_1610 = arith.cmpf oeq, %gather3A_1599, %select_n3A : vector<16xf32>
      %and3A_1611 = arith.andi %eq3A_1610, %lt3A_173 : vector<16xi1>
      %or3A_1612 = arith.ori %lt3A_1609, %and3A_1611 : vector<16xi1>
      %jit3A_1613 = arith.constant 1 : i32
      %jit3A_1614 = arith.constant 0 : i32
      %broadcast_in_dim3A_1615 = vector.broadcast %jit3A_1613 : i32 to vector<16xi32>
      %broadcast_in_dim3A_1616 = vector.broadcast %jit3A_1614 : i32 to vector<16xi32>
      %select_n3A_1617 = arith.select %or3A_1612, %broadcast_in_dim3A_1615, %broadcast_in_dim3A_1616 : vector<16xi1>, vector<16xi32>
      %add3A_1618 = arith.addi %add3A_1503, %select_n3A_1617 : vector<16xi32>
      %lt3A_1619 = arith.cmpf olt, %gather3A_1602, %select_n3A : vector<16xf32>
      %jit3A_1620 = arith.constant 1 : i32
      %jit3A_1621 = arith.constant 0 : i32
      %broadcast_in_dim3A_1622 = vector.broadcast %jit3A_1620 : i32 to vector<16xi32>
      %broadcast_in_dim3A_1623 = vector.broadcast %jit3A_1621 : i32 to vector<16xi32>
      %select_n3A_1624 = arith.select %lt3A_1619, %broadcast_in_dim3A_1622, %broadcast_in_dim3A_1623 : vector<16xi1>, vector<16xi32>
      %add3A_1625 = arith.addi %add3A_1618, %select_n3A_1624 : vector<16xi32>
      %lt3A_1626 = arith.cmpf olt, %gather3A_1605, %select_n3A : vector<16xf32>
      %jit3A_1627 = arith.constant 1 : i32
      %jit3A_1628 = arith.constant 0 : i32
      %broadcast_in_dim3A_1629 = vector.broadcast %jit3A_1627 : i32 to vector<16xi32>
      %broadcast_in_dim3A_1630 = vector.broadcast %jit3A_1628 : i32 to vector<16xi32>
      %select_n3A_1631 = arith.select %lt3A_1626, %broadcast_in_dim3A_1629, %broadcast_in_dim3A_1630 : vector<16xi1>, vector<16xi32>
      %add3A_1632 = arith.addi %add3A_1625, %select_n3A_1631 : vector<16xi32>
      %lt3A_1633 = arith.cmpf olt, %gather3A_1608, %select_n3A : vector<16xf32>
      %jit3A_1634 = arith.constant 1 : i32
      %jit3A_1635 = arith.constant 0 : i32
      %broadcast_in_dim3A_1636 = vector.broadcast %jit3A_1634 : i32 to vector<16xi32>
      %broadcast_in_dim3A_1637 = vector.broadcast %jit3A_1635 : i32 to vector<16xi32>
      %select_n3A_1638 = arith.select %lt3A_1633, %broadcast_in_dim3A_1636, %broadcast_in_dim3A_1637 : vector<16xi1>, vector<16xi32>
      %add3A_1639 = arith.addi %add3A_1632, %select_n3A_1638 : vector<16xi32>
      %le3A_1640 = arith.cmpf ole, %gather3A_1599, %select_n3A_243 : vector<16xf32>
      %jit3A_1641 = arith.constant 1 : i32
      %jit3A_1642 = arith.constant 0 : i32
      %broadcast_in_dim3A_1643 = vector.broadcast %jit3A_1641 : i32 to vector<16xi32>
      %broadcast_in_dim3A_1644 = vector.broadcast %jit3A_1642 : i32 to vector<16xi32>
      %select_n3A_1645 = arith.select %le3A_1640, %broadcast_in_dim3A_1643, %broadcast_in_dim3A_1644 : vector<16xi1>, vector<16xi32>
      %add3A_1646 = arith.addi %add3A_1534, %select_n3A_1645 : vector<16xi32>
      %lt3A_1647 = arith.cmpf olt, %gather3A_1602, %select_n3A_243 : vector<16xf32>
      %eq3A_1648 = arith.cmpf oeq, %gather3A_1602, %select_n3A_243 : vector<16xf32>
      %and3A_1649 = arith.andi %eq3A_1648, %lt3A_173 : vector<16xi1>
      %or3A_1650 = arith.ori %lt3A_1647, %and3A_1649 : vector<16xi1>
      %jit3A_1651 = arith.constant 1 : i32
      %jit3A_1652 = arith.constant 0 : i32
      %broadcast_in_dim3A_1653 = vector.broadcast %jit3A_1651 : i32 to vector<16xi32>
      %broadcast_in_dim3A_1654 = vector.broadcast %jit3A_1652 : i32 to vector<16xi32>
      %select_n3A_1655 = arith.select %or3A_1650, %broadcast_in_dim3A_1653, %broadcast_in_dim3A_1654 : vector<16xi1>, vector<16xi32>
      %add3A_1656 = arith.addi %add3A_1646, %select_n3A_1655 : vector<16xi32>
      %lt3A_1657 = arith.cmpf olt, %gather3A_1605, %select_n3A_243 : vector<16xf32>
      %jit3A_1658 = arith.constant 1 : i32
      %jit3A_1659 = arith.constant 0 : i32
      %broadcast_in_dim3A_1660 = vector.broadcast %jit3A_1658 : i32 to vector<16xi32>
      %broadcast_in_dim3A_1661 = vector.broadcast %jit3A_1659 : i32 to vector<16xi32>
      %select_n3A_1662 = arith.select %lt3A_1657, %broadcast_in_dim3A_1660, %broadcast_in_dim3A_1661 : vector<16xi1>, vector<16xi32>
      %add3A_1663 = arith.addi %add3A_1656, %select_n3A_1662 : vector<16xi32>
      %lt3A_1664 = arith.cmpf olt, %gather3A_1608, %select_n3A_243 : vector<16xf32>
      %jit3A_1665 = arith.constant 1 : i32
      %jit3A_1666 = arith.constant 0 : i32
      %broadcast_in_dim3A_1667 = vector.broadcast %jit3A_1665 : i32 to vector<16xi32>
      %broadcast_in_dim3A_1668 = vector.broadcast %jit3A_1666 : i32 to vector<16xi32>
      %select_n3A_1669 = arith.select %lt3A_1664, %broadcast_in_dim3A_1667, %broadcast_in_dim3A_1668 : vector<16xi1>, vector<16xi32>
      %add3A_1670 = arith.addi %add3A_1663, %select_n3A_1669 : vector<16xi32>
      %le3A_1671 = arith.cmpf ole, %gather3A_1599, %select_n3A_257 : vector<16xf32>
      %jit3A_1672 = arith.constant 1 : i32
      %jit3A_1673 = arith.constant 0 : i32
      %broadcast_in_dim3A_1674 = vector.broadcast %jit3A_1672 : i32 to vector<16xi32>
      %broadcast_in_dim3A_1675 = vector.broadcast %jit3A_1673 : i32 to vector<16xi32>
      %select_n3A_1676 = arith.select %le3A_1671, %broadcast_in_dim3A_1674, %broadcast_in_dim3A_1675 : vector<16xi1>, vector<16xi32>
      %add3A_1677 = arith.addi %add3A_1565, %select_n3A_1676 : vector<16xi32>
      %le3A_1678 = arith.cmpf ole, %gather3A_1602, %select_n3A_257 : vector<16xf32>
      %jit3A_1679 = arith.constant 1 : i32
      %jit3A_1680 = arith.constant 0 : i32
      %broadcast_in_dim3A_1681 = vector.broadcast %jit3A_1679 : i32 to vector<16xi32>
      %broadcast_in_dim3A_1682 = vector.broadcast %jit3A_1680 : i32 to vector<16xi32>
      %select_n3A_1683 = arith.select %le3A_1678, %broadcast_in_dim3A_1681, %broadcast_in_dim3A_1682 : vector<16xi1>, vector<16xi32>
      %add3A_1684 = arith.addi %add3A_1677, %select_n3A_1683 : vector<16xi32>
      %lt3A_1685 = arith.cmpf olt, %gather3A_1605, %select_n3A_257 : vector<16xf32>
      %eq3A_1686 = arith.cmpf oeq, %gather3A_1605, %select_n3A_257 : vector<16xf32>
      %and3A_1687 = arith.andi %eq3A_1686, %lt3A_173 : vector<16xi1>
      %or3A_1688 = arith.ori %lt3A_1685, %and3A_1687 : vector<16xi1>
      %jit3A_1689 = arith.constant 1 : i32
      %jit3A_1690 = arith.constant 0 : i32
      %broadcast_in_dim3A_1691 = vector.broadcast %jit3A_1689 : i32 to vector<16xi32>
      %broadcast_in_dim3A_1692 = vector.broadcast %jit3A_1690 : i32 to vector<16xi32>
      %select_n3A_1693 = arith.select %or3A_1688, %broadcast_in_dim3A_1691, %broadcast_in_dim3A_1692 : vector<16xi1>, vector<16xi32>
      %add3A_1694 = arith.addi %add3A_1684, %select_n3A_1693 : vector<16xi32>
      %lt3A_1695 = arith.cmpf olt, %gather3A_1608, %select_n3A_257 : vector<16xf32>
      %jit3A_1696 = arith.constant 1 : i32
      %jit3A_1697 = arith.constant 0 : i32
      %broadcast_in_dim3A_1698 = vector.broadcast %jit3A_1696 : i32 to vector<16xi32>
      %broadcast_in_dim3A_1699 = vector.broadcast %jit3A_1697 : i32 to vector<16xi32>
      %select_n3A_1700 = arith.select %lt3A_1695, %broadcast_in_dim3A_1698, %broadcast_in_dim3A_1699 : vector<16xi1>, vector<16xi32>
      %add3A_1701 = arith.addi %add3A_1694, %select_n3A_1700 : vector<16xi32>
      %le3A_1702 = arith.cmpf ole, %gather3A_1599, %select_n3A_271 : vector<16xf32>
      %jit3A_1703 = arith.constant 1 : i32
      %jit3A_1704 = arith.constant 0 : i32
      %broadcast_in_dim3A_1705 = vector.broadcast %jit3A_1703 : i32 to vector<16xi32>
      %broadcast_in_dim3A_1706 = vector.broadcast %jit3A_1704 : i32 to vector<16xi32>
      %select_n3A_1707 = arith.select %le3A_1702, %broadcast_in_dim3A_1705, %broadcast_in_dim3A_1706 : vector<16xi1>, vector<16xi32>
      %add3A_1708 = arith.addi %add3A_1596, %select_n3A_1707 : vector<16xi32>
      %le3A_1709 = arith.cmpf ole, %gather3A_1602, %select_n3A_271 : vector<16xf32>
      %jit3A_1710 = arith.constant 1 : i32
      %jit3A_1711 = arith.constant 0 : i32
      %broadcast_in_dim3A_1712 = vector.broadcast %jit3A_1710 : i32 to vector<16xi32>
      %broadcast_in_dim3A_1713 = vector.broadcast %jit3A_1711 : i32 to vector<16xi32>
      %select_n3A_1714 = arith.select %le3A_1709, %broadcast_in_dim3A_1712, %broadcast_in_dim3A_1713 : vector<16xi1>, vector<16xi32>
      %add3A_1715 = arith.addi %add3A_1708, %select_n3A_1714 : vector<16xi32>
      %le3A_1716 = arith.cmpf ole, %gather3A_1605, %select_n3A_271 : vector<16xf32>
      %jit3A_1717 = arith.constant 1 : i32
      %jit3A_1718 = arith.constant 0 : i32
      %broadcast_in_dim3A_1719 = vector.broadcast %jit3A_1717 : i32 to vector<16xi32>
      %broadcast_in_dim3A_1720 = vector.broadcast %jit3A_1718 : i32 to vector<16xi32>
      %select_n3A_1721 = arith.select %le3A_1716, %broadcast_in_dim3A_1719, %broadcast_in_dim3A_1720 : vector<16xi1>, vector<16xi32>
      %add3A_1722 = arith.addi %add3A_1715, %select_n3A_1721 : vector<16xi32>
      %lt3A_1723 = arith.cmpf olt, %gather3A_1608, %select_n3A_271 : vector<16xf32>
      %eq3A_1724 = arith.cmpf oeq, %gather3A_1608, %select_n3A_271 : vector<16xf32>
      %and3A_1725 = arith.andi %eq3A_1724, %lt3A_173 : vector<16xi1>
      %or3A_1726 = arith.ori %lt3A_1723, %and3A_1725 : vector<16xi1>
      %jit3A_1727 = arith.constant 1 : i32
      %jit3A_1728 = arith.constant 0 : i32
      %broadcast_in_dim3A_1729 = vector.broadcast %jit3A_1727 : i32 to vector<16xi32>
      %broadcast_in_dim3A_1730 = vector.broadcast %jit3A_1728 : i32 to vector<16xi32>
      %select_n3A_1731 = arith.select %or3A_1726, %broadcast_in_dim3A_1729, %broadcast_in_dim3A_1730 : vector<16xi1>, vector<16xi32>
      %add3A_1732 = arith.addi %add3A_1722, %select_n3A_1731 : vector<16xi32>
      %broadcast_in_dim3A_1733 = vector.shape_cast %and3A_73 : vector<16xi32> to vector<16x1xi32>
      %gather3A_1734 = vector.shape_cast %broadcast_in_dim3A_1733 : vector<16x1xi32> to vector<16xi32>
      %gather3A_1735 = tpu.dynamic_gather %select_n3A[%gather3A_1734] in [0] : vector<16xf32>, vector<16xi32> -> vector<16xf32>
      %broadcast_in_dim3A_1736 = vector.shape_cast %and3A_73 : vector<16xi32> to vector<16x1xi32>
      %gather3A_1737 = vector.shape_cast %broadcast_in_dim3A_1736 : vector<16x1xi32> to vector<16xi32>
      %gather3A_1738 = tpu.dynamic_gather %select_n3A_243[%gather3A_1737] in [0] : vector<16xf32>, vector<16xi32> -> vector<16xf32>
      %broadcast_in_dim3A_1739 = vector.shape_cast %and3A_73 : vector<16xi32> to vector<16x1xi32>
      %gather3A_1740 = vector.shape_cast %broadcast_in_dim3A_1739 : vector<16x1xi32> to vector<16xi32>
      %gather3A_1741 = tpu.dynamic_gather %select_n3A_257[%gather3A_1740] in [0] : vector<16xf32>, vector<16xi32> -> vector<16xf32>
      %broadcast_in_dim3A_1742 = vector.shape_cast %and3A_73 : vector<16xi32> to vector<16x1xi32>
      %gather3A_1743 = vector.shape_cast %broadcast_in_dim3A_1742 : vector<16x1xi32> to vector<16xi32>
      %gather3A_1744 = tpu.dynamic_gather %select_n3A_271[%gather3A_1743] in [0] : vector<16xf32>, vector<16xi32> -> vector<16xf32>
      %lt3A_1745 = arith.cmpf olt, %gather3A_1735, %select_n3A : vector<16xf32>
      %eq3A_1746 = arith.cmpf oeq, %gather3A_1735, %select_n3A : vector<16xf32>
      %and3A_1747 = arith.andi %eq3A_1746, %lt3A_180 : vector<16xi1>
      %or3A_1748 = arith.ori %lt3A_1745, %and3A_1747 : vector<16xi1>
      %jit3A_1749 = arith.constant 1 : i32
      %jit3A_1750 = arith.constant 0 : i32
      %broadcast_in_dim3A_1751 = vector.broadcast %jit3A_1749 : i32 to vector<16xi32>
      %broadcast_in_dim3A_1752 = vector.broadcast %jit3A_1750 : i32 to vector<16xi32>
      %select_n3A_1753 = arith.select %or3A_1748, %broadcast_in_dim3A_1751, %broadcast_in_dim3A_1752 : vector<16xi1>, vector<16xi32>
      %add3A_1754 = arith.addi %add3A_1639, %select_n3A_1753 : vector<16xi32>
      %lt3A_1755 = arith.cmpf olt, %gather3A_1738, %select_n3A : vector<16xf32>
      %jit3A_1756 = arith.constant 1 : i32
      %jit3A_1757 = arith.constant 0 : i32
      %broadcast_in_dim3A_1758 = vector.broadcast %jit3A_1756 : i32 to vector<16xi32>
      %broadcast_in_dim3A_1759 = vector.broadcast %jit3A_1757 : i32 to vector<16xi32>
      %select_n3A_1760 = arith.select %lt3A_1755, %broadcast_in_dim3A_1758, %broadcast_in_dim3A_1759 : vector<16xi1>, vector<16xi32>
      %add3A_1761 = arith.addi %add3A_1754, %select_n3A_1760 : vector<16xi32>
      %lt3A_1762 = arith.cmpf olt, %gather3A_1741, %select_n3A : vector<16xf32>
      %jit3A_1763 = arith.constant 1 : i32
      %jit3A_1764 = arith.constant 0 : i32
      %broadcast_in_dim3A_1765 = vector.broadcast %jit3A_1763 : i32 to vector<16xi32>
      %broadcast_in_dim3A_1766 = vector.broadcast %jit3A_1764 : i32 to vector<16xi32>
      %select_n3A_1767 = arith.select %lt3A_1762, %broadcast_in_dim3A_1765, %broadcast_in_dim3A_1766 : vector<16xi1>, vector<16xi32>
      %add3A_1768 = arith.addi %add3A_1761, %select_n3A_1767 : vector<16xi32>
      %lt3A_1769 = arith.cmpf olt, %gather3A_1744, %select_n3A : vector<16xf32>
      %jit3A_1770 = arith.constant 1 : i32
      %jit3A_1771 = arith.constant 0 : i32
      %broadcast_in_dim3A_1772 = vector.broadcast %jit3A_1770 : i32 to vector<16xi32>
      %broadcast_in_dim3A_1773 = vector.broadcast %jit3A_1771 : i32 to vector<16xi32>
      %select_n3A_1774 = arith.select %lt3A_1769, %broadcast_in_dim3A_1772, %broadcast_in_dim3A_1773 : vector<16xi1>, vector<16xi32>
      %add3A_1775 = arith.addi %add3A_1768, %select_n3A_1774 : vector<16xi32>
      %le3A_1776 = arith.cmpf ole, %gather3A_1735, %select_n3A_243 : vector<16xf32>
      %jit3A_1777 = arith.constant 1 : i32
      %jit3A_1778 = arith.constant 0 : i32
      %broadcast_in_dim3A_1779 = vector.broadcast %jit3A_1777 : i32 to vector<16xi32>
      %broadcast_in_dim3A_1780 = vector.broadcast %jit3A_1778 : i32 to vector<16xi32>
      %select_n3A_1781 = arith.select %le3A_1776, %broadcast_in_dim3A_1779, %broadcast_in_dim3A_1780 : vector<16xi1>, vector<16xi32>
      %add3A_1782 = arith.addi %add3A_1670, %select_n3A_1781 : vector<16xi32>
      %lt3A_1783 = arith.cmpf olt, %gather3A_1738, %select_n3A_243 : vector<16xf32>
      %eq3A_1784 = arith.cmpf oeq, %gather3A_1738, %select_n3A_243 : vector<16xf32>
      %and3A_1785 = arith.andi %eq3A_1784, %lt3A_180 : vector<16xi1>
      %or3A_1786 = arith.ori %lt3A_1783, %and3A_1785 : vector<16xi1>
      %jit3A_1787 = arith.constant 1 : i32
      %jit3A_1788 = arith.constant 0 : i32
      %broadcast_in_dim3A_1789 = vector.broadcast %jit3A_1787 : i32 to vector<16xi32>
      %broadcast_in_dim3A_1790 = vector.broadcast %jit3A_1788 : i32 to vector<16xi32>
      %select_n3A_1791 = arith.select %or3A_1786, %broadcast_in_dim3A_1789, %broadcast_in_dim3A_1790 : vector<16xi1>, vector<16xi32>
      %add3A_1792 = arith.addi %add3A_1782, %select_n3A_1791 : vector<16xi32>
      %lt3A_1793 = arith.cmpf olt, %gather3A_1741, %select_n3A_243 : vector<16xf32>
      %jit3A_1794 = arith.constant 1 : i32
      %jit3A_1795 = arith.constant 0 : i32
      %broadcast_in_dim3A_1796 = vector.broadcast %jit3A_1794 : i32 to vector<16xi32>
      %broadcast_in_dim3A_1797 = vector.broadcast %jit3A_1795 : i32 to vector<16xi32>
      %select_n3A_1798 = arith.select %lt3A_1793, %broadcast_in_dim3A_1796, %broadcast_in_dim3A_1797 : vector<16xi1>, vector<16xi32>
      %add3A_1799 = arith.addi %add3A_1792, %select_n3A_1798 : vector<16xi32>
      %lt3A_1800 = arith.cmpf olt, %gather3A_1744, %select_n3A_243 : vector<16xf32>
      %jit3A_1801 = arith.constant 1 : i32
      %jit3A_1802 = arith.constant 0 : i32
      %broadcast_in_dim3A_1803 = vector.broadcast %jit3A_1801 : i32 to vector<16xi32>
      %broadcast_in_dim3A_1804 = vector.broadcast %jit3A_1802 : i32 to vector<16xi32>
      %select_n3A_1805 = arith.select %lt3A_1800, %broadcast_in_dim3A_1803, %broadcast_in_dim3A_1804 : vector<16xi1>, vector<16xi32>
      %add3A_1806 = arith.addi %add3A_1799, %select_n3A_1805 : vector<16xi32>
      %le3A_1807 = arith.cmpf ole, %gather3A_1735, %select_n3A_257 : vector<16xf32>
      %jit3A_1808 = arith.constant 1 : i32
      %jit3A_1809 = arith.constant 0 : i32
      %broadcast_in_dim3A_1810 = vector.broadcast %jit3A_1808 : i32 to vector<16xi32>
      %broadcast_in_dim3A_1811 = vector.broadcast %jit3A_1809 : i32 to vector<16xi32>
      %select_n3A_1812 = arith.select %le3A_1807, %broadcast_in_dim3A_1810, %broadcast_in_dim3A_1811 : vector<16xi1>, vector<16xi32>
      %add3A_1813 = arith.addi %add3A_1701, %select_n3A_1812 : vector<16xi32>
      %le3A_1814 = arith.cmpf ole, %gather3A_1738, %select_n3A_257 : vector<16xf32>
      %jit3A_1815 = arith.constant 1 : i32
      %jit3A_1816 = arith.constant 0 : i32
      %broadcast_in_dim3A_1817 = vector.broadcast %jit3A_1815 : i32 to vector<16xi32>
      %broadcast_in_dim3A_1818 = vector.broadcast %jit3A_1816 : i32 to vector<16xi32>
      %select_n3A_1819 = arith.select %le3A_1814, %broadcast_in_dim3A_1817, %broadcast_in_dim3A_1818 : vector<16xi1>, vector<16xi32>
      %add3A_1820 = arith.addi %add3A_1813, %select_n3A_1819 : vector<16xi32>
      %lt3A_1821 = arith.cmpf olt, %gather3A_1741, %select_n3A_257 : vector<16xf32>
      %eq3A_1822 = arith.cmpf oeq, %gather3A_1741, %select_n3A_257 : vector<16xf32>
      %and3A_1823 = arith.andi %eq3A_1822, %lt3A_180 : vector<16xi1>
      %or3A_1824 = arith.ori %lt3A_1821, %and3A_1823 : vector<16xi1>
      %jit3A_1825 = arith.constant 1 : i32
      %jit3A_1826 = arith.constant 0 : i32
      %broadcast_in_dim3A_1827 = vector.broadcast %jit3A_1825 : i32 to vector<16xi32>
      %broadcast_in_dim3A_1828 = vector.broadcast %jit3A_1826 : i32 to vector<16xi32>
      %select_n3A_1829 = arith.select %or3A_1824, %broadcast_in_dim3A_1827, %broadcast_in_dim3A_1828 : vector<16xi1>, vector<16xi32>
      %add3A_1830 = arith.addi %add3A_1820, %select_n3A_1829 : vector<16xi32>
      %lt3A_1831 = arith.cmpf olt, %gather3A_1744, %select_n3A_257 : vector<16xf32>
      %jit3A_1832 = arith.constant 1 : i32
      %jit3A_1833 = arith.constant 0 : i32
      %broadcast_in_dim3A_1834 = vector.broadcast %jit3A_1832 : i32 to vector<16xi32>
      %broadcast_in_dim3A_1835 = vector.broadcast %jit3A_1833 : i32 to vector<16xi32>
      %select_n3A_1836 = arith.select %lt3A_1831, %broadcast_in_dim3A_1834, %broadcast_in_dim3A_1835 : vector<16xi1>, vector<16xi32>
      %add3A_1837 = arith.addi %add3A_1830, %select_n3A_1836 : vector<16xi32>
      %le3A_1838 = arith.cmpf ole, %gather3A_1735, %select_n3A_271 : vector<16xf32>
      %jit3A_1839 = arith.constant 1 : i32
      %jit3A_1840 = arith.constant 0 : i32
      %broadcast_in_dim3A_1841 = vector.broadcast %jit3A_1839 : i32 to vector<16xi32>
      %broadcast_in_dim3A_1842 = vector.broadcast %jit3A_1840 : i32 to vector<16xi32>
      %select_n3A_1843 = arith.select %le3A_1838, %broadcast_in_dim3A_1841, %broadcast_in_dim3A_1842 : vector<16xi1>, vector<16xi32>
      %add3A_1844 = arith.addi %add3A_1732, %select_n3A_1843 : vector<16xi32>
      %le3A_1845 = arith.cmpf ole, %gather3A_1738, %select_n3A_271 : vector<16xf32>
      %jit3A_1846 = arith.constant 1 : i32
      %jit3A_1847 = arith.constant 0 : i32
      %broadcast_in_dim3A_1848 = vector.broadcast %jit3A_1846 : i32 to vector<16xi32>
      %broadcast_in_dim3A_1849 = vector.broadcast %jit3A_1847 : i32 to vector<16xi32>
      %select_n3A_1850 = arith.select %le3A_1845, %broadcast_in_dim3A_1848, %broadcast_in_dim3A_1849 : vector<16xi1>, vector<16xi32>
      %add3A_1851 = arith.addi %add3A_1844, %select_n3A_1850 : vector<16xi32>
      %le3A_1852 = arith.cmpf ole, %gather3A_1741, %select_n3A_271 : vector<16xf32>
      %jit3A_1853 = arith.constant 1 : i32
      %jit3A_1854 = arith.constant 0 : i32
      %broadcast_in_dim3A_1855 = vector.broadcast %jit3A_1853 : i32 to vector<16xi32>
      %broadcast_in_dim3A_1856 = vector.broadcast %jit3A_1854 : i32 to vector<16xi32>
      %select_n3A_1857 = arith.select %le3A_1852, %broadcast_in_dim3A_1855, %broadcast_in_dim3A_1856 : vector<16xi1>, vector<16xi32>
      %add3A_1858 = arith.addi %add3A_1851, %select_n3A_1857 : vector<16xi32>
      %lt3A_1859 = arith.cmpf olt, %gather3A_1744, %select_n3A_271 : vector<16xf32>
      %eq3A_1860 = arith.cmpf oeq, %gather3A_1744, %select_n3A_271 : vector<16xf32>
      %and3A_1861 = arith.andi %eq3A_1860, %lt3A_180 : vector<16xi1>
      %or3A_1862 = arith.ori %lt3A_1859, %and3A_1861 : vector<16xi1>
      %jit3A_1863 = arith.constant 1 : i32
      %jit3A_1864 = arith.constant 0 : i32
      %broadcast_in_dim3A_1865 = vector.broadcast %jit3A_1863 : i32 to vector<16xi32>
      %broadcast_in_dim3A_1866 = vector.broadcast %jit3A_1864 : i32 to vector<16xi32>
      %select_n3A_1867 = arith.select %or3A_1862, %broadcast_in_dim3A_1865, %broadcast_in_dim3A_1866 : vector<16xi1>, vector<16xi32>
      %add3A_1868 = arith.addi %add3A_1858, %select_n3A_1867 : vector<16xi32>
      %broadcast_in_dim3A_1869 = vector.shape_cast %and3A_79 : vector<16xi32> to vector<16x1xi32>
      %gather3A_1870 = vector.shape_cast %broadcast_in_dim3A_1869 : vector<16x1xi32> to vector<16xi32>
      %gather3A_1871 = tpu.dynamic_gather %select_n3A[%gather3A_1870] in [0] : vector<16xf32>, vector<16xi32> -> vector<16xf32>
      %broadcast_in_dim3A_1872 = vector.shape_cast %and3A_79 : vector<16xi32> to vector<16x1xi32>
      %gather3A_1873 = vector.shape_cast %broadcast_in_dim3A_1872 : vector<16x1xi32> to vector<16xi32>
      %gather3A_1874 = tpu.dynamic_gather %select_n3A_243[%gather3A_1873] in [0] : vector<16xf32>, vector<16xi32> -> vector<16xf32>
      %broadcast_in_dim3A_1875 = vector.shape_cast %and3A_79 : vector<16xi32> to vector<16x1xi32>
      %gather3A_1876 = vector.shape_cast %broadcast_in_dim3A_1875 : vector<16x1xi32> to vector<16xi32>
      %gather3A_1877 = tpu.dynamic_gather %select_n3A_257[%gather3A_1876] in [0] : vector<16xf32>, vector<16xi32> -> vector<16xf32>
      %broadcast_in_dim3A_1878 = vector.shape_cast %and3A_79 : vector<16xi32> to vector<16x1xi32>
      %gather3A_1879 = vector.shape_cast %broadcast_in_dim3A_1878 : vector<16x1xi32> to vector<16xi32>
      %gather3A_1880 = tpu.dynamic_gather %select_n3A_271[%gather3A_1879] in [0] : vector<16xf32>, vector<16xi32> -> vector<16xf32>
      %lt3A_1881 = arith.cmpf olt, %gather3A_1871, %select_n3A : vector<16xf32>
      %eq3A_1882 = arith.cmpf oeq, %gather3A_1871, %select_n3A : vector<16xf32>
      %and3A_1883 = arith.andi %eq3A_1882, %lt3A_187 : vector<16xi1>
      %or3A_1884 = arith.ori %lt3A_1881, %and3A_1883 : vector<16xi1>
      %jit3A_1885 = arith.constant 1 : i32
      %jit3A_1886 = arith.constant 0 : i32
      %broadcast_in_dim3A_1887 = vector.broadcast %jit3A_1885 : i32 to vector<16xi32>
      %broadcast_in_dim3A_1888 = vector.broadcast %jit3A_1886 : i32 to vector<16xi32>
      %select_n3A_1889 = arith.select %or3A_1884, %broadcast_in_dim3A_1887, %broadcast_in_dim3A_1888 : vector<16xi1>, vector<16xi32>
      %add3A_1890 = arith.addi %add3A_1775, %select_n3A_1889 : vector<16xi32>
      %lt3A_1891 = arith.cmpf olt, %gather3A_1874, %select_n3A : vector<16xf32>
      %jit3A_1892 = arith.constant 1 : i32
      %jit3A_1893 = arith.constant 0 : i32
      %broadcast_in_dim3A_1894 = vector.broadcast %jit3A_1892 : i32 to vector<16xi32>
      %broadcast_in_dim3A_1895 = vector.broadcast %jit3A_1893 : i32 to vector<16xi32>
      %select_n3A_1896 = arith.select %lt3A_1891, %broadcast_in_dim3A_1894, %broadcast_in_dim3A_1895 : vector<16xi1>, vector<16xi32>
      %add3A_1897 = arith.addi %add3A_1890, %select_n3A_1896 : vector<16xi32>
      %lt3A_1898 = arith.cmpf olt, %gather3A_1877, %select_n3A : vector<16xf32>
      %jit3A_1899 = arith.constant 1 : i32
      %jit3A_1900 = arith.constant 0 : i32
      %broadcast_in_dim3A_1901 = vector.broadcast %jit3A_1899 : i32 to vector<16xi32>
      %broadcast_in_dim3A_1902 = vector.broadcast %jit3A_1900 : i32 to vector<16xi32>
      %select_n3A_1903 = arith.select %lt3A_1898, %broadcast_in_dim3A_1901, %broadcast_in_dim3A_1902 : vector<16xi1>, vector<16xi32>
      %add3A_1904 = arith.addi %add3A_1897, %select_n3A_1903 : vector<16xi32>
      %lt3A_1905 = arith.cmpf olt, %gather3A_1880, %select_n3A : vector<16xf32>
      %jit3A_1906 = arith.constant 1 : i32
      %jit3A_1907 = arith.constant 0 : i32
      %broadcast_in_dim3A_1908 = vector.broadcast %jit3A_1906 : i32 to vector<16xi32>
      %broadcast_in_dim3A_1909 = vector.broadcast %jit3A_1907 : i32 to vector<16xi32>
      %select_n3A_1910 = arith.select %lt3A_1905, %broadcast_in_dim3A_1908, %broadcast_in_dim3A_1909 : vector<16xi1>, vector<16xi32>
      %add3A_1911 = arith.addi %add3A_1904, %select_n3A_1910 : vector<16xi32>
      %le3A_1912 = arith.cmpf ole, %gather3A_1871, %select_n3A_243 : vector<16xf32>
      %jit3A_1913 = arith.constant 1 : i32
      %jit3A_1914 = arith.constant 0 : i32
      %broadcast_in_dim3A_1915 = vector.broadcast %jit3A_1913 : i32 to vector<16xi32>
      %broadcast_in_dim3A_1916 = vector.broadcast %jit3A_1914 : i32 to vector<16xi32>
      %select_n3A_1917 = arith.select %le3A_1912, %broadcast_in_dim3A_1915, %broadcast_in_dim3A_1916 : vector<16xi1>, vector<16xi32>
      %add3A_1918 = arith.addi %add3A_1806, %select_n3A_1917 : vector<16xi32>
      %lt3A_1919 = arith.cmpf olt, %gather3A_1874, %select_n3A_243 : vector<16xf32>
      %eq3A_1920 = arith.cmpf oeq, %gather3A_1874, %select_n3A_243 : vector<16xf32>
      %and3A_1921 = arith.andi %eq3A_1920, %lt3A_187 : vector<16xi1>
      %or3A_1922 = arith.ori %lt3A_1919, %and3A_1921 : vector<16xi1>
      %jit3A_1923 = arith.constant 1 : i32
      %jit3A_1924 = arith.constant 0 : i32
      %broadcast_in_dim3A_1925 = vector.broadcast %jit3A_1923 : i32 to vector<16xi32>
      %broadcast_in_dim3A_1926 = vector.broadcast %jit3A_1924 : i32 to vector<16xi32>
      %select_n3A_1927 = arith.select %or3A_1922, %broadcast_in_dim3A_1925, %broadcast_in_dim3A_1926 : vector<16xi1>, vector<16xi32>
      %add3A_1928 = arith.addi %add3A_1918, %select_n3A_1927 : vector<16xi32>
      %lt3A_1929 = arith.cmpf olt, %gather3A_1877, %select_n3A_243 : vector<16xf32>
      %jit3A_1930 = arith.constant 1 : i32
      %jit3A_1931 = arith.constant 0 : i32
      %broadcast_in_dim3A_1932 = vector.broadcast %jit3A_1930 : i32 to vector<16xi32>
      %broadcast_in_dim3A_1933 = vector.broadcast %jit3A_1931 : i32 to vector<16xi32>
      %select_n3A_1934 = arith.select %lt3A_1929, %broadcast_in_dim3A_1932, %broadcast_in_dim3A_1933 : vector<16xi1>, vector<16xi32>
      %add3A_1935 = arith.addi %add3A_1928, %select_n3A_1934 : vector<16xi32>
      %lt3A_1936 = arith.cmpf olt, %gather3A_1880, %select_n3A_243 : vector<16xf32>
      %jit3A_1937 = arith.constant 1 : i32
      %jit3A_1938 = arith.constant 0 : i32
      %broadcast_in_dim3A_1939 = vector.broadcast %jit3A_1937 : i32 to vector<16xi32>
      %broadcast_in_dim3A_1940 = vector.broadcast %jit3A_1938 : i32 to vector<16xi32>
      %select_n3A_1941 = arith.select %lt3A_1936, %broadcast_in_dim3A_1939, %broadcast_in_dim3A_1940 : vector<16xi1>, vector<16xi32>
      %add3A_1942 = arith.addi %add3A_1935, %select_n3A_1941 : vector<16xi32>
      %le3A_1943 = arith.cmpf ole, %gather3A_1871, %select_n3A_257 : vector<16xf32>
      %jit3A_1944 = arith.constant 1 : i32
      %jit3A_1945 = arith.constant 0 : i32
      %broadcast_in_dim3A_1946 = vector.broadcast %jit3A_1944 : i32 to vector<16xi32>
      %broadcast_in_dim3A_1947 = vector.broadcast %jit3A_1945 : i32 to vector<16xi32>
      %select_n3A_1948 = arith.select %le3A_1943, %broadcast_in_dim3A_1946, %broadcast_in_dim3A_1947 : vector<16xi1>, vector<16xi32>
      %add3A_1949 = arith.addi %add3A_1837, %select_n3A_1948 : vector<16xi32>
      %le3A_1950 = arith.cmpf ole, %gather3A_1874, %select_n3A_257 : vector<16xf32>
      %jit3A_1951 = arith.constant 1 : i32
      %jit3A_1952 = arith.constant 0 : i32
      %broadcast_in_dim3A_1953 = vector.broadcast %jit3A_1951 : i32 to vector<16xi32>
      %broadcast_in_dim3A_1954 = vector.broadcast %jit3A_1952 : i32 to vector<16xi32>
      %select_n3A_1955 = arith.select %le3A_1950, %broadcast_in_dim3A_1953, %broadcast_in_dim3A_1954 : vector<16xi1>, vector<16xi32>
      %add3A_1956 = arith.addi %add3A_1949, %select_n3A_1955 : vector<16xi32>
      %lt3A_1957 = arith.cmpf olt, %gather3A_1877, %select_n3A_257 : vector<16xf32>
      %eq3A_1958 = arith.cmpf oeq, %gather3A_1877, %select_n3A_257 : vector<16xf32>
      %and3A_1959 = arith.andi %eq3A_1958, %lt3A_187 : vector<16xi1>
      %or3A_1960 = arith.ori %lt3A_1957, %and3A_1959 : vector<16xi1>
      %jit3A_1961 = arith.constant 1 : i32
      %jit3A_1962 = arith.constant 0 : i32
      %broadcast_in_dim3A_1963 = vector.broadcast %jit3A_1961 : i32 to vector<16xi32>
      %broadcast_in_dim3A_1964 = vector.broadcast %jit3A_1962 : i32 to vector<16xi32>
      %select_n3A_1965 = arith.select %or3A_1960, %broadcast_in_dim3A_1963, %broadcast_in_dim3A_1964 : vector<16xi1>, vector<16xi32>
      %add3A_1966 = arith.addi %add3A_1956, %select_n3A_1965 : vector<16xi32>
      %lt3A_1967 = arith.cmpf olt, %gather3A_1880, %select_n3A_257 : vector<16xf32>
      %jit3A_1968 = arith.constant 1 : i32
      %jit3A_1969 = arith.constant 0 : i32
      %broadcast_in_dim3A_1970 = vector.broadcast %jit3A_1968 : i32 to vector<16xi32>
      %broadcast_in_dim3A_1971 = vector.broadcast %jit3A_1969 : i32 to vector<16xi32>
      %select_n3A_1972 = arith.select %lt3A_1967, %broadcast_in_dim3A_1970, %broadcast_in_dim3A_1971 : vector<16xi1>, vector<16xi32>
      %add3A_1973 = arith.addi %add3A_1966, %select_n3A_1972 : vector<16xi32>
      %le3A_1974 = arith.cmpf ole, %gather3A_1871, %select_n3A_271 : vector<16xf32>
      %jit3A_1975 = arith.constant 1 : i32
      %jit3A_1976 = arith.constant 0 : i32
      %broadcast_in_dim3A_1977 = vector.broadcast %jit3A_1975 : i32 to vector<16xi32>
      %broadcast_in_dim3A_1978 = vector.broadcast %jit3A_1976 : i32 to vector<16xi32>
      %select_n3A_1979 = arith.select %le3A_1974, %broadcast_in_dim3A_1977, %broadcast_in_dim3A_1978 : vector<16xi1>, vector<16xi32>
      %add3A_1980 = arith.addi %add3A_1868, %select_n3A_1979 : vector<16xi32>
      %le3A_1981 = arith.cmpf ole, %gather3A_1874, %select_n3A_271 : vector<16xf32>
      %jit3A_1982 = arith.constant 1 : i32
      %jit3A_1983 = arith.constant 0 : i32
      %broadcast_in_dim3A_1984 = vector.broadcast %jit3A_1982 : i32 to vector<16xi32>
      %broadcast_in_dim3A_1985 = vector.broadcast %jit3A_1983 : i32 to vector<16xi32>
      %select_n3A_1986 = arith.select %le3A_1981, %broadcast_in_dim3A_1984, %broadcast_in_dim3A_1985 : vector<16xi1>, vector<16xi32>
      %add3A_1987 = arith.addi %add3A_1980, %select_n3A_1986 : vector<16xi32>
      %le3A_1988 = arith.cmpf ole, %gather3A_1877, %select_n3A_271 : vector<16xf32>
      %jit3A_1989 = arith.constant 1 : i32
      %jit3A_1990 = arith.constant 0 : i32
      %broadcast_in_dim3A_1991 = vector.broadcast %jit3A_1989 : i32 to vector<16xi32>
      %broadcast_in_dim3A_1992 = vector.broadcast %jit3A_1990 : i32 to vector<16xi32>
      %select_n3A_1993 = arith.select %le3A_1988, %broadcast_in_dim3A_1991, %broadcast_in_dim3A_1992 : vector<16xi1>, vector<16xi32>
      %add3A_1994 = arith.addi %add3A_1987, %select_n3A_1993 : vector<16xi32>
      %lt3A_1995 = arith.cmpf olt, %gather3A_1880, %select_n3A_271 : vector<16xf32>
      %eq3A_1996 = arith.cmpf oeq, %gather3A_1880, %select_n3A_271 : vector<16xf32>
      %and3A_1997 = arith.andi %eq3A_1996, %lt3A_187 : vector<16xi1>
      %or3A_1998 = arith.ori %lt3A_1995, %and3A_1997 : vector<16xi1>
      %jit3A_1999 = arith.constant 1 : i32
      %jit3A_2000 = arith.constant 0 : i32
      %broadcast_in_dim3A_2001 = vector.broadcast %jit3A_1999 : i32 to vector<16xi32>
      %broadcast_in_dim3A_2002 = vector.broadcast %jit3A_2000 : i32 to vector<16xi32>
      %select_n3A_2003 = arith.select %or3A_1998, %broadcast_in_dim3A_2001, %broadcast_in_dim3A_2002 : vector<16xi1>, vector<16xi32>
      %add3A_2004 = arith.addi %add3A_1994, %select_n3A_2003 : vector<16xi32>
      %broadcast_in_dim3A_2005 = vector.shape_cast %and3A_85 : vector<16xi32> to vector<16x1xi32>
      %gather3A_2006 = vector.shape_cast %broadcast_in_dim3A_2005 : vector<16x1xi32> to vector<16xi32>
      %gather3A_2007 = tpu.dynamic_gather %select_n3A[%gather3A_2006] in [0] : vector<16xf32>, vector<16xi32> -> vector<16xf32>
      %broadcast_in_dim3A_2008 = vector.shape_cast %and3A_85 : vector<16xi32> to vector<16x1xi32>
      %gather3A_2009 = vector.shape_cast %broadcast_in_dim3A_2008 : vector<16x1xi32> to vector<16xi32>
      %gather3A_2010 = tpu.dynamic_gather %select_n3A_243[%gather3A_2009] in [0] : vector<16xf32>, vector<16xi32> -> vector<16xf32>
      %broadcast_in_dim3A_2011 = vector.shape_cast %and3A_85 : vector<16xi32> to vector<16x1xi32>
      %gather3A_2012 = vector.shape_cast %broadcast_in_dim3A_2011 : vector<16x1xi32> to vector<16xi32>
      %gather3A_2013 = tpu.dynamic_gather %select_n3A_257[%gather3A_2012] in [0] : vector<16xf32>, vector<16xi32> -> vector<16xf32>
      %broadcast_in_dim3A_2014 = vector.shape_cast %and3A_85 : vector<16xi32> to vector<16x1xi32>
      %gather3A_2015 = vector.shape_cast %broadcast_in_dim3A_2014 : vector<16x1xi32> to vector<16xi32>
      %gather3A_2016 = tpu.dynamic_gather %select_n3A_271[%gather3A_2015] in [0] : vector<16xf32>, vector<16xi32> -> vector<16xf32>
      %lt3A_2017 = arith.cmpf olt, %gather3A_2007, %select_n3A : vector<16xf32>
      %eq3A_2018 = arith.cmpf oeq, %gather3A_2007, %select_n3A : vector<16xf32>
      %and3A_2019 = arith.andi %eq3A_2018, %lt3A_194 : vector<16xi1>
      %or3A_2020 = arith.ori %lt3A_2017, %and3A_2019 : vector<16xi1>
      %jit3A_2021 = arith.constant 1 : i32
      %jit3A_2022 = arith.constant 0 : i32
      %broadcast_in_dim3A_2023 = vector.broadcast %jit3A_2021 : i32 to vector<16xi32>
      %broadcast_in_dim3A_2024 = vector.broadcast %jit3A_2022 : i32 to vector<16xi32>
      %select_n3A_2025 = arith.select %or3A_2020, %broadcast_in_dim3A_2023, %broadcast_in_dim3A_2024 : vector<16xi1>, vector<16xi32>
      %add3A_2026 = arith.addi %add3A_1911, %select_n3A_2025 : vector<16xi32>
      %lt3A_2027 = arith.cmpf olt, %gather3A_2010, %select_n3A : vector<16xf32>
      %jit3A_2028 = arith.constant 1 : i32
      %jit3A_2029 = arith.constant 0 : i32
      %broadcast_in_dim3A_2030 = vector.broadcast %jit3A_2028 : i32 to vector<16xi32>
      %broadcast_in_dim3A_2031 = vector.broadcast %jit3A_2029 : i32 to vector<16xi32>
      %select_n3A_2032 = arith.select %lt3A_2027, %broadcast_in_dim3A_2030, %broadcast_in_dim3A_2031 : vector<16xi1>, vector<16xi32>
      %add3A_2033 = arith.addi %add3A_2026, %select_n3A_2032 : vector<16xi32>
      %lt3A_2034 = arith.cmpf olt, %gather3A_2013, %select_n3A : vector<16xf32>
      %jit3A_2035 = arith.constant 1 : i32
      %jit3A_2036 = arith.constant 0 : i32
      %broadcast_in_dim3A_2037 = vector.broadcast %jit3A_2035 : i32 to vector<16xi32>
      %broadcast_in_dim3A_2038 = vector.broadcast %jit3A_2036 : i32 to vector<16xi32>
      %select_n3A_2039 = arith.select %lt3A_2034, %broadcast_in_dim3A_2037, %broadcast_in_dim3A_2038 : vector<16xi1>, vector<16xi32>
      %add3A_2040 = arith.addi %add3A_2033, %select_n3A_2039 : vector<16xi32>
      %lt3A_2041 = arith.cmpf olt, %gather3A_2016, %select_n3A : vector<16xf32>
      %jit3A_2042 = arith.constant 1 : i32
      %jit3A_2043 = arith.constant 0 : i32
      %broadcast_in_dim3A_2044 = vector.broadcast %jit3A_2042 : i32 to vector<16xi32>
      %broadcast_in_dim3A_2045 = vector.broadcast %jit3A_2043 : i32 to vector<16xi32>
      %select_n3A_2046 = arith.select %lt3A_2041, %broadcast_in_dim3A_2044, %broadcast_in_dim3A_2045 : vector<16xi1>, vector<16xi32>
      %add3A_2047 = arith.addi %add3A_2040, %select_n3A_2046 : vector<16xi32>
      %le3A_2048 = arith.cmpf ole, %gather3A_2007, %select_n3A_243 : vector<16xf32>
      %jit3A_2049 = arith.constant 1 : i32
      %jit3A_2050 = arith.constant 0 : i32
      %broadcast_in_dim3A_2051 = vector.broadcast %jit3A_2049 : i32 to vector<16xi32>
      %broadcast_in_dim3A_2052 = vector.broadcast %jit3A_2050 : i32 to vector<16xi32>
      %select_n3A_2053 = arith.select %le3A_2048, %broadcast_in_dim3A_2051, %broadcast_in_dim3A_2052 : vector<16xi1>, vector<16xi32>
      %add3A_2054 = arith.addi %add3A_1942, %select_n3A_2053 : vector<16xi32>
      %lt3A_2055 = arith.cmpf olt, %gather3A_2010, %select_n3A_243 : vector<16xf32>
      %eq3A_2056 = arith.cmpf oeq, %gather3A_2010, %select_n3A_243 : vector<16xf32>
      %and3A_2057 = arith.andi %eq3A_2056, %lt3A_194 : vector<16xi1>
      %or3A_2058 = arith.ori %lt3A_2055, %and3A_2057 : vector<16xi1>
      %jit3A_2059 = arith.constant 1 : i32
      %jit3A_2060 = arith.constant 0 : i32
      %broadcast_in_dim3A_2061 = vector.broadcast %jit3A_2059 : i32 to vector<16xi32>
      %broadcast_in_dim3A_2062 = vector.broadcast %jit3A_2060 : i32 to vector<16xi32>
      %select_n3A_2063 = arith.select %or3A_2058, %broadcast_in_dim3A_2061, %broadcast_in_dim3A_2062 : vector<16xi1>, vector<16xi32>
      %add3A_2064 = arith.addi %add3A_2054, %select_n3A_2063 : vector<16xi32>
      %lt3A_2065 = arith.cmpf olt, %gather3A_2013, %select_n3A_243 : vector<16xf32>
      %jit3A_2066 = arith.constant 1 : i32
      %jit3A_2067 = arith.constant 0 : i32
      %broadcast_in_dim3A_2068 = vector.broadcast %jit3A_2066 : i32 to vector<16xi32>
      %broadcast_in_dim3A_2069 = vector.broadcast %jit3A_2067 : i32 to vector<16xi32>
      %select_n3A_2070 = arith.select %lt3A_2065, %broadcast_in_dim3A_2068, %broadcast_in_dim3A_2069 : vector<16xi1>, vector<16xi32>
      %add3A_2071 = arith.addi %add3A_2064, %select_n3A_2070 : vector<16xi32>
      %lt3A_2072 = arith.cmpf olt, %gather3A_2016, %select_n3A_243 : vector<16xf32>
      %jit3A_2073 = arith.constant 1 : i32
      %jit3A_2074 = arith.constant 0 : i32
      %broadcast_in_dim3A_2075 = vector.broadcast %jit3A_2073 : i32 to vector<16xi32>
      %broadcast_in_dim3A_2076 = vector.broadcast %jit3A_2074 : i32 to vector<16xi32>
      %select_n3A_2077 = arith.select %lt3A_2072, %broadcast_in_dim3A_2075, %broadcast_in_dim3A_2076 : vector<16xi1>, vector<16xi32>
      %add3A_2078 = arith.addi %add3A_2071, %select_n3A_2077 : vector<16xi32>
      %le3A_2079 = arith.cmpf ole, %gather3A_2007, %select_n3A_257 : vector<16xf32>
      %jit3A_2080 = arith.constant 1 : i32
      %jit3A_2081 = arith.constant 0 : i32
      %broadcast_in_dim3A_2082 = vector.broadcast %jit3A_2080 : i32 to vector<16xi32>
      %broadcast_in_dim3A_2083 = vector.broadcast %jit3A_2081 : i32 to vector<16xi32>
      %select_n3A_2084 = arith.select %le3A_2079, %broadcast_in_dim3A_2082, %broadcast_in_dim3A_2083 : vector<16xi1>, vector<16xi32>
      %add3A_2085 = arith.addi %add3A_1973, %select_n3A_2084 : vector<16xi32>
      %le3A_2086 = arith.cmpf ole, %gather3A_2010, %select_n3A_257 : vector<16xf32>
      %jit3A_2087 = arith.constant 1 : i32
      %jit3A_2088 = arith.constant 0 : i32
      %broadcast_in_dim3A_2089 = vector.broadcast %jit3A_2087 : i32 to vector<16xi32>
      %broadcast_in_dim3A_2090 = vector.broadcast %jit3A_2088 : i32 to vector<16xi32>
      %select_n3A_2091 = arith.select %le3A_2086, %broadcast_in_dim3A_2089, %broadcast_in_dim3A_2090 : vector<16xi1>, vector<16xi32>
      %add3A_2092 = arith.addi %add3A_2085, %select_n3A_2091 : vector<16xi32>
      %lt3A_2093 = arith.cmpf olt, %gather3A_2013, %select_n3A_257 : vector<16xf32>
      %eq3A_2094 = arith.cmpf oeq, %gather3A_2013, %select_n3A_257 : vector<16xf32>
      %and3A_2095 = arith.andi %eq3A_2094, %lt3A_194 : vector<16xi1>
      %or3A_2096 = arith.ori %lt3A_2093, %and3A_2095 : vector<16xi1>
      %jit3A_2097 = arith.constant 1 : i32
      %jit3A_2098 = arith.constant 0 : i32
      %broadcast_in_dim3A_2099 = vector.broadcast %jit3A_2097 : i32 to vector<16xi32>
      %broadcast_in_dim3A_2100 = vector.broadcast %jit3A_2098 : i32 to vector<16xi32>
      %select_n3A_2101 = arith.select %or3A_2096, %broadcast_in_dim3A_2099, %broadcast_in_dim3A_2100 : vector<16xi1>, vector<16xi32>
      %add3A_2102 = arith.addi %add3A_2092, %select_n3A_2101 : vector<16xi32>
      %lt3A_2103 = arith.cmpf olt, %gather3A_2016, %select_n3A_257 : vector<16xf32>
      %jit3A_2104 = arith.constant 1 : i32
      %jit3A_2105 = arith.constant 0 : i32
      %broadcast_in_dim3A_2106 = vector.broadcast %jit3A_2104 : i32 to vector<16xi32>
      %broadcast_in_dim3A_2107 = vector.broadcast %jit3A_2105 : i32 to vector<16xi32>
      %select_n3A_2108 = arith.select %lt3A_2103, %broadcast_in_dim3A_2106, %broadcast_in_dim3A_2107 : vector<16xi1>, vector<16xi32>
      %add3A_2109 = arith.addi %add3A_2102, %select_n3A_2108 : vector<16xi32>
      %le3A_2110 = arith.cmpf ole, %gather3A_2007, %select_n3A_271 : vector<16xf32>
      %jit3A_2111 = arith.constant 1 : i32
      %jit3A_2112 = arith.constant 0 : i32
      %broadcast_in_dim3A_2113 = vector.broadcast %jit3A_2111 : i32 to vector<16xi32>
      %broadcast_in_dim3A_2114 = vector.broadcast %jit3A_2112 : i32 to vector<16xi32>
      %select_n3A_2115 = arith.select %le3A_2110, %broadcast_in_dim3A_2113, %broadcast_in_dim3A_2114 : vector<16xi1>, vector<16xi32>
      %add3A_2116 = arith.addi %add3A_2004, %select_n3A_2115 : vector<16xi32>
      %le3A_2117 = arith.cmpf ole, %gather3A_2010, %select_n3A_271 : vector<16xf32>
      %jit3A_2118 = arith.constant 1 : i32
      %jit3A_2119 = arith.constant 0 : i32
      %broadcast_in_dim3A_2120 = vector.broadcast %jit3A_2118 : i32 to vector<16xi32>
      %broadcast_in_dim3A_2121 = vector.broadcast %jit3A_2119 : i32 to vector<16xi32>
      %select_n3A_2122 = arith.select %le3A_2117, %broadcast_in_dim3A_2120, %broadcast_in_dim3A_2121 : vector<16xi1>, vector<16xi32>
      %add3A_2123 = arith.addi %add3A_2116, %select_n3A_2122 : vector<16xi32>
      %le3A_2124 = arith.cmpf ole, %gather3A_2013, %select_n3A_271 : vector<16xf32>
      %jit3A_2125 = arith.constant 1 : i32
      %jit3A_2126 = arith.constant 0 : i32
      %broadcast_in_dim3A_2127 = vector.broadcast %jit3A_2125 : i32 to vector<16xi32>
      %broadcast_in_dim3A_2128 = vector.broadcast %jit3A_2126 : i32 to vector<16xi32>
      %select_n3A_2129 = arith.select %le3A_2124, %broadcast_in_dim3A_2127, %broadcast_in_dim3A_2128 : vector<16xi1>, vector<16xi32>
      %add3A_2130 = arith.addi %add3A_2123, %select_n3A_2129 : vector<16xi32>
      %lt3A_2131 = arith.cmpf olt, %gather3A_2016, %select_n3A_271 : vector<16xf32>
      %eq3A_2132 = arith.cmpf oeq, %gather3A_2016, %select_n3A_271 : vector<16xf32>
      %and3A_2133 = arith.andi %eq3A_2132, %lt3A_194 : vector<16xi1>
      %or3A_2134 = arith.ori %lt3A_2131, %and3A_2133 : vector<16xi1>
      %jit3A_2135 = arith.constant 1 : i32
      %jit3A_2136 = arith.constant 0 : i32
      %broadcast_in_dim3A_2137 = vector.broadcast %jit3A_2135 : i32 to vector<16xi32>
      %broadcast_in_dim3A_2138 = vector.broadcast %jit3A_2136 : i32 to vector<16xi32>
      %select_n3A_2139 = arith.select %or3A_2134, %broadcast_in_dim3A_2137, %broadcast_in_dim3A_2138 : vector<16xi1>, vector<16xi32>
      %add3A_2140 = arith.addi %add3A_2130, %select_n3A_2139 : vector<16xi32>
      %broadcast_in_dim3A_2141 = vector.shape_cast %and3A_91 : vector<16xi32> to vector<16x1xi32>
      %gather3A_2142 = vector.shape_cast %broadcast_in_dim3A_2141 : vector<16x1xi32> to vector<16xi32>
      %gather3A_2143 = tpu.dynamic_gather %select_n3A[%gather3A_2142] in [0] : vector<16xf32>, vector<16xi32> -> vector<16xf32>
      %broadcast_in_dim3A_2144 = vector.shape_cast %and3A_91 : vector<16xi32> to vector<16x1xi32>
      %gather3A_2145 = vector.shape_cast %broadcast_in_dim3A_2144 : vector<16x1xi32> to vector<16xi32>
      %gather3A_2146 = tpu.dynamic_gather %select_n3A_243[%gather3A_2145] in [0] : vector<16xf32>, vector<16xi32> -> vector<16xf32>
      %broadcast_in_dim3A_2147 = vector.shape_cast %and3A_91 : vector<16xi32> to vector<16x1xi32>
      %gather3A_2148 = vector.shape_cast %broadcast_in_dim3A_2147 : vector<16x1xi32> to vector<16xi32>
      %gather3A_2149 = tpu.dynamic_gather %select_n3A_257[%gather3A_2148] in [0] : vector<16xf32>, vector<16xi32> -> vector<16xf32>
      %broadcast_in_dim3A_2150 = vector.shape_cast %and3A_91 : vector<16xi32> to vector<16x1xi32>
      %gather3A_2151 = vector.shape_cast %broadcast_in_dim3A_2150 : vector<16x1xi32> to vector<16xi32>
      %gather3A_2152 = tpu.dynamic_gather %select_n3A_271[%gather3A_2151] in [0] : vector<16xf32>, vector<16xi32> -> vector<16xf32>
      %lt3A_2153 = arith.cmpf olt, %gather3A_2143, %select_n3A : vector<16xf32>
      %eq3A_2154 = arith.cmpf oeq, %gather3A_2143, %select_n3A : vector<16xf32>
      %and3A_2155 = arith.andi %eq3A_2154, %lt3A_201 : vector<16xi1>
      %or3A_2156 = arith.ori %lt3A_2153, %and3A_2155 : vector<16xi1>
      %jit3A_2157 = arith.constant 1 : i32
      %jit3A_2158 = arith.constant 0 : i32
      %broadcast_in_dim3A_2159 = vector.broadcast %jit3A_2157 : i32 to vector<16xi32>
      %broadcast_in_dim3A_2160 = vector.broadcast %jit3A_2158 : i32 to vector<16xi32>
      %select_n3A_2161 = arith.select %or3A_2156, %broadcast_in_dim3A_2159, %broadcast_in_dim3A_2160 : vector<16xi1>, vector<16xi32>
      %add3A_2162 = arith.addi %add3A_2047, %select_n3A_2161 : vector<16xi32>
      %lt3A_2163 = arith.cmpf olt, %gather3A_2146, %select_n3A : vector<16xf32>
      %jit3A_2164 = arith.constant 1 : i32
      %jit3A_2165 = arith.constant 0 : i32
      %broadcast_in_dim3A_2166 = vector.broadcast %jit3A_2164 : i32 to vector<16xi32>
      %broadcast_in_dim3A_2167 = vector.broadcast %jit3A_2165 : i32 to vector<16xi32>
      %select_n3A_2168 = arith.select %lt3A_2163, %broadcast_in_dim3A_2166, %broadcast_in_dim3A_2167 : vector<16xi1>, vector<16xi32>
      %add3A_2169 = arith.addi %add3A_2162, %select_n3A_2168 : vector<16xi32>
      %lt3A_2170 = arith.cmpf olt, %gather3A_2149, %select_n3A : vector<16xf32>
      %jit3A_2171 = arith.constant 1 : i32
      %jit3A_2172 = arith.constant 0 : i32
      %broadcast_in_dim3A_2173 = vector.broadcast %jit3A_2171 : i32 to vector<16xi32>
      %broadcast_in_dim3A_2174 = vector.broadcast %jit3A_2172 : i32 to vector<16xi32>
      %select_n3A_2175 = arith.select %lt3A_2170, %broadcast_in_dim3A_2173, %broadcast_in_dim3A_2174 : vector<16xi1>, vector<16xi32>
      %add3A_2176 = arith.addi %add3A_2169, %select_n3A_2175 : vector<16xi32>
      %lt3A_2177 = arith.cmpf olt, %gather3A_2152, %select_n3A : vector<16xf32>
      %jit3A_2178 = arith.constant 1 : i32
      %jit3A_2179 = arith.constant 0 : i32
      %broadcast_in_dim3A_2180 = vector.broadcast %jit3A_2178 : i32 to vector<16xi32>
      %broadcast_in_dim3A_2181 = vector.broadcast %jit3A_2179 : i32 to vector<16xi32>
      %select_n3A_2182 = arith.select %lt3A_2177, %broadcast_in_dim3A_2180, %broadcast_in_dim3A_2181 : vector<16xi1>, vector<16xi32>
      %add3A_2183 = arith.addi %add3A_2176, %select_n3A_2182 : vector<16xi32>
      %le3A_2184 = arith.cmpf ole, %gather3A_2143, %select_n3A_243 : vector<16xf32>
      %jit3A_2185 = arith.constant 1 : i32
      %jit3A_2186 = arith.constant 0 : i32
      %broadcast_in_dim3A_2187 = vector.broadcast %jit3A_2185 : i32 to vector<16xi32>
      %broadcast_in_dim3A_2188 = vector.broadcast %jit3A_2186 : i32 to vector<16xi32>
      %select_n3A_2189 = arith.select %le3A_2184, %broadcast_in_dim3A_2187, %broadcast_in_dim3A_2188 : vector<16xi1>, vector<16xi32>
      %add3A_2190 = arith.addi %add3A_2078, %select_n3A_2189 : vector<16xi32>
      %lt3A_2191 = arith.cmpf olt, %gather3A_2146, %select_n3A_243 : vector<16xf32>
      %eq3A_2192 = arith.cmpf oeq, %gather3A_2146, %select_n3A_243 : vector<16xf32>
      %and3A_2193 = arith.andi %eq3A_2192, %lt3A_201 : vector<16xi1>
      %or3A_2194 = arith.ori %lt3A_2191, %and3A_2193 : vector<16xi1>
      %jit3A_2195 = arith.constant 1 : i32
      %jit3A_2196 = arith.constant 0 : i32
      %broadcast_in_dim3A_2197 = vector.broadcast %jit3A_2195 : i32 to vector<16xi32>
      %broadcast_in_dim3A_2198 = vector.broadcast %jit3A_2196 : i32 to vector<16xi32>
      %select_n3A_2199 = arith.select %or3A_2194, %broadcast_in_dim3A_2197, %broadcast_in_dim3A_2198 : vector<16xi1>, vector<16xi32>
      %add3A_2200 = arith.addi %add3A_2190, %select_n3A_2199 : vector<16xi32>
      %lt3A_2201 = arith.cmpf olt, %gather3A_2149, %select_n3A_243 : vector<16xf32>
      %jit3A_2202 = arith.constant 1 : i32
      %jit3A_2203 = arith.constant 0 : i32
      %broadcast_in_dim3A_2204 = vector.broadcast %jit3A_2202 : i32 to vector<16xi32>
      %broadcast_in_dim3A_2205 = vector.broadcast %jit3A_2203 : i32 to vector<16xi32>
      %select_n3A_2206 = arith.select %lt3A_2201, %broadcast_in_dim3A_2204, %broadcast_in_dim3A_2205 : vector<16xi1>, vector<16xi32>
      %add3A_2207 = arith.addi %add3A_2200, %select_n3A_2206 : vector<16xi32>
      %lt3A_2208 = arith.cmpf olt, %gather3A_2152, %select_n3A_243 : vector<16xf32>
      %jit3A_2209 = arith.constant 1 : i32
      %jit3A_2210 = arith.constant 0 : i32
      %broadcast_in_dim3A_2211 = vector.broadcast %jit3A_2209 : i32 to vector<16xi32>
      %broadcast_in_dim3A_2212 = vector.broadcast %jit3A_2210 : i32 to vector<16xi32>
      %select_n3A_2213 = arith.select %lt3A_2208, %broadcast_in_dim3A_2211, %broadcast_in_dim3A_2212 : vector<16xi1>, vector<16xi32>
      %add3A_2214 = arith.addi %add3A_2207, %select_n3A_2213 : vector<16xi32>
      %le3A_2215 = arith.cmpf ole, %gather3A_2143, %select_n3A_257 : vector<16xf32>
      %jit3A_2216 = arith.constant 1 : i32
      %jit3A_2217 = arith.constant 0 : i32
      %broadcast_in_dim3A_2218 = vector.broadcast %jit3A_2216 : i32 to vector<16xi32>
      %broadcast_in_dim3A_2219 = vector.broadcast %jit3A_2217 : i32 to vector<16xi32>
      %select_n3A_2220 = arith.select %le3A_2215, %broadcast_in_dim3A_2218, %broadcast_in_dim3A_2219 : vector<16xi1>, vector<16xi32>
      %add3A_2221 = arith.addi %add3A_2109, %select_n3A_2220 : vector<16xi32>
      %le3A_2222 = arith.cmpf ole, %gather3A_2146, %select_n3A_257 : vector<16xf32>
      %jit3A_2223 = arith.constant 1 : i32
      %jit3A_2224 = arith.constant 0 : i32
      %broadcast_in_dim3A_2225 = vector.broadcast %jit3A_2223 : i32 to vector<16xi32>
      %broadcast_in_dim3A_2226 = vector.broadcast %jit3A_2224 : i32 to vector<16xi32>
      %select_n3A_2227 = arith.select %le3A_2222, %broadcast_in_dim3A_2225, %broadcast_in_dim3A_2226 : vector<16xi1>, vector<16xi32>
      %add3A_2228 = arith.addi %add3A_2221, %select_n3A_2227 : vector<16xi32>
      %lt3A_2229 = arith.cmpf olt, %gather3A_2149, %select_n3A_257 : vector<16xf32>
      %eq3A_2230 = arith.cmpf oeq, %gather3A_2149, %select_n3A_257 : vector<16xf32>
      %and3A_2231 = arith.andi %eq3A_2230, %lt3A_201 : vector<16xi1>
      %or3A_2232 = arith.ori %lt3A_2229, %and3A_2231 : vector<16xi1>
      %jit3A_2233 = arith.constant 1 : i32
      %jit3A_2234 = arith.constant 0 : i32
      %broadcast_in_dim3A_2235 = vector.broadcast %jit3A_2233 : i32 to vector<16xi32>
      %broadcast_in_dim3A_2236 = vector.broadcast %jit3A_2234 : i32 to vector<16xi32>
      %select_n3A_2237 = arith.select %or3A_2232, %broadcast_in_dim3A_2235, %broadcast_in_dim3A_2236 : vector<16xi1>, vector<16xi32>
      %add3A_2238 = arith.addi %add3A_2228, %select_n3A_2237 : vector<16xi32>
      %lt3A_2239 = arith.cmpf olt, %gather3A_2152, %select_n3A_257 : vector<16xf32>
      %jit3A_2240 = arith.constant 1 : i32
      %jit3A_2241 = arith.constant 0 : i32
      %broadcast_in_dim3A_2242 = vector.broadcast %jit3A_2240 : i32 to vector<16xi32>
      %broadcast_in_dim3A_2243 = vector.broadcast %jit3A_2241 : i32 to vector<16xi32>
      %select_n3A_2244 = arith.select %lt3A_2239, %broadcast_in_dim3A_2242, %broadcast_in_dim3A_2243 : vector<16xi1>, vector<16xi32>
      %add3A_2245 = arith.addi %add3A_2238, %select_n3A_2244 : vector<16xi32>
      %le3A_2246 = arith.cmpf ole, %gather3A_2143, %select_n3A_271 : vector<16xf32>
      %jit3A_2247 = arith.constant 1 : i32
      %jit3A_2248 = arith.constant 0 : i32
      %broadcast_in_dim3A_2249 = vector.broadcast %jit3A_2247 : i32 to vector<16xi32>
      %broadcast_in_dim3A_2250 = vector.broadcast %jit3A_2248 : i32 to vector<16xi32>
      %select_n3A_2251 = arith.select %le3A_2246, %broadcast_in_dim3A_2249, %broadcast_in_dim3A_2250 : vector<16xi1>, vector<16xi32>
      %add3A_2252 = arith.addi %add3A_2140, %select_n3A_2251 : vector<16xi32>
      %le3A_2253 = arith.cmpf ole, %gather3A_2146, %select_n3A_271 : vector<16xf32>
      %jit3A_2254 = arith.constant 1 : i32
      %jit3A_2255 = arith.constant 0 : i32
      %broadcast_in_dim3A_2256 = vector.broadcast %jit3A_2254 : i32 to vector<16xi32>
      %broadcast_in_dim3A_2257 = vector.broadcast %jit3A_2255 : i32 to vector<16xi32>
      %select_n3A_2258 = arith.select %le3A_2253, %broadcast_in_dim3A_2256, %broadcast_in_dim3A_2257 : vector<16xi1>, vector<16xi32>
      %add3A_2259 = arith.addi %add3A_2252, %select_n3A_2258 : vector<16xi32>
      %le3A_2260 = arith.cmpf ole, %gather3A_2149, %select_n3A_271 : vector<16xf32>
      %jit3A_2261 = arith.constant 1 : i32
      %jit3A_2262 = arith.constant 0 : i32
      %broadcast_in_dim3A_2263 = vector.broadcast %jit3A_2261 : i32 to vector<16xi32>
      %broadcast_in_dim3A_2264 = vector.broadcast %jit3A_2262 : i32 to vector<16xi32>
      %select_n3A_2265 = arith.select %le3A_2260, %broadcast_in_dim3A_2263, %broadcast_in_dim3A_2264 : vector<16xi1>, vector<16xi32>
      %add3A_2266 = arith.addi %add3A_2259, %select_n3A_2265 : vector<16xi32>
      %lt3A_2267 = arith.cmpf olt, %gather3A_2152, %select_n3A_271 : vector<16xf32>
      %eq3A_2268 = arith.cmpf oeq, %gather3A_2152, %select_n3A_271 : vector<16xf32>
      %and3A_2269 = arith.andi %eq3A_2268, %lt3A_201 : vector<16xi1>
      %or3A_2270 = arith.ori %lt3A_2267, %and3A_2269 : vector<16xi1>
      %jit3A_2271 = arith.constant 1 : i32
      %jit3A_2272 = arith.constant 0 : i32
      %broadcast_in_dim3A_2273 = vector.broadcast %jit3A_2271 : i32 to vector<16xi32>
      %broadcast_in_dim3A_2274 = vector.broadcast %jit3A_2272 : i32 to vector<16xi32>
      %select_n3A_2275 = arith.select %or3A_2270, %broadcast_in_dim3A_2273, %broadcast_in_dim3A_2274 : vector<16xi1>, vector<16xi32>
      %add3A_2276 = arith.addi %add3A_2266, %select_n3A_2275 : vector<16xi32>
      %broadcast_in_dim3A_2277 = vector.shape_cast %and3A_97 : vector<16xi32> to vector<16x1xi32>
      %gather3A_2278 = vector.shape_cast %broadcast_in_dim3A_2277 : vector<16x1xi32> to vector<16xi32>
      %gather3A_2279 = tpu.dynamic_gather %select_n3A[%gather3A_2278] in [0] : vector<16xf32>, vector<16xi32> -> vector<16xf32>
      %broadcast_in_dim3A_2280 = vector.shape_cast %and3A_97 : vector<16xi32> to vector<16x1xi32>
      %gather3A_2281 = vector.shape_cast %broadcast_in_dim3A_2280 : vector<16x1xi32> to vector<16xi32>
      %gather3A_2282 = tpu.dynamic_gather %select_n3A_243[%gather3A_2281] in [0] : vector<16xf32>, vector<16xi32> -> vector<16xf32>
      %broadcast_in_dim3A_2283 = vector.shape_cast %and3A_97 : vector<16xi32> to vector<16x1xi32>
      %gather3A_2284 = vector.shape_cast %broadcast_in_dim3A_2283 : vector<16x1xi32> to vector<16xi32>
      %gather3A_2285 = tpu.dynamic_gather %select_n3A_257[%gather3A_2284] in [0] : vector<16xf32>, vector<16xi32> -> vector<16xf32>
      %broadcast_in_dim3A_2286 = vector.shape_cast %and3A_97 : vector<16xi32> to vector<16x1xi32>
      %gather3A_2287 = vector.shape_cast %broadcast_in_dim3A_2286 : vector<16x1xi32> to vector<16xi32>
      %gather3A_2288 = tpu.dynamic_gather %select_n3A_271[%gather3A_2287] in [0] : vector<16xf32>, vector<16xi32> -> vector<16xf32>
      %lt3A_2289 = arith.cmpf olt, %gather3A_2279, %select_n3A : vector<16xf32>
      %eq3A_2290 = arith.cmpf oeq, %gather3A_2279, %select_n3A : vector<16xf32>
      %and3A_2291 = arith.andi %eq3A_2290, %lt3A_208 : vector<16xi1>
      %or3A_2292 = arith.ori %lt3A_2289, %and3A_2291 : vector<16xi1>
      %jit3A_2293 = arith.constant 1 : i32
      %jit3A_2294 = arith.constant 0 : i32
      %broadcast_in_dim3A_2295 = vector.broadcast %jit3A_2293 : i32 to vector<16xi32>
      %broadcast_in_dim3A_2296 = vector.broadcast %jit3A_2294 : i32 to vector<16xi32>
      %select_n3A_2297 = arith.select %or3A_2292, %broadcast_in_dim3A_2295, %broadcast_in_dim3A_2296 : vector<16xi1>, vector<16xi32>
      %add3A_2298 = arith.addi %add3A_2183, %select_n3A_2297 : vector<16xi32>
      %lt3A_2299 = arith.cmpf olt, %gather3A_2282, %select_n3A : vector<16xf32>
      %jit3A_2300 = arith.constant 1 : i32
      %jit3A_2301 = arith.constant 0 : i32
      %broadcast_in_dim3A_2302 = vector.broadcast %jit3A_2300 : i32 to vector<16xi32>
      %broadcast_in_dim3A_2303 = vector.broadcast %jit3A_2301 : i32 to vector<16xi32>
      %select_n3A_2304 = arith.select %lt3A_2299, %broadcast_in_dim3A_2302, %broadcast_in_dim3A_2303 : vector<16xi1>, vector<16xi32>
      %add3A_2305 = arith.addi %add3A_2298, %select_n3A_2304 : vector<16xi32>
      %lt3A_2306 = arith.cmpf olt, %gather3A_2285, %select_n3A : vector<16xf32>
      %jit3A_2307 = arith.constant 1 : i32
      %jit3A_2308 = arith.constant 0 : i32
      %broadcast_in_dim3A_2309 = vector.broadcast %jit3A_2307 : i32 to vector<16xi32>
      %broadcast_in_dim3A_2310 = vector.broadcast %jit3A_2308 : i32 to vector<16xi32>
      %select_n3A_2311 = arith.select %lt3A_2306, %broadcast_in_dim3A_2309, %broadcast_in_dim3A_2310 : vector<16xi1>, vector<16xi32>
      %add3A_2312 = arith.addi %add3A_2305, %select_n3A_2311 : vector<16xi32>
      %lt3A_2313 = arith.cmpf olt, %gather3A_2288, %select_n3A : vector<16xf32>
      %jit3A_2314 = arith.constant 1 : i32
      %jit3A_2315 = arith.constant 0 : i32
      %broadcast_in_dim3A_2316 = vector.broadcast %jit3A_2314 : i32 to vector<16xi32>
      %broadcast_in_dim3A_2317 = vector.broadcast %jit3A_2315 : i32 to vector<16xi32>
      %select_n3A_2318 = arith.select %lt3A_2313, %broadcast_in_dim3A_2316, %broadcast_in_dim3A_2317 : vector<16xi1>, vector<16xi32>
      %add3A_2319 = arith.addi %add3A_2312, %select_n3A_2318 : vector<16xi32>
      %le3A_2320 = arith.cmpf ole, %gather3A_2279, %select_n3A_243 : vector<16xf32>
      %jit3A_2321 = arith.constant 1 : i32
      %jit3A_2322 = arith.constant 0 : i32
      %broadcast_in_dim3A_2323 = vector.broadcast %jit3A_2321 : i32 to vector<16xi32>
      %broadcast_in_dim3A_2324 = vector.broadcast %jit3A_2322 : i32 to vector<16xi32>
      %select_n3A_2325 = arith.select %le3A_2320, %broadcast_in_dim3A_2323, %broadcast_in_dim3A_2324 : vector<16xi1>, vector<16xi32>
      %add3A_2326 = arith.addi %add3A_2214, %select_n3A_2325 : vector<16xi32>
      %lt3A_2327 = arith.cmpf olt, %gather3A_2282, %select_n3A_243 : vector<16xf32>
      %eq3A_2328 = arith.cmpf oeq, %gather3A_2282, %select_n3A_243 : vector<16xf32>
      %and3A_2329 = arith.andi %eq3A_2328, %lt3A_208 : vector<16xi1>
      %or3A_2330 = arith.ori %lt3A_2327, %and3A_2329 : vector<16xi1>
      %jit3A_2331 = arith.constant 1 : i32
      %jit3A_2332 = arith.constant 0 : i32
      %broadcast_in_dim3A_2333 = vector.broadcast %jit3A_2331 : i32 to vector<16xi32>
      %broadcast_in_dim3A_2334 = vector.broadcast %jit3A_2332 : i32 to vector<16xi32>
      %select_n3A_2335 = arith.select %or3A_2330, %broadcast_in_dim3A_2333, %broadcast_in_dim3A_2334 : vector<16xi1>, vector<16xi32>
      %add3A_2336 = arith.addi %add3A_2326, %select_n3A_2335 : vector<16xi32>
      %lt3A_2337 = arith.cmpf olt, %gather3A_2285, %select_n3A_243 : vector<16xf32>
      %jit3A_2338 = arith.constant 1 : i32
      %jit3A_2339 = arith.constant 0 : i32
      %broadcast_in_dim3A_2340 = vector.broadcast %jit3A_2338 : i32 to vector<16xi32>
      %broadcast_in_dim3A_2341 = vector.broadcast %jit3A_2339 : i32 to vector<16xi32>
      %select_n3A_2342 = arith.select %lt3A_2337, %broadcast_in_dim3A_2340, %broadcast_in_dim3A_2341 : vector<16xi1>, vector<16xi32>
      %add3A_2343 = arith.addi %add3A_2336, %select_n3A_2342 : vector<16xi32>
      %lt3A_2344 = arith.cmpf olt, %gather3A_2288, %select_n3A_243 : vector<16xf32>
      %jit3A_2345 = arith.constant 1 : i32
      %jit3A_2346 = arith.constant 0 : i32
      %broadcast_in_dim3A_2347 = vector.broadcast %jit3A_2345 : i32 to vector<16xi32>
      %broadcast_in_dim3A_2348 = vector.broadcast %jit3A_2346 : i32 to vector<16xi32>
      %select_n3A_2349 = arith.select %lt3A_2344, %broadcast_in_dim3A_2347, %broadcast_in_dim3A_2348 : vector<16xi1>, vector<16xi32>
      %add3A_2350 = arith.addi %add3A_2343, %select_n3A_2349 : vector<16xi32>
      %le3A_2351 = arith.cmpf ole, %gather3A_2279, %select_n3A_257 : vector<16xf32>
      %jit3A_2352 = arith.constant 1 : i32
      %jit3A_2353 = arith.constant 0 : i32
      %broadcast_in_dim3A_2354 = vector.broadcast %jit3A_2352 : i32 to vector<16xi32>
      %broadcast_in_dim3A_2355 = vector.broadcast %jit3A_2353 : i32 to vector<16xi32>
      %select_n3A_2356 = arith.select %le3A_2351, %broadcast_in_dim3A_2354, %broadcast_in_dim3A_2355 : vector<16xi1>, vector<16xi32>
      %add3A_2357 = arith.addi %add3A_2245, %select_n3A_2356 : vector<16xi32>
      %le3A_2358 = arith.cmpf ole, %gather3A_2282, %select_n3A_257 : vector<16xf32>
      %jit3A_2359 = arith.constant 1 : i32
      %jit3A_2360 = arith.constant 0 : i32
      %broadcast_in_dim3A_2361 = vector.broadcast %jit3A_2359 : i32 to vector<16xi32>
      %broadcast_in_dim3A_2362 = vector.broadcast %jit3A_2360 : i32 to vector<16xi32>
      %select_n3A_2363 = arith.select %le3A_2358, %broadcast_in_dim3A_2361, %broadcast_in_dim3A_2362 : vector<16xi1>, vector<16xi32>
      %add3A_2364 = arith.addi %add3A_2357, %select_n3A_2363 : vector<16xi32>
      %lt3A_2365 = arith.cmpf olt, %gather3A_2285, %select_n3A_257 : vector<16xf32>
      %eq3A_2366 = arith.cmpf oeq, %gather3A_2285, %select_n3A_257 : vector<16xf32>
      %and3A_2367 = arith.andi %eq3A_2366, %lt3A_208 : vector<16xi1>
      %or3A_2368 = arith.ori %lt3A_2365, %and3A_2367 : vector<16xi1>
      %jit3A_2369 = arith.constant 1 : i32
      %jit3A_2370 = arith.constant 0 : i32
      %broadcast_in_dim3A_2371 = vector.broadcast %jit3A_2369 : i32 to vector<16xi32>
      %broadcast_in_dim3A_2372 = vector.broadcast %jit3A_2370 : i32 to vector<16xi32>
      %select_n3A_2373 = arith.select %or3A_2368, %broadcast_in_dim3A_2371, %broadcast_in_dim3A_2372 : vector<16xi1>, vector<16xi32>
      %add3A_2374 = arith.addi %add3A_2364, %select_n3A_2373 : vector<16xi32>
      %lt3A_2375 = arith.cmpf olt, %gather3A_2288, %select_n3A_257 : vector<16xf32>
      %jit3A_2376 = arith.constant 1 : i32
      %jit3A_2377 = arith.constant 0 : i32
      %broadcast_in_dim3A_2378 = vector.broadcast %jit3A_2376 : i32 to vector<16xi32>
      %broadcast_in_dim3A_2379 = vector.broadcast %jit3A_2377 : i32 to vector<16xi32>
      %select_n3A_2380 = arith.select %lt3A_2375, %broadcast_in_dim3A_2378, %broadcast_in_dim3A_2379 : vector<16xi1>, vector<16xi32>
      %add3A_2381 = arith.addi %add3A_2374, %select_n3A_2380 : vector<16xi32>
      %le3A_2382 = arith.cmpf ole, %gather3A_2279, %select_n3A_271 : vector<16xf32>
      %jit3A_2383 = arith.constant 1 : i32
      %jit3A_2384 = arith.constant 0 : i32
      %broadcast_in_dim3A_2385 = vector.broadcast %jit3A_2383 : i32 to vector<16xi32>
      %broadcast_in_dim3A_2386 = vector.broadcast %jit3A_2384 : i32 to vector<16xi32>
      %select_n3A_2387 = arith.select %le3A_2382, %broadcast_in_dim3A_2385, %broadcast_in_dim3A_2386 : vector<16xi1>, vector<16xi32>
      %add3A_2388 = arith.addi %add3A_2276, %select_n3A_2387 : vector<16xi32>
      %le3A_2389 = arith.cmpf ole, %gather3A_2282, %select_n3A_271 : vector<16xf32>
      %jit3A_2390 = arith.constant 1 : i32
      %jit3A_2391 = arith.constant 0 : i32
      %broadcast_in_dim3A_2392 = vector.broadcast %jit3A_2390 : i32 to vector<16xi32>
      %broadcast_in_dim3A_2393 = vector.broadcast %jit3A_2391 : i32 to vector<16xi32>
      %select_n3A_2394 = arith.select %le3A_2389, %broadcast_in_dim3A_2392, %broadcast_in_dim3A_2393 : vector<16xi1>, vector<16xi32>
      %add3A_2395 = arith.addi %add3A_2388, %select_n3A_2394 : vector<16xi32>
      %le3A_2396 = arith.cmpf ole, %gather3A_2285, %select_n3A_271 : vector<16xf32>
      %jit3A_2397 = arith.constant 1 : i32
      %jit3A_2398 = arith.constant 0 : i32
      %broadcast_in_dim3A_2399 = vector.broadcast %jit3A_2397 : i32 to vector<16xi32>
      %broadcast_in_dim3A_2400 = vector.broadcast %jit3A_2398 : i32 to vector<16xi32>
      %select_n3A_2401 = arith.select %le3A_2396, %broadcast_in_dim3A_2399, %broadcast_in_dim3A_2400 : vector<16xi1>, vector<16xi32>
      %add3A_2402 = arith.addi %add3A_2395, %select_n3A_2401 : vector<16xi32>
      %lt3A_2403 = arith.cmpf olt, %gather3A_2288, %select_n3A_271 : vector<16xf32>
      %eq3A_2404 = arith.cmpf oeq, %gather3A_2288, %select_n3A_271 : vector<16xf32>
      %and3A_2405 = arith.andi %eq3A_2404, %lt3A_208 : vector<16xi1>
      %or3A_2406 = arith.ori %lt3A_2403, %and3A_2405 : vector<16xi1>
      %jit3A_2407 = arith.constant 1 : i32
      %jit3A_2408 = arith.constant 0 : i32
      %broadcast_in_dim3A_2409 = vector.broadcast %jit3A_2407 : i32 to vector<16xi32>
      %broadcast_in_dim3A_2410 = vector.broadcast %jit3A_2408 : i32 to vector<16xi32>
      %select_n3A_2411 = arith.select %or3A_2406, %broadcast_in_dim3A_2409, %broadcast_in_dim3A_2410 : vector<16xi1>, vector<16xi32>
      %add3A_2412 = arith.addi %add3A_2402, %select_n3A_2411 : vector<16xi32>
      %add3A_2413 = arith.addi %mul3A_2, %scan3A_220 : i32
      %mul3A_2414 = arith.constant 64 : i32
      %mul3A_2415 = arith.muli %add3A_2413, %mul3A_2414 : i32
      %add3A_2416 = vector.broadcast %mul3A_2415 : i32 to vector<16xi32>
      %add3A_2417 = arith.addi %add3A_2319, %add3A_2416 : vector<16xi32>
      %swap3A = arith.index_cast %scan3A_220 : i32 to index
      %swap3A_2418 = arith.constant 0 : index
      %swap3A_2419 = tpu.vector_load %arg9[%swap3A, %swap3A_2418] {strides = array<i32>} : memref<128x64xi32, #tpu.memory_space<vmem>>, vector<1x16xi32>,
      %swap3A_2420 = vector.shape_cast %swap3A_2419 : vector<1x16xi32> to vector<16xi32>
      %swap3A_2421 = vector.shape_cast %add3A_2417 : vector<16xi32> to vector<1x16xi32>
      tpu.vector_store %arg9[%swap3A, %swap3A_2418], %swap3A_2421 {strides = array<i32>} : memref<128x64xi32, #tpu.memory_space<vmem>>, vector<1x16xi32>,
      %add3A_2422 = vector.broadcast %mul3A_2415 : i32 to vector<16xi32>
      %add3A_2423 = arith.addi %add3A_2350, %add3A_2422 : vector<16xi32>
      %swap3A_2424 = arith.index_cast %scan3A_220 : i32 to index
      %swap3A_2425 = arith.constant 16 : index
      %swap3A_2426 = tpu.vector_load %arg9[%swap3A_2424, %swap3A_2425] {strides = array<i32>} : memref<128x64xi32, #tpu.memory_space<vmem>>, vector<1x16xi32>,
      %swap3A_2427 = vector.shape_cast %swap3A_2426 : vector<1x16xi32> to vector<16xi32>
      %swap3A_2428 = vector.shape_cast %add3A_2423 : vector<16xi32> to vector<1x16xi32>
      tpu.vector_store %arg9[%swap3A_2424, %swap3A_2425], %swap3A_2428 {strides = array<i32>} : memref<128x64xi32, #tpu.memory_space<vmem>>, vector<1x16xi32>,
      %add3A_2429 = vector.broadcast %mul3A_2415 : i32 to vector<16xi32>
      %add3A_2430 = arith.addi %add3A_2381, %add3A_2429 : vector<16xi32>
      %swap3A_2431 = arith.index_cast %scan3A_220 : i32 to index
      %swap3A_2432 = arith.constant 32 : index
      %swap3A_2433 = tpu.vector_load %arg9[%swap3A_2431, %swap3A_2432] {strides = array<i32>} : memref<128x64xi32, #tpu.memory_space<vmem>>, vector<1x16xi32>,
      %swap3A_2434 = vector.shape_cast %swap3A_2433 : vector<1x16xi32> to vector<16xi32>
      %swap3A_2435 = vector.shape_cast %add3A_2430 : vector<16xi32> to vector<1x16xi32>
      tpu.vector_store %arg9[%swap3A_2431, %swap3A_2432], %swap3A_2435 {strides = array<i32>} : memref<128x64xi32, #tpu.memory_space<vmem>>, vector<1x16xi32>,
      %add3A_2436 = vector.broadcast %mul3A_2415 : i32 to vector<16xi32>
      %add3A_2437 = arith.addi %add3A_2412, %add3A_2436 : vector<16xi32>
      %swap3A_2438 = arith.index_cast %scan3A_220 : i32 to index
      %swap3A_2439 = arith.constant 48 : index
      %swap3A_2440 = tpu.vector_load %arg9[%swap3A_2438, %swap3A_2439] {strides = array<i32>} : memref<128x64xi32, #tpu.memory_space<vmem>>, vector<1x16xi32>,
      %swap3A_2441 = vector.shape_cast %swap3A_2440 : vector<1x16xi32> to vector<16xi32>
      %swap3A_2442 = vector.shape_cast %add3A_2437 : vector<16xi32> to vector<1x16xi32>
      tpu.vector_store %arg9[%swap3A_2438, %swap3A_2439], %swap3A_2442 {strides = array<i32>} : memref<128x64xi32, #tpu.memory_space<vmem>>, vector<1x16xi32>,
      %dma_start3A = arith.constant 0 : i32
      %dma_start3A_2443 = tpu.memref_slice %arg9[%scan3A_220, %dma_start3A] : memref<128x64xi32, #tpu.memory_space<vmem>> -> memref<1x64xi32, #tpu.memory_space<vmem>>
      %dma_start3A_2444 = tpu.memref_squeeze %dma_start3A_2443 : memref<1x64xi32, #tpu.memory_space<vmem>> -> memref<64xi32, #tpu.memory_space<vmem>>
      %dma_start3A_2445 = arith.constant 0 : i32
      %dma_start3A_2446 = arith.constant 0 : i32
      %dma_start3A_2447 = tpu.memref_slice %arg5[%dma_start3A_2445, %dma_start3A_2446] : memref<262144x1024xf32, #tpu.memory_space<hbm>> -> memref<262144x1024xf32, #tpu.memory_space<hbm>>
      tpu.enqueue_indirect_dma source(%arg6 : memref<64x1024xf32, #tpu.memory_space<vmem>>) target(%dma_start3A_2447 : memref<262144x1024xf32, #tpu.memory_space<hbm>>) offsets(%dma_start3A_2444 : memref<64xi32, #tpu.memory_space<vmem>>) semaphore(%arg10 : memref<!tpu.dma_semaphore, #tpu.memory_space<semaphore_mem>>)
    }
    %scan3A_213 = arith.constant 128 : i32
    %scan3A_214 = arith.constant 0 : i32
    %scan3A_215 = arith.constant 0 : i32
    %scan3A_216 = arith.constant 128 : i32
    %scan3A_217 = arith.addi %scan3A_215, %scan3A_216 : i32
    %scan3A_218 = arith.constant 1 : i32
    scf.for %scan3A_220 = %scan3A_215 to %scan3A_217 step %scan3A_218  : i32 {
      %dma_wait3A = arith.constant 0 : i32
      %dma_wait3A_221 = tpu.memref_slice %arg9[%scan3A_220, %dma_wait3A] : memref<128x64xi32, #tpu.memory_space<vmem>> -> memref<1x64xi32, #tpu.memory_space<vmem>>
      %dma_wait3A_222 = tpu.memref_squeeze %dma_wait3A_221 : memref<1x64xi32, #tpu.memory_space<vmem>> -> memref<64xi32, #tpu.memory_space<vmem>>
      %dma_wait3A_223 = arith.constant 0 : i32
      %dma_wait3A_224 = arith.constant 0 : i32
      %dma_wait3A_225 = tpu.memref_slice %arg5[%dma_wait3A_223, %dma_wait3A_224] : memref<262144x1024xf32, #tpu.memory_space<hbm>> -> memref<262144x1024xf32, #tpu.memory_space<hbm>>
      tpu.wait_indirect_dma semaphore(%arg10 : memref<!tpu.dma_semaphore, #tpu.memory_space<semaphore_mem>>) src(%arg6 : memref<64x1024xf32, #tpu.memory_space<vmem>>) dst(%dma_wait3A_225 : memref<262144x1024xf32, #tpu.memory_space<hbm>>)
    }
    %scan3A_219 = arith.constant 128 : i32
    return
  }
}

module attributes {stable_mosaic.version = 14 : i64} {
  func.func @_sp_body(%arg0: i32, %arg1: memref<64x128xf32, #tpu.memory_space<vmem>>, %arg2: memref<64x128xi32, #tpu.memory_space<vmem>>, %arg3: memref<128x64xi32, #tpu.memory_space<vmem>>) attributes {dimension_semantics = [#tpu.dimension_semantics<arbitrary>], iteration_bounds = array<i64: 32>, scalar_prefetch = 0 : i64, scratch_operands = 0 : i64, tpu.core_type = #tpu.core_type<tc>, window_params = [{transform_indices = @transform_0, window_bounds = array<i64: 64, 128>}, {transform_indices = @transform_1, window_bounds = array<i64: 64, 128>}, {transform_indices = @transform_2, window_bounds = array<i64: 128, 64>}]} {
    %get3A = arith.constant 0 : index
    %get3A_0 = arith.constant 0 : index
    %get3A_1 = vector.load %arg1[%get3A, %get3A_0] : memref<64x128xf32, #tpu.memory_space<vmem>>, vector<64x128xf32>
    %get3A_2 = arith.constant 0 : index
    %get3A_3 = arith.constant 0 : index
    %get3A_4 = vector.load %arg2[%get3A_2, %get3A_3] : memref<64x128xi32, #tpu.memory_space<vmem>>, vector<64x128xi32>
    %eq3A = arith.constant 0 : i32
    %eq3A_5 = vector.broadcast %eq3A : i32 to vector<64x128xi32>
    %eq3A_6 = arith.cmpi eq, %get3A_4, %eq3A_5 : vector<64x128xi32>
    %jit3A = arith.constant 0x7F800000 : f32
    %broadcast_in_dim3A = vector.broadcast %jit3A : f32 to vector<64x128xf32>
    %select_n3A = arith.select %eq3A_6, %get3A_1, %broadcast_in_dim3A : vector<64x128xi1>, vector<64x128xf32>
    %broadcast_in_dim3A_7 = vector.shape_cast %select_n3A : vector<64x128xf32> to vector<64x1x128xf32>
    %broadcast_in_dim3A_8 = vector.shape_cast %select_n3A : vector<64x128xf32> to vector<1x64x128xf32>
    %iota3A = tpu.iota {dimensions = array<i32: 0>} : vector<64x64x128xi32>
    %iota3A_9 = tpu.iota {dimensions = array<i32: 1>} : vector<64x64x128xi32>
    %lt3A = vector.broadcast %broadcast_in_dim3A_8 : vector<1x64x128xf32> to vector<64x64x128xf32>
    %lt3A_10 = vector.broadcast %broadcast_in_dim3A_7 : vector<64x1x128xf32> to vector<64x64x128xf32>
    %lt3A_11 = arith.cmpf olt, %lt3A, %lt3A_10 : vector<64x64x128xf32>
    %eq3A_12 = vector.broadcast %broadcast_in_dim3A_8 : vector<1x64x128xf32> to vector<64x64x128xf32>
    %eq3A_13 = vector.broadcast %broadcast_in_dim3A_7 : vector<64x1x128xf32> to vector<64x64x128xf32>
    %eq3A_14 = arith.cmpf oeq, %eq3A_12, %eq3A_13 : vector<64x64x128xf32>
    %lt3A_15 = arith.cmpi slt, %iota3A_9, %iota3A : vector<64x64x128xi32>
    %and3A = arith.andi %eq3A_14, %lt3A_15 : vector<64x64x128xi1>
    %or3A = arith.ori %lt3A_11, %and3A : vector<64x64x128xi1>
    %convert_element_type3A = arith.extui %or3A : vector<64x64x128xi1> to vector<64x64x128xi32>
    %reduce_sum3A = arith.constant dense<0> : vector<64x128xi32>
    %reduce_sum3A_16 = vector.multi_reduction <add>, %convert_element_type3A, %reduce_sum3A [1] : vector<64x64x128xi32> to vector<64x128xi32>
    %broadcast_in_dim3A_17 = vector.shape_cast %reduce_sum3A_16 : vector<64x128xi32> to vector<1x64x128xi32>
    %eq3A_18 = vector.broadcast %broadcast_in_dim3A_17 : vector<1x64x128xi32> to vector<64x64x128xi32>
    %eq3A_19 = arith.cmpi eq, %eq3A_18, %iota3A : vector<64x64x128xi32>
    %jit3A_20 = arith.constant 0 : i32
    %broadcast_in_dim3A_21 = vector.broadcast %jit3A_20 : i32 to vector<64x64x128xi32>
    %select_n3A_22 = arith.select %eq3A_19, %iota3A_9, %broadcast_in_dim3A_21 : vector<64x64x128xi1>, vector<64x64x128xi32>
    %reduce_sum3A_23 = arith.constant dense<0> : vector<64x128xi32>
    %reduce_sum3A_24 = vector.multi_reduction <add>, %select_n3A_22, %reduce_sum3A_23 [1] : vector<64x64x128xi32> to vector<64x128xi32>
    %transpose3A = tpu.transpose %reduce_sum3A_24, [1, 0] : vector<64x128xi32> -> vector<128x64xi32>
    %swap3A = arith.constant 0 : index
    %swap3A_25 = arith.constant 0 : index
    %swap3A_26 = vector.load %arg3[%swap3A, %swap3A_25] : memref<128x64xi32, #tpu.memory_space<vmem>>, vector<128x64xi32>
    tpu.vector_store %arg3[%swap3A, %swap3A_25], %transpose3A {strides = array<i32>} : memref<128x64xi32, #tpu.memory_space<vmem>>, vector<128x64xi32>,
    return
  }
  func.func @transform_0(%arg0: i32) -> (i32, i32) {
    %c0_i32 = arith.constant 0 : i32
    %c0_i32_0 = arith.constant 0 : i32
    return %c0_i32, %arg0 : i32, i32
  }
  func.func @transform_1(%arg0: i32) -> (i32, i32) {
    %c0_i32 = arith.constant 0 : i32
    %c0_i32_0 = arith.constant 0 : i32
    return %c0_i32, %arg0 : i32, i32
  }
  func.func @transform_2(%arg0: i32) -> (i32, i32) {
    %c0_i32 = arith.constant 0 : i32
    %c0_i32_0 = arith.constant 0 : i32
    return %arg0, %c0_i32 : i32, i32
  }
}

</mosaic_0001>

<sc_bundles>
// kernel: kernel.4.cloned.1.call-start
scs
__scs_entry_jumppad:
0x0: {  	(pc) =	sbr.rel $0x88, $3  }
0x1: {  	(tag) =	ssettag $0x0;
	lr =	simm.s32 $0x1  }
0x2: {  	[smem:$0x3F9E] =	sst lr;
	_ =	strace $0xD0000000  }
0x3: {  	_ = 	snop  }
0x4: {  	_ = 	snop  }
0x5: {  	_ = 	snop  }
0x6: {  	_ = 	snop  }
0x7: {  	_ = 	snop  }
__scs_overlays_trampoline_lowered:
0x8: {  	[smem:$0x3FAD] =	sst s0  }
0x9: {  	[smem:$0x3FAE] =	sst s1  }
0xa: {  	[smem:$0x3FAF] =	sst s2  }
0xb: {  	[smem:$0x3FB0] =	sst s3  }
0xc: {  	[smem:$0x3FB1] =	sst s4  }
0xd: {  	[smem:$0x3FB2] =	sst s5  }
0xe: {  	[smem:$0x3FB3] =	sst s6  }
0xf: {  	[smem:$0x3FB4] =	sst s7  }
0x10: {  	[smem:$0x3FB5] =	sst s8  }
0x11: {  	[smem:$0x3FB6] =	sst s9;
	s0 =	simm.s32 @!p0 $0x0  }
0x12: {  	s1 =	sld [smem:$0x3F9C];
	s0 =	simm.s32 @p0 $0x1  }
0x13: {  	[smem:$0x3FB7] =	sst s0;
	s0 =	simm.s32 @!p1 $0x0  }
0x14: {  	s2 =	sld [smem:$0x3F9B];
	s0 =	simm.s32 @p1 $0x1  }
0x15: {  	[smem:$0x3FB8] =	sst s0;
	s0 =	simm.s32 @!p2 $0x0  }
0x16: {  	s3 =	sld [smem:$0x3FDB];
	s0 =	simm.s32 @p2 $0x1  }
0x17: {  	s4 =	simm.s32 $0x1BF5;
	[smem:$0x3FBA] =	sst s0  }
0x18: {  	s0 =	sld [smem:$0x3F9D];
	_ =	swait.ge [sflag:s4], $0x0  }
0x19: {  	s7 =	sld [smem:$0x3F9E]  }
0x1a: {  	s8 =	sadd.s32 $0xFFFFE003, lr  }
0x1b: {  	s9 =	sadd.s32 $0xFFFFFEF7, lr;
	s5 =	simm.s32 $0xFFFFFFFF;
	p2 =	slt.u32 s8, $0xFFFFF086  }
0x1c: {  	p1 =	slt.u32 s9, $0xF7A;
	s5 =	simm.s32 @!p2 $0x0  }
0x1d: {  	s5 =	simm.s32 @p1 $0x1;
	p0 =	seq.s32 s7, s2  }
0x1e: {  	s7 =	smul.u32 @!p0 $0xF7A, s2;
	p2 =	seq.s32 @!p0 s5, $0x0  }
0x1f: {  	s9 =	smul.u32 $0xF7A, s1;
	s8 =	simm.s32 @!p0 $0x1BF5;
	p2 =	por !p2, p0  }
0x20: {  	[sflag:s8] =	ssyncset.s32 @!p0 $0xFFFFF086;
	s6 =	sadd.s32 @!p0 s3, s7;
	s7 =	simm.s32 @!p0 $0x108  }
0x21: {  	s3 =	sadd.s32 s3, s9;
	s6 =	sadd.s32 @!p0 $0x88, s6;
	s7 =	simm.s32 @p2 $0x1082  }
0x22: {  	[simem:s7], [sflag:s8] =	dma.local @!p0 [hbm:s6], $0xF7A  }
0x23: {  	s9 =	sor.u32 $0xD0000000, s2;
	s6 =	simm.s32 $0x108;
	_ =	swait.ge @!p0 [sflag:s8], $0x0  }
0x24: {  	s3 =	sadd.s32 $0x88, s3;
	s6 =	simm.s32 @!p1 $0x1082;
	[sflag:s4] =	ssyncset.s32 $0xFFFFF086  }
0x25: {  	[simem:s6], [sflag:s4] =	dma.local [hbm:s3], $0xF7A  }
0x26: {  	[smem:$0x3F9E] =	sst s1;
	(tag) =	ssettag s2;
	_ =	strace s9  }
0x27: {  	s1 =	sld [smem:$0x3FAE]  }
0x28: {  	s2 =	sld [smem:$0x3FAF]  }
0x29: {  	s4 =	sld [smem:$0x3FB1]  }
0x2a: {  	p0 =	seq.s32 s5, $0x0;
	s5 =	sld [smem:$0x3FB2]  }
0x2b: {  	s6 =	sld [smem:$0x3FB3]  }
0x2c: {  	s7 =	sld [smem:$0x3FB4]  }
0x2d: {  	s3 =	simm.s32 $0x108;
	s8 =	sld [smem:$0x3FB5]  }
0x2e: {  	s3 =	simm.s32 @!p0 $0x1082;
	s9 =	sld [smem:$0x3FB6]  }
0x2f: {  	lr =	sadd.s32 s0, s3;
	s0 =	sld [smem:$0x3FAD]  }
0x30: {  	s3 =	sld [smem:$0x3FB0]  }
0x31: {  	[smem:$0x3FB9] =	sst s10  }
0x32: {  	s10 =	sld [smem:$0x3FB7];
	_ =	sdelay $0x3  }
0x33: {  	p0 =	seq.s32 s10, $0x1;
	s10 =	sld [smem:$0x3FB9];
	_ =	sdelay $0x3  }
0x34: {  	[smem:$0x3FB9] =	sst s10  }
0x35: {  	s10 =	sld [smem:$0x3FB8];
	_ =	sdelay $0x3  }
0x36: {  	p1 =	seq.s32 s10, $0x1;
	s10 =	sld [smem:$0x3FB9];
	_ =	sdelay $0x3  }
0x37: {  	[smem:$0x3FB9] =	sst s10  }
0x38: {  	s10 =	sld [smem:$0x3FBA]  }
0x39: {  	_ = 	snop;
	(pc) =	sbr.ind lr, $3  }
0x3a: {  	_ = 	snop  }
0x3b: {  	_ = 	snop  }
0x3c: {  	p2 =	seq.s32 s10, $0x1;
	s10 =	sld [smem:$0x3FB9]  }
0x3d: {  	_ =	shalt  }
0x3e: {  	_ =	shalt  }
0x3f: {  	_ =	shalt  }
0x40: {  	_ =	shalt  }
0x41: {  	_ =	shalt  }
0x42: {  	_ =	shalt  }
0x43: {  	_ =	shalt  }
0x44: {  	_ =	shalt  }
0x45: {  	_ =	shalt  }
0x46: {  	_ =	shalt  }
0x47: {  	_ =	shalt  }
0x48: {  	_ =	shalt  }
0x49: {  	_ =	shalt  }
0x4a: {  	_ =	shalt  }
0x4b: {  	_ =	shalt  }
0x4c: {  	_ =	shalt  }
0x4d: {  	_ =	shalt  }
0x4e: {  	_ =	shalt  }
0x4f: {  	_ =	shalt  }
0x50: {  	_ =	shalt  }
0x51: {  	_ =	shalt  }
0x52: {  	_ =	shalt  }
0x53: {  	_ =	shalt  }
0x54: {  	_ =	shalt  }
0x55: {  	_ =	shalt  }
0x56: {  	_ =	shalt  }
0x57: {  	_ =	shalt  }
0x58: {  	_ =	shalt  }
0x59: {  	_ =	shalt  }
0x5a: {  	_ =	shalt  }
0x5b: {  	_ =	shalt  }
0x5c: {  	_ =	shalt  }
0x5d: {  	_ =	shalt  }
0x5e: {  	_ =	shalt  }
0x5f: {  	_ =	shalt  }
0x60: {  	_ =	shalt  }
0x61: {  	_ =	shalt  }
0x62: {  	_ =	shalt  }
0x63: {  	_ =	shalt  }
0x64: {  	_ =	shalt  }
0x65: {  	_ =	shalt  }
0x66: {  	_ =	shalt  }
0x67: {  	_ =	shalt  }
0x68: {  	_ =	shalt  }
0x69: {  	_ =	shalt  }
0x6a: {  	_ =	shalt  }
0x6b: {  	_ =	shalt  }
0x6c: {  	_ =	shalt  }
0x6d: {  	_ =	shalt  }
0x6e: {  	_ =	shalt  }
0x6f: {  	_ =	shalt  }
0x70: {  	_ =	shalt  }
0x71: {  	_ =	shalt  }
0x72: {  	_ =	shalt  }
0x73: {  	_ =	shalt  }
0x74: {  	_ =	shalt  }
0x75: {  	_ =	shalt  }
0x76: {  	_ =	shalt  }
0x77: {  	_ =	shalt  }
0x78: {  	_ =	shalt  }
0x79: {  	_ =	shalt  }
0x7a: {  	_ =	shalt  }
0x7b: {  	_ =	shalt  }
0x7c: {  	_ =	shalt  }
0x7d: {  	_ =	shalt  }
0x7e: {  	_ =	shalt  }
0x7f: {  	_ =	shalt  }
0x80: {  	_ =	shalt  }
0x81: {  	_ =	shalt  }
0x82: {  	_ =	shalt  }
0x83: {  	_ =	shalt  }
0x84: {  	_ =	shalt  }
0x85: {  	_ =	shalt  }
0x86: {  	_ =	shalt  }
0x87: {  	_ =	shalt  }
.Lfunc_end0:
.L_simem_size_0:
called_computation_lowered:
.L_overlay_start_0:
0x88: {  	s2 =	sld [smem:$0x3FD9]  }
0x89: {  	s3 =	sld [smem:$0x3FFE];
	_ =	sdelay $0x1  }
0x8a: {  	s1 =	srdreg.scid  }
0x8b: {  	s0 =	sand.u32 $0x1, s1  }
0x8c: {  	s14 =	sshll.u32 s0, $0xA;
	s2 =	sadd.s32 s3, s2  }
0x8d: {  	s2 =	sadd.s32 s2, s14  }
0x8e: {  	[smem:$0x3FC5] =	sst s2  }
0x8f: {  	_ = 	snop  }
0x90: {  	s2 =	sld [smem:$0x3FD0];
	_ =	sdelay $0x2  }
0x91: {  	s4 =	simm.s32 $0xA;
	s5 =	simm.s32 $0x10;
	s15 =	sld [smem:$0x3FC7]  }
0x92: {  	[smem:s5], [sflag:s4] =	dma.local [hbm:s2], $0x1  }
0x93: {  	_ =	swait.eq [sflag:s4], $0x1  }
0x94: {  	[sflag:s4] =	ssyncset.done $0x0  }
0x95: {  	[sflag:s4] =	ssyncadd.s32 $0xFFFFFFFF  }
0x96: {  	s16 =	sld [smem:$0x10];
	(tm) =	ssettm $0x1  }
0x97: {  	s17 =	sld [smem:$0x3FFB];
	_ =	sdelay $0x3  }
0x98: {  	_ =	strace s17  }
0x99: {  	s4 =	sld [smem:$0x3FFC];
	_ =	sdelay $0x3  }
0x9a: {  	_ =	strace s4  }
0x9b: {  	s4 =	sld [smem:$0x3FFD];
	_ =	sdelay $0x3  }
0x9c: {  	_ =	strace s4  }
0x9d: {  	_ =	strace $0x8FFFFFFF  }
0x9e: {  	s18 =	sld [smem:$0x3FDB];
	_ =	sdelay $0x1  }
0x9f: {  	s19 =	simm.s32 $_scs_section_size  }
0xa0: {  	s6 =	simm.s32 $_size__tile_overlayer_lowered;
	s7 =	simm.s32 $_tile_overlayer_lowered  }
0xa1: {  	s22 =	simm.s32 $0x1BFF;
	s21 =	sshll.u32 s7, $0x1;
	s4 =	sadd.s32 s19, s18  }
0xa2: {  	s8 =	simm.s32 $0x0;
	s20 =	sshll.u32 s6, $0x1;
	s6 =	sadd.s32 s21, s4  }
0xa3: {  	[timem:s8], [sflag:s22] =	dma.local [hbm:s6], s20  }
0xa4: {  	_ =	swait.ge [sflag:s22], s20  }
0xa5: {  	s5 =	ssub.s32 $0x0, s20;
	[sflag:s22] =	ssyncset.done $0x0  }
0xa6: {  	[sflag:s22] =	ssyncadd.s32 s5;
	_ =	sdelay $0x1  }
0xa7: {  	s23 =	simm.s32 $0x1B8B  }
0xa8: {  	_ =	swait.ge [sflag:s23], $0x1  }
0xa9: {  	[sflag:s23] =	ssyncset.done $0x0  }
0xaa: {  	s25 =	simm.s32 $0x1B8E;
	s24 =	sld [smem:$0x3FFE];
	[sflag:s23] =	ssyncadd.s32 $0xFFFFFFFF  }
0xab: {  	s26 =	simm.s32 $execute0_lowered;
	[smem:$0x3FD2] =	sst s25  }
0xac: {  	s6 =	sshll.u32 s26, $0x1;
	_ =	strace $0x80000046;
	[dreg:$0x1] =	wrdreg $0xFFFFFFFF  }
0xad: {  	s28 =	simm.s32 $_size_execute0_lowered;
	s4 =	sadd.s32 s4, s6;
	[dreg:$0x0] =	wrdreg $0x0  }
0xae: {  	s6 =	sshll.u32 s28, $0x1;
	[dreg:$0x2] =	wrdreg s4  }
0xaf: {  	[dreg:$0x3] =	wrdreg s6  }
0xb0: {  	[dreg:$0x4] =	wrdreg $0xC0  }
0xb1: {  	_ =	task [dreg:s8], $0x5FFFF  }
0xb2: {  	[dreg:$0x1] =	wrdreg $0xFFFFFFFF  }
0xb3: {  	[dreg:$0x0] =	wrdreg $0x60  }
0xb4: {  	[dreg:$0x2] =	wrdreg s24  }
0xb5: {  	[dreg:$0x3] =	wrdreg s15  }
0xb6: {  	[dreg:$0x4] =	wrdreg s16  }
0xb7: {  	[dreg:$0x5] =	wrdreg $0x9  }
0xb8: {  	_ =	task.clear_ibuf [dreg:s8], $0x6FFFF;
	_ =	strace $0x90000046  }
0xb9: {  	s29 =	simm.s32 $0x9;
	_ =	strace $0x80000048  }
0xba: {  	_ =	swait.ge [sflag:s29], $0x1  }
0xbb: {  	[sflag:s29] =	ssyncadd.s32 $0xFFFFFFFF  }
0xbc: {  	_ =	strace $0x90000048  }
0xbd: {  	_ =	sfence  }
0xbe: {  	s30 =	sld [smem:$0x0];
	_ =	sdelay $0x2  }
0xbf: {  	s31 =	sshll.u32 s1, $0xD;
	s1 =	sshrl.u32 s1, $0x2  }
0xc0: {  	s3 =	sand.u32 $0x4000, s31;
	s1 =	sadd.s32 s1, s30  }
0xc1: {  	s0 =	sor.u32 s3, s0;
	s1 =	sshll.u32 s1, $0x11  }
0xc2: {  	s0 =	sor.u32 s1, s0  }
0xc3: {  	s0 =	sadd.s32 $0x8F2B, s0  }
0xc4: {  	[sflag:s0] =	ssyncadd.remote.s32 $0x1  }
0xc5: {  	_ =	sfence.sel $0xFFFF  }
0xc6: {  	[dreg:$0x0] =	wrdreg $0xFFFFFFFF;
	(pc) =	sbr.abs _section_cstart, $3  }
0xc7: {  	[dreg:$0x1] =	wrdreg $0xFFFFFFFF  }
0xc8: {  	_ =	task.clear_ibuf [dreg:s8], $0x2FFFF;
	_ =	strace $0x9FFFFFFF  }
0xc9: {  	(tm) =	ssettm $0x7FFFFFFF  }
tec
execute0_lowered:
.L_overlay_start_1:
0x0: {  	(tag) =	ssettag $0x1  }
0x1: {  	v0 =	vimm.s32 $0xFEDCBA9;
	v1 =	vimm.s32 $0x87654321  }
0x2: {  	v5 =	vimm.s32 $0x98765432;
	v19 =	vlaneseq.u32;
	v55 =	vimm.s32 $0x210FEDCB  }
0x3: {  	v6 =	vimm.s32 $0xA9876543;
	v7 =	vimm.s32 $0x3210FEDC;
	v8 =	vimm.s32 $0xBA987654  }
0x4: {  	v10 =	vimm.s32 $0x43210FED;
	v12 =	vimm.s32 $0xCBA98765;
	v58 =	vimm.s32 $0x543210FE  }
0x5: {  	v59 =	vimm.s32 $0xDCBA9876;
	v13 =	vimm.s32 $0x6543210F;
	v14 =	vimm.s32 $0xEDCBA987  }
0x6: {  	v16 =	vimm.s32 $0xFEDCBA98;
	v18 =	vimm.s32 $0x76543210;
	v0 =	vunpack.c.l.s4.s8 v0  }
0x7: {  	v1 =	vunpack.c.l.s4.s8 v1;
	v5 =	vunpack.c.l.s4.s8 v5;
	v6 =	vunpack.c.l.s4.s8 v6  }
0x8: {  	v7 =	vunpack.c.l.s4.s8 v7;
	v8 =	vunpack.c.l.s4.s8 v8;
	v10 =	vunpack.c.l.s4.s8 v10  }
0x9: {  	v57 =	vunpack.c.l.s4.s8 v12;
	v12 =	vunpack.c.l.s4.s8 v59;
	v13 =	vunpack.c.l.s4.s8 v13  }
0xa: {  	s0 =	rddreg [dreg:$0x0];
	s1 =	srdreg.scid;
	v14 =	vunpack.c.l.s4.s8 v14;
	v16 =	vunpack.c.l.s4.s8 v16;
	v18 =	vunpack.c.l.s4.s8 v18  }
0xb: {  	s3 =	rddreg [dreg:$0x2];
	s6 =	stileid.u32;
	v62 =	vand.u32 $0x7, v19;
	v0 =	vunpack.c.0.s8.s32 v0;
	v2 =	vunpack.c.0.s8.s32 v1  }
0xc: {  	s4 =	simm.s32 $0x0;
	s16 =	simm.s32 $0x800;
	s17 =	simm.s32 $0x1000;
	v1 =	vimm.s32 $0x10FEDCBA;
	v5 =	vunpack.c.0.s8.s32 v5;
	v6 =	vunpack.c.0.s8.s32 v6  }
0xd: {  	s18 =	simm.s32 $0x1800;
	s19 =	simm.s32 $0x2000;
	s21 =	simm.s32 $0x2800;
	v7 =	vunpack.c.0.s8.s32 v7;
	v8 =	vunpack.c.0.s8.s32 v8;
	v10 =	vunpack.c.0.s8.s32 v10  }
0xe: {  	s22 =	simm.s32 $0x3000;
	s23 =	simm.s32 $0x3800;
	[smem:$0x7FF] =	sst s4;
	v13 =	vunpack.c.0.s8.s32 v13;
	v14 =	vunpack.c.0.s8.s32 v14;
	v16 =	vunpack.c.0.s8.s32 v16  }
0xf: {  	s24 =	simm.s32 $0x4000;
	_ =	strace $0x80000047;
	[dreg:$0x4] =	wrdreg s16;
	v61 =	vunpack.c.0.s8.s32 v18;
	v4 =	vunpack.c.l.s4.s8 v1;
	v3 =	vcombine.low v2, v0  }
0x10: {  	s25 =	simm.s32 $0x4800;
	s26 =	simm.s32 $0x5000;
	[dreg:$0x5] =	wrdreg s17;
	v11 =	vcombine.low v8, v7;
	v60 =	vcombine.low v14, v13;
	v16 =	vand.u32 $0xF, v16  }
0x11: {  	s28 =	simm.s32 $0xB800;
	s29 =	simm.s32 $0xC000;
	[dreg:$0x6] =	wrdreg s18;
	[tilespmem:$0x1FFC0] =	vst v62;
	v20 =	vand.u32 $0xF, v3;
	v3 =	vunpack.c.0.s8.s32 v4;
	v4 =	vunpack.c.l.s4.s8 v55  }
0x12: {  	s30 =	simm.s32 $0xC800;
	s31 =	simm.s32 $0xD000;
	[dreg:$0x7] =	wrdreg s19;
	v0 =	vcombine.low v0, v2;
	v29 =	vand.u32 $0xF, v11;
	v11 =	vunpack.c.l.s4.s8 v58;
	[tilespmem:$0x1FF10] =	vst v20  }
0x13: {  	s12 =	simm.s32 $0xF000;
	s10 =	simm.s32 $0x0;
	[dreg:$0x8] =	wrdreg s21;
	v43 =	vcombine.low v16, v61;
	v38 =	vand.u32 $0xF, v60;
	[tilespmem:$0x1FF40] =	vst v29;
	v4 =	vunpack.c.0.s8.s32 v4  }
0x14: {  	s1 =	sand.u32 $0x1, s1;
	s2 =	sshll.u32 s6, $0xC;
	[dreg:$0x9] =	wrdreg s22;
	v12 =	vunpack.c.0.s8.s32 v12;
	[tilespmem:$0x1FF70] =	vst v38;
	v9 =	vcombine.low v5, v3;
	v11 =	vunpack.c.0.s8.s32 v11  }
0x15: {  	s7 =	sadd.s32 $0x100, s3;
	s8 =	sadd.s32 $0x200, s3;
	[dreg:$0xa] =	wrdreg s23;
	v44 =	vand.u32 $0xF, v0;
	[tilespmem:$0x1FF80] =	vst v43;
	v2 =	vcombine.low v3, v5;
	v56 =	vcombine.low v6, v4  }
0x16: {  	s9 =	sadd.s32 $0x300, s3;
	s20 =	sshll.u32 s6, $0xE;
	[dreg:$0xb] =	wrdreg s24;
	[tilespmem:$0x1FF90] =	vst v44;
	v25 =	vand.u32 $0xF, v9;
	v17 =	vcombine.low v12, v11;
	v0 =	vcombine.low v4, v6  }
0x17: {  	s5 =	sshll.u32 s1, $0xB;
	s13 =	ssub.s32 $0x2, s1;
	[dreg:$0xc] =	wrdreg s25;
	v9 =	vunpack.c.0.s8.s32 v57;
	v46 =	vand.u32 $0xF, v2;
	v2 =	vcombine.low v7, v8;
	[tilespmem:$0x1FF20] =	vst v25  }
0x18: {  	s1 =	sshll.u32 s1, $0xD;
	[dreg:$0xd] =	wrdreg s26;
	s16 =	simm.s32 $0x6000;
	[tilespmem:$0x1FFA0] =	vst v46;
	v26 =	vand.u32 $0xF, v56;
	v31 =	vand.u32 $0xF, v17;
	v47 =	vand.u32 $0xF, v0  }
0x19: {  	s17 =	simm.s32 $0x6800;
	s18 =	simm.s32 $0x7000;
	s19 =	simm.s32 $0x7800;
	v0 =	vcombine.low v10, v9;
	v57 =	vand.u32 $0xF, v2;
	v2 =	vcombine.low v11, v12;
	[tilespmem:$0x1FF30] =	vst v26  }
0x1a: {  	s21 =	simm.s32 $0x8800;
	s22 =	simm.s32 $0x9000;
	s23 =	simm.s32 $0x9800;
	v3 =	vcombine.low v13, v14;
	[tilespmem:$0x1FF60] =	vst v31  }
0x1b: {  	s24 =	simm.s32 $0xA000;
	s25 =	simm.s32 $0xA800;
	s26 =	simm.s32 $0xB000;
	v15 =	vcombine.low v9, v10;
	[tilespmem:$0x1FFB0] =	vst v47;
	v60 =	vand.u32 $0xF, v0;
	v0 =	vand.u32 $0xF, v2  }
0x1c: {  	s2 =	sor.u32 s5, s2;
	s14 =	sshrl.u32 s13, $0x1;
	s1 =	sor.u32 s1, s20;
	[tilespmem:$0x1FEF0] =	vst v0;
	v0 =	vand.u32 $0xF, v3  }
0x1d: {  	s20 =	simm.s32 $0x8000;
	s5 =	simm.s32 $0x1;
	s0 =	sadd.s32 s2, s0;
	v30 =	vand.u32 $0xF, v15;
	[tilespmem:$0x1FF00] =	vst v0;
	v0 =	vshrl.u32 v19, $0x3  }
0x1e: {  	s2 =	ssub.s32 s13, s14;
	[dreg:$0x11] =	wrdreg s1;
	s15 =	sadd.s32 $0xC00, s0;
	v3 =	vor.u32 $0x8, v19;
	[tilespmem:$0x1FF50] =	vst v30;
	v63 =	vmul.u32 $0x8, v0  }
0x1f: {  	vm4 =	vcmask $0x3F3C;
	vm1 =	vmmov $0xffff;
	s1 =	simm.s32 $0xE000;
	s0 =	sadd.s32 $0x18C00, s0;
	[dreg:$0xe] =	wrdreg s15;
	[tilespmem:$0x1FFF0] =	vst v3;
	v0 =	vimm.s32 $0x0  }
0x20: {  	vm5 =	vcmask $0x3F38;
	vm7 =	vcmask $0x3F34;
	s14 =	simm.s32 $0xF800;
	s2 =	smax.u32 s2, $0x1;
	[dreg:$0xf] =	wrdreg s0;
	v0 =	vsel vm1, $0xFFFFFFFF, v0;
	[tilespmem:$0x1FFD0] =	vst v63  }
0x21: {  	vm9 =	vcmask $0x3F30;
	vm13 =	vcmask $0x3F2C;
	v1 =	vimm.s32 $0x0;
	[dreg:$0x10] =	wrdreg s2;
	s2 =	simm.s32 $0xD800;
	s0 =	simm.s32 $0xE800;
	[tilespmem:$0x1FFE0] =	vst v0  }
.LBB2_1:
0x22: {  	[dreg:$0x12] =	wrdreg s10  }
0x23: {  	s6 =	rddreg [dreg:$0xe];
	s11 =	simm.s32 $0x10000;
	s10 =	simm.s32 $0x2  }
0x24: {  	[tilespmem:s11], [sflag:$0x2] =	stream.linear.gather [hbm4b:s6+s4], $0x4000, $0x38;
	[tilespmem:$0x1C000] =	vst v63  }
0x25: {  	_ =	swait.ge [sflag:s10], $0x4000  }
0x26: {  	[sflag:s10] =	ssyncset.done $0x0  }
0x27: {  	s11 =	simm.s32 $0x14000;
	s13 =	rddreg [dreg:$0xf];
	[sflag:s10] =	ssyncadd.s32 $0xFFFFC000  }
0x28: {  	[tilespmem:s11], [sflag:$0x2] =	stream.linear.gather [hbm4b:s13+s4], $0x4000, $0x38;
	[tilespmem:$0x1C000] =	vst v63  }
0x29: {  	_ =	swait.ge [sflag:s10], $0x4000  }
0x2a: {  	[sflag:s10] =	ssyncset.done $0x0  }
0x2b: {  	[sflag:s10] =	ssyncadd.s32 $0xFFFFC000  }
0x2c: {  	s15 =	rddreg [dreg:$0x1]  }
0x2d: {  	[tilespmem:s4], [sflag:$0x2] =	stream.linear.gather [hbm4b:s15+s4], $0x10000, $0x38;
	[tilespmem:$0x1C000] =	vst v63  }
0x2e: {  	_ =	swait.ge [sflag:s10], $0x10000  }
0x2f: {  	[sflag:s10] =	ssyncset.done $0x0  }
0x30: {  	s11 =	rddreg [dreg:$0x11];
	[sflag:s10] =	ssyncadd.s32 $0xFFFF0000;
	s10 =	simm.s32 $0x0  }
.LBB2_2:
0x31: {  	s13 =	sshra.s32 s10, $0x2  }
0x32: {  	v0 =	vld [tilespmem:s13+$0x14000]  }
0x33: {  	v2 =	vld [tilespmem:s13+$0x10010]  }
0x34: {  	v3 =	vld [tilespmem:s13+$0x14010]  }
0x35: {  	v5 =	vld [tilespmem:s13+$0x14020]  }
0x36: {  	v4 =	vld [tilespmem:s13+$0x10020]  }
0x37: {  	v8 =	vld [tilespmem:s13+$0x10000]  }
0x38: {  	v6 =	vld [tilespmem:s13+$0x14030]  }
0x39: {  	v7 =	vld [tilespmem:s13+$0x10030]  }
0x3a: {  	vm1 =	veq.s32 v3, $0x0;
	vm2 =	veq.s32 v5, $0x0  }
0x3b: {  	vm0 =	veq.s32 v0, $0x0;
	v28 =	vnsel vm1, $0x7F800000, v2;
	v24 =	vnsel vm2, $0x7F800000, v4  }
0x3c: {  	v33 =	vnsel vm0, $0x7F800000, v8;
	v0 =	vperm.xlane v28, v19;
	v2 =	vperm.xlane v24, v19  }
0x3d: {  	vm1 =	veq.s32 v6, $0x0;
	v49 =	vperm.xlane v33, v19;
	v58 =	vperm.xlane v24, v20  }
0x3e: {  	v23 =	vnsel vm1, $0x7F800000, v7;
	v32 =	vperm.xlane v24, v25;
	v17 =	vperm.xlane v33, v29  }
0x3f: {  	v18 =	vperm.xlane v33, v30;
	v3 =	vperm.xlane v23, v19  }
0x40: {  	v48 =	vimm.s32 $0x0;
	v59 =	vperm.xlane v23, v20;
	v7 =	vperm.xlane v23, v25  }
0x41: {  	v16 =	vperm.xlane v23, v26;
	v19 =	vperm.xlane v28, v29;
	vm0 =	vlt.f32 v0, v33  }
0x42: {  	vm1 =	vlt.f32 v2, v33;
	vm2 =	vle.f32 v0, v23;
	v50 =	vsel vm0, $0x1, v1  }
0x43: {  	v51 =	vsel vm1, $0x1, v1;
	vm0 =	vlt.f32 v3, v33;
	vm1 =	vlt.f32 v2, v28  }
0x44: {  	v21 =	vsel vm0, $0x1, v1;
	vm0 =	vle.f32 v49, v28;
	v53 =	vsel vm1, $0x1, v1  }
0x45: {  	[tilespmem:$0x1F5F0] =	vst v50;
	vm1 =	vle.f32 v0, v24;
	v0 =	vperm.xlane v33, v20;
	v50 =	vimm.s32 $0x0  }
0x46: {  	[tilespmem:$0x1F600] =	vst v51;
	v51 =	vimm.s32 $0x0;
	v52 =	vsel vm0, $0x1, v1;
	vm0 =	vlt.f32 v3, v28  }
0x47: {  	v56 =	vsel vm1, $0x1, v1;
	v54 =	vsel vm0, $0x1, v1;
	vm0 =	vle.f32 v49, v24  }
0x48: {  	vm1 =	vle.f32 v49, v23;
	v55 =	vsel vm0, $0x1, v1;
	vm0 =	vlt.f32 v3, v24  }
0x49: {  	v49 =	vimm.s32 $0x0;
	v3 =	vsel vm0, $0x1, v1;
	vm0 =	vle.f32 v2, v23  }
0x4a: {  	v2 =	vperm.xlane v28, v20;
	[tilespmem:$0x1F790] =	vst v3;
	v3 =	vsel vm1, $0x1, v1;
	vm1 =	veq.f32 v0, v33  }
0x4b: {  	[tilespmem:$0x1F8B0] =	vst v3;
	v3 =	vsel vm2, $0x1, v1;
	vm2 =	vlt.f32 v0, v33;
	vm1 =	vmand vm1, vm4  }
0x4c: {  	vm3 =	vle.f32 v2, v24;
	[tilespmem:$0x1F880] =	vst v3;
	v3 =	vsel vm0, $0x1, v1;
	vm0 =	vmor vm2, vm1  }
0x4d: {  	vm1 =	vlt.f32 v58, v33;
	vm2 =	vlt.f32 v2, v28;
	v14 =	vsel vm3, $0x1, v1  }
0x4e: {  	vm3 =	vlt.f32 v19, v28;
	v27 =	vsel vm0, $0x1, v1;
	vm0 =	vlt.f32 v2, v33  }
0x4f: {  	v63 =	vsel vm1, $0x1, v1;
	vm1 =	vlt.f32 v59, v33;
	v22 =	vsel vm0, $0x1, v1  }
0x50: {  	[tilespmem:$0x1F8E0] =	vst v3;
	vm0 =	veq.f32 v2, v28;
	v3 =	vsel vm1, $0x1, v1;
	vm1 =	vle.f32 v0, v28  }
0x51: {  	vm0 =	vmand vm0, vm4;
	v9 =	vsel vm1, $0x1, v1;
	vm1 =	veq.f32 v58, v24  }
0x52: {  	[tilespmem:$0x1F7D0] =	vst v14;
	v14 =	vperm.xlane v28, v26;
	vm0 =	vmor vm2, vm0;
	vm1 =	vmand vm1, vm4  }
0x53: {  	vm2 =	vle.f32 v0, v24;
	v10 =	vsel vm0, $0x1, v1;
	vm0 =	vlt.f32 v58, v28  }
0x54: {  	[tilespmem:$0x1F6C0] =	vst v9;
	v9 =	vperm.xlane v24, v30;
	v11 =	vsel vm0, $0x1, v1;
	vm0 =	vlt.f32 v59, v28  }
0x55: {  	v13 =	vsel vm2, $0x1, v1;
	v12 =	vsel vm0, $0x1, v1;
	vm0 =	vlt.f32 v58, v24  }
0x56: {  	vm2 =	vle.f32 v2, v23;
	[tilespmem:$0x1F7B0] =	vst v13;
	v13 =	vperm.xlane v28, v30;
	vm0 =	vmor vm0, vm1  }
0x57: {  	vm11 =	veq.f32 v9, v24;
	[tilespmem:$0x1F700] =	vst v12;
	v15 =	vsel vm0, $0x1, v1;
	vm0 =	vlt.f32 v59, v24  }
0x58: {  	vm11 =	vmand vm11, vm13;
	vm1 =	vle.f32 v0, v23;
	[tilespmem:$0x1F810] =	vst v15;
	v0 =	vsel vm0, $0x1, v1  }
0x59: {  	v12 =	vperm.xlane v33, v26;
	vm0 =	vle.f32 v58, v23;
	[tilespmem:$0x1F7F0] =	vst v0;
	v0 =	vsel vm1, $0x1, v1  }
0x5a: {  	v15 =	vperm.xlane v24, v26;
	v26 =	vperm.xlane v23, v29;
	v2 =	vsel vm0, $0x1, v1;
	[tilespmem:$0x1F910] =	vst v0  }
0x5b: {  	vm1 =	veq.f32 v59, v23;
	vm0 =	vlt.f32 v59, v23;
	v0 =	vsel vm2, $0x1, v1;
	[tilespmem:$0x1F970] =	vst v2  }
0x5c: {  	vm1 =	vmand vm1, vm4;
	v2 =	vperm.xlane v28, v25;
	[tilespmem:$0x1F940] =	vst v0;
	v0 =	vperm.xlane v33, v25  }
0x5d: {  	vm0 =	vmor vm0, vm1;
	v25 =	vperm.xlane v23, v30;
	v30 =	vperm.xlane v28, v44  }
0x5e: {  	v34 =	vsel vm0, $0x1, v1;
	vm1 =	veq.f32 v0, v33;
	vm2 =	vlt.f32 v0, v33  }
0x5f: {  	vm12 =	veq.f32 v25, v23;
	vm14 =	vlt.f32 v25, v23;
	vm1 =	vmand vm1, vm5  }
0x60: {  	[tilespmem:$0x1F9D0] =	vst v34;
	v34 =	vperm.xlane v28, v31;
	vm15 =	vmand vm12, vm13;
	vm0 =	vmor vm2, vm1  }
0x61: {  	[tilespmem:$0x1F6E0] =	vst v10;
	vm1 =	vlt.f32 v32, v33;
	vm2 =	vlt.f32 v2, v28;
	vm15 =	vmor vm14, vm15  }
0x62: {  	[tilespmem:$0x1F6D0] =	vst v11;
	v11 =	vsel vm0, $0x1, v1;
	vm0 =	vlt.f32 v2, v33;
	v10 =	vsel vm1, $0x1, v1  }
0x63: {  	vm1 =	vlt.f32 v7, v33;
	v20 =	vsel vm0, $0x1, v1;
	vm0 =	veq.f32 v2, v28  }
0x64: {  	v5 =	vsel vm1, $0x1, v1;
	vm1 =	vle.f32 v0, v28;
	vm0 =	vmand vm0, vm5  }
0x65: {  	v35 =	vsel vm1, $0x1, v1;
	vm1 =	vle.f32 v0, v24;
	vm0 =	vmor vm2, vm0  }
0x66: {  	v40 =	vsel vm1, $0x1, v1;
	vm1 =	vle.f32 v2, v24;
	vm2 =	vlt.f32 v32, v24  }
0x67: {  	[tilespmem:$0x1F710] =	vst v35;
	v35 =	vperm.xlane v24, v31;
	v36 =	vsel vm0, $0x1, v1;
	vm0 =	vlt.f32 v32, v28  }
0x68: {  	v41 =	vsel vm1, $0x1, v1;
	vm1 =	vlt.f32 v7, v24;
	v37 =	vsel vm0, $0x1, v1  }
0x69: {  	vm0 =	vlt.f32 v7, v28;
	v45 =	vsel vm1, $0x1, v1;
	vm1 =	veq.f32 v7, v23  }
0x6a: {  	[tilespmem:$0x1F730] =	vst v36;
	v36 =	vperm.xlane v28, v38;
	v39 =	vsel vm0, $0x1, v1;
	vm0 =	veq.f32 v32, v24  }
0x6b: {  	[tilespmem:$0x1F720] =	vst v37;
	vm1 =	vmand vm1, vm5;
	v37 =	vperm.xlane v23, v31;
	vm0 =	vmand vm0, vm5  }
0x6c: {  	[tilespmem:$0x1F740] =	vst v39;
	vm5 =	vlt.f32 v14, v33;
	v39 =	vperm.xlane v24, v38;
	vm0 =	vmor vm2, vm0  }
0x6d: {  	vm2 =	vlt.f32 v7, v23;
	v42 =	vsel vm0, $0x1, v1;
	vm0 =	vle.f32 v0, v23  }
0x6e: {  	vm1 =	vmor vm2, vm1;
	v0 =	vsel vm0, $0x1, v1;
	vm0 =	vle.f32 v2, v23  }
0x6f: {  	vm2 =	veq.f32 v15, v24;
	[tilespmem:$0x1F9A0] =	vst v0;
	v0 =	vsel vm0, $0x1, v1;
	vm0 =	vle.f32 v32, v23  }
0x70: {  	v2 =	vperm.xlane v24, v29;
	[tilespmem:$0x1FA00] =	vst v0;
	v0 =	vsel vm0, $0x1, v1;
	vm0 =	veq.f32 v12, v33  }
0x71: {  	[tilespmem:$0x1FA30] =	vst v0;
	v0 =	vsel vm1, $0x1, v1;
	vm1 =	vlt.f32 v12, v33;
	vm0 =	vmand vm0, vm7  }
0x72: {  	[tilespmem:$0x1F8A0] =	vst v42;
	v29 =	vperm.xlane v33, v38;
	v42 =	vperm.xlane v23, v38;
	vm0 =	vmor vm1, vm0  }
0x73: {  	v38 =	vimm.s32 $0x0;
	[tilespmem:$0x1FA90] =	vst v0;
	v0 =	vsel vm0, $0x1, v1;
	vm0 =	veq.f32 v14, v28  }
0x74: {  	v32 =	vperm.xlane v33, v31;
	vm1 =	vlt.f32 v14, v28;
	vm0 =	vmand vm0, vm7  }
0x75: {  	vm6 =	vmor vm1, vm0;
	vm0 =	vlt.f32 v15, v24;
	vm1 =	vmand vm2, vm7  }
0x76: {  	vm2 =	veq.f32 v19, v28;
	vm4 =	vmor vm0, vm1;
	vm0 =	vlt.f32 v16, v23  }
0x77: {  	[tilespmem:$0x1F6A0] =	vst v53;
	vm1 =	veq.f32 v16, v23;
	vm2 =	vmand vm2, vm9;
	v53 =	vsel vm6, $0x1, v1  }
0x78: {  	vm6 =	vlt.f32 v29, v33;
	vm1 =	vmand vm1, vm7;
	vm3 =	vmor vm3, vm2  }
0x79: {  	vm2 =	veq.f32 v26, v23;
	vm7 =	vlt.f32 v26, v23;
	v59 =	vsel vm4, $0x1, v1  }
0x7a: {  	vm4 =	vle.f32 v12, v23;
	vm8 =	vmor vm0, vm1;
	vm0 =	vlt.f32 v17, v33  }
0x7b: {  	vm1 =	veq.f32 v17, v33;
	vm2 =	vmand vm2, vm9;
	v62 =	vsel vm4, $0x1, v1  }
0x7c: {  	[tilespmem:$0x1F850] =	vst v41;
	vm4 =	vlt.f32 v36, v28;
	v41 =	vsel vm3, $0x1, v1;
	vm1 =	vmand vm1, vm9  }
0x7d: {  	vm3 =	vlt.f32 v26, v28;
	vm10 =	vmor vm0, vm1;
	vm0 =	veq.f32 v2, v24  }
0x7e: {  	[tilespmem:$0x1F820] =	vst v41;
	v41 =	vperm.xlane v24, v43;
	vm1 =	vlt.f32 v2, v24;
	vm0 =	vmand vm0, vm9  }
0x7f: {  	vm9 =	vcmask $0x3F28;
	vm1 =	vmor vm1, vm0;
	vm0 =	vmor vm7, vm2  }
0x80: {  	vm7 =	veq.f32 v13, v28;
	v4 =	vsel vm0, $0xFFFFFFFF, v48;
	vm0 =	veq.f32 v18, v33  }
0x81: {  	vm2 =	vlt.f32 v18, v33;
	vm7 =	vmand vm7, vm13;
	vm0 =	vmand vm0, vm13  }
0x82: {  	v48 =	vsel vm3, $0x1, v1;
	vm3 =	vlt.f32 v26, v24;
	vm0 =	vmor vm2, vm0  }
0x83: {  	[tilespmem:$0x1F5A0] =	vst v4;
	vm13 =	vlt.f32 v37, v23;
	vm2 =	vlt.f32 v13, v28;
	v4 =	vsel vm0, $0xFFFFFFFF, v49  }
0x84: {  	vm7 =	vmor vm2, vm7;
	vm2 =	vlt.f32 v9, v24;
	vm0 =	veq.f32 v34, v28  }
0x85: {  	vm12 =	vmor vm2, vm11;
	vm2 =	veq.f32 v32, v33;
	vm11 =	vlt.f32 v32, v33  }
0x86: {  	[tilespmem:$0x1FA60] =	vst v62;
	vm0 =	vmand vm0, vm9;
	vm2 =	vmand vm2, vm9;
	v62 =	vsel vm12, $0x1, v1  }
0x87: {  	vm14 =	vmor vm11, vm2;
	vm2 =	vlt.f32 v34, v28;
	vm11 =	vlt.f32 v15, v33  }
0x88: {  	vm12 =	vlt.f32 v30, v28;
	vm0 =	vmor vm2, vm0;
	v6 =	vsel vm11, $0x1, v1  }
0x89: {  	[tilespmem:$0x1F5B0] =	vst v4;
	vm11 =	veq.f32 v35, v24;
	vm2 =	vlt.f32 v35, v24;
	v4 =	vsel vm0, $0xFFFFFFFF, v50  }
0x8a: {  	vm0 =	vlt.f32 v16, v33;
	vm11 =	vmand vm11, vm9;
	[tilespmem:$0x1F5C0] =	vst v4;
	v4 =	vsel vm5, $0x1, v1  }
0x8b: {  	vm5 =	vle.f32 v12, v28;
	v8 =	vsel vm0, $0x1, v1;
	vm0 =	veq.f32 v37, v23  }
0x8c: {  	vm2 =	vmor vm2, vm11;
	vm11 =	vlt.f32 v42, v23;
	vm0 =	vmand vm0, vm9  }
0x8d: {  	[tilespmem:$0x1F690] =	vst v52;
	v52 =	vsel vm5, $0x1, v1;
	vm5 =	vlt.f32 v16, v28;
	vm9 =	vcmask $0x3F24  }
0x8e: {  	[tilespmem:$0x1F750] =	vst v55;
	vm0 =	vmor vm13, vm0;
	v55 =	vsel vm5, $0x1, v1;
	vm5 =	veq.f32 v29, v33  }
0x8f: {  	[tilespmem:$0x1F760] =	vst v52;
	v52 =	vsel vm3, $0x1, v1;
	v7 =	vsel vm0, $0xFFFFFFFF, v51;
	vm0 =	vlt.f32 v15, v28  }
0x90: {  	vm5 =	vmand vm5, vm9;
	v51 =	vsel vm1, $0x1, v1;
	vm1 =	vle.f32 v19, v23  }
0x91: {  	[tilespmem:$0x1F6B0] =	vst v54;
	v54 =	vsel vm0, $0x1, v1;
	vm0 =	vle.f32 v12, v24;
	vm6 =	vmor vm6, vm5  }
0x92: {  	[tilespmem:$0x1F770] =	vst v56;
	vm5 =	vle.f32 v14, v23;
	v56 =	vsel vm0, $0x1, v1;
	vm0 =	vle.f32 v14, v24  }
0x93: {  	v12 =	vsel vm5, $0x1, v1;
	v58 =	vsel vm0, $0x1, v1;
	vm0 =	vlt.f32 v16, v24  }
0x94: {  	[tilespmem:$0x1F7C0] =	vst v55;
	vm5 =	vlt.f32 v2, v33;
	v61 =	vsel vm0, $0x1, v1;
	vm0 =	veq.f32 v36, v28  }
0x95: {  	v55 =	vsel vm7, $0x1, v1;
	[tilespmem:$0x1FAC0] =	vst v12;
	v12 =	vsel vm5, $0x1, v1;
	vm0 =	vmand vm0, vm9  }
0x96: {  	vm5 =	veq.f32 v42, v23;
	vm4 =	vmor vm4, vm0;
	vm0 =	vle.f32 v15, v23  }
0x97: {  	vm5 =	vmand vm5, vm9;
	v14 =	vsel vm0, $0x1, v1;
	vm0 =	vlt.f32 v19, v33  }
0x98: {  	[tilespmem:$0x1F830] =	vst v40;
	v15 =	vsel vm8, $0x1, v1;
	v31 =	vsel vm0, $0x1, v1;
	vm0 =	veq.f32 v39, v24  }
0x99: {  	[tilespmem:$0x1FAF0] =	vst v14;
	v14 =	vsel vm10, $0x1, v1;
	vm10 =	vlt.f32 v39, v24;
	vm0 =	vmand vm0, vm9  }
0x9a: {  	[tilespmem:$0x1F5D0] =	vst v7;
	vm8 =	vlt.f32 v26, v33;
	vm13 =	vmor vm10, vm0;
	vm0 =	vmor vm11, vm5  }
0x9b: {  	[tilespmem:$0x1FB50] =	vst v15;
	v15 =	vsel vm8, $0x1, v1;
	v7 =	vsel vm0, $0xFFFFFFFF, v38;
	vm0 =	vlt.f32 v2, v28  }
0x9c: {  	[tilespmem:$0x1F870] =	vst v45;
	vm8 =	vle.f32 v17, v28;
	v45 =	vsel vm0, $0x1, v1;
	vm0 =	vle.f32 v17, v24  }
0x9d: {  	[tilespmem:$0x1F7A0] =	vst v53;
	v40 =	vsel vm8, $0x1, v1;
	v49 =	vsel vm0, $0x1, v1;
	vm0 =	vle.f32 v19, v24  }
0x9e: {  	[tilespmem:$0x1F9F0] =	vst v52;
	v38 =	vperm.xlane v33, v43;
	v50 =	vsel vm0, $0x1, v1;
	vm0 =	vle.f32 v17, v23  }
0x9f: {  	[tilespmem:$0x1F7E0] =	vst v40;
	v53 =	vsel vm0, $0x1, v1;
	vm0 =	vle.f32 v2, v23;
	v2 =	vsel vm1, $0x1, v1  }
0xa0: {  	v52 =	vsel vm15, $0x1, v1;
	vm15 =	vle.f32 v32, v28;
	[tilespmem:$0x1FB80] =	vst v2;
	v2 =	vsel vm0, $0x1, v1  }
0xa1: {  	vm8 =	vcmask $0x3F20;
	v40 =	vperm.xlane v28, v43;
	vm3 =	veq.f32 v38, v33;
	[tilespmem:$0x1FBB0] =	vst v2;
	v2 =	vld [tilespmem:$0x1F5A0]  }
0xa2: {  	v26 =	vperm.xlane v33, v44;
	vm3 =	vmand vm3, vm8;
	vm1 =	vlt.f32 v38, v33  }
0xa3: {  	vm5 =	veq.f32 v40, v28;
	[tilespmem:$0x1F800] =	vst v45;
	v45 =	vperm.xlane v23, v43;
	vm10 =	vmor vm1, vm3  }
0xa4: {  	vm3 =	vmand vm5, vm8;
	vm0 =	vlt.f32 v40, v28;
	vm5 =	veq.f32 v41, v24  }
0xa5: {  	[tilespmem:$0x1F960] =	vst v59;
	vm11 =	vmor vm0, vm3;
	vm0 =	vmand vm5, vm8;
	vm3 =	vlt.f32 v41, v24  }
0xa6: {  	[tilespmem:$0x1FCC0] =	vst v52;
	v52 =	vimm.s32 $0x0;
	vm3 =	vmor vm3, vm0;
	vm0 =	vnez.u8 v2  }
0xa7: {  	[tilespmem:$0x1F8C0] =	vst v55;
	vm7 =	vlt.f32 v26, v33;
	v2 =	vsel vm0, $0x1, v1;
	vm0 =	veq.f32 v45, v23  }
0xa8: {  	vm9 =	vcmask $0x3F1C;
	[tilespmem:$0x1FC10] =	vst v2;
	vm0 =	vmand vm0, vm8;
	v2 =	vld [tilespmem:$0x1F5B0];
	vm8 =	vlt.f32 v45, v23  }
0xa9: {  	[tilespmem:$0x1F990] =	vst v49;
	v49 =	vimm.s32 $0x0;
	vm8 =	vmor vm8, vm0;
	vm0 =	vlt.f32 v25, v33  }
0xaa: {  	[tilespmem:$0x1FB20] =	vst v53;
	v53 =	vimm.s32 $0x0;
	v17 =	vsel vm0, $0x1, v1;
	vm0 =	vle.f32 v18, v28  }
0xab: {  	[tilespmem:$0x1F780] =	vst v54;
	vm5 =	vlt.f32 v13, v33;
	v54 =	vsel vm0, $0x1, v1;
	vm0 =	vlt.f32 v9, v28  }
0xac: {  	[tilespmem:$0x1F8D0] =	vst v56;
	v19 =	vsel vm5, $0x1, v1;
	vm5 =	vlt.f32 v9, v33;
	v56 =	vsel vm0, $0x1, v1  }
0xad: {  	v55 =	vld [tilespmem:$0x1F5C0];
	[tilespmem:$0x1F860] =	vst v54;
	vm0 =	veq.f32 v26, v33;
	v54 =	vsel vm15, $0x1, v1;
	vm1 =	vnez.u8 v2  }
0xae: {  	[tilespmem:$0x1F840] =	vst v48;
	v2 =	vsel vm5, $0x1, v1;
	vm5 =	vlt.f32 v25, v28;
	vm0 =	vmand vm0, vm9  }
0xaf: {  	[tilespmem:$0x1F920] =	vst v54;
	v54 =	vsel vm4, $0x1, v1;
	vm4 =	vlt.f32 v42, v28;
	v16 =	vsel vm1, $0x1, v1  }
0xb0: {  	[tilespmem:$0x1F900] =	vst v58;
	v58 =	vsel vm5, $0x1, v1;
	vm5 =	vle.f32 v18, v24;
	vm7 =	vmor vm7, vm0  }
0xb1: {  	[tilespmem:$0x1F930] =	vst v61;
	vm0 =	vlt.f32 v25, v24;
	v25 =	vsel vm14, $0x1, v1;
	vm14 =	vlt.f32 v37, v33  }
0xb2: {  	vm1 =	vnez.u8 v55;
	[tilespmem:$0x1FA40] =	vst v54;
	v54 =	vimm.s32 $0x0;
	v59 =	vsel vm5, $0x1, v1  }
0xb3: {  	[tilespmem:$0x1F5E0] =	vst v7;
	vm5 =	vle.f32 v13, v24;
	v43 =	vsel vm0, $0x1, v1;
	vm0 =	veq.f32 v30, v28  }
0xb4: {  	[tilespmem:$0x1F8F0] =	vst v58;
	v58 =	vperm.xlane v24, v44;
	v61 =	vsel vm5, $0x1, v1;
	vm5 =	vle.f32 v18, v23  }
0xb5: {  	[tilespmem:$0x1FAB0] =	vst v43;
	vm0 =	vmand vm0, vm9;
	v43 =	vsel vm2, $0x1, v1;
	vm2 =	vle.f32 v34, v23  }
0xb6: {  	[tilespmem:$0x1FA80] =	vst v61;
	v48 =	vsel vm5, $0x1, v1;
	vm5 =	vle.f32 v13, v23;
	vm0 =	vmor vm12, vm0  }
0xb7: {  	v61 =	vperm.xlane v23, v44;
	[tilespmem:$0x1FBA0] =	vst v43;
	v43 =	vsel vm13, $0x1, v1;
	v7 =	vsel vm0, $0xFFFFFFFF, v49  }
0xb8: {  	[tilespmem:$0x1F9C0] =	vst v50;
	v50 =	vsel vm5, $0x1, v1;
	vm0 =	vle.f32 v9, v23;
	vm5 =	vlt.f32 v35, v33  }
0xb9: {  	[tilespmem:$0x1FA20] =	vst v51;
	v9 =	vsel vm14, $0x1, v1;
	vm14 =	vlt.f32 v58, v24;
	v49 =	vsel vm2, $0x1, v1  }
0xba: {  	[tilespmem:$0x1FC50] =	vst v43;
	v43 =	vperm.xlane v23, v47;
	v51 =	vsel vm0, $0x1, v1;
	vm0 =	vlt.f32 v34, v33  }
0xbb: {  	v13 =	vsel vm5, $0x1, v1;
	vm5 =	veq.f32 v61, v23;
	[tilespmem:$0x1FCE0] =	vst v49;
	v49 =	vsel vm6, $0x1, v1  }
0xbc: {  	vm6 =	vlt.f32 v36, v33;
	v18 =	vsel vm0, $0x1, v1;
	vm0 =	veq.f32 v58, v24  }
0xbd: {  	[tilespmem:$0x1F890] =	vst v56;
	vm5 =	vmand vm5, vm9;
	vm0 =	vmand vm0, vm9;
	vm9 =	vlt.f32 v61, v23  }
0xbe: {  	[tilespmem:$0x1FA50] =	vst v59;
	vm14 =	vmor vm14, vm0;
	vm0 =	vmor vm9, vm5;
	vm5 =	vlt.f32 v37, v28  }
0xbf: {  	[tilespmem:$0x1F610] =	vst v7;
	v7 =	vsel vm0, $0xFFFFFFFF, v53;
	vm0 =	vlt.f32 v35, v28;
	v59 =	vsel vm5, $0x1, v1  }
0xc0: {  	vm5 =	vlt.f32 v37, v24;
	[tilespmem:$0x1F620] =	vst v7;
	v7 =	vsel vm1, $0x1, v1;
	v56 =	vsel vm0, $0x1, v1  }
0xc1: {  	[tilespmem:$0x1FAE0] =	vst v62;
	vm0 =	vle.f32 v32, v24;
	v44 =	vsel vm5, $0x1, v1;
	vm1 =	vcmask $0x3F18  }
0xc2: {  	[tilespmem:$0x1FBE0] =	vst v48;
	v62 =	vsel vm0, $0x1, v1;
	vm0 =	vle.f32 v34, v24;
	v34 =	vperm.xlane v28, v46  }
0xc3: {  	[tilespmem:$0x1F950] =	vst v56;
	v56 =	vsel vm4, $0x1, v1;
	vm4 =	vle.f32 v29, v24;
	v37 =	vsel vm0, $0x1, v1  }
0xc4: {  	[tilespmem:$0x1F9B0] =	vst v59;
	vm0 =	vle.f32 v32, v23;
	v32 =	vperm.xlane v33, v46;
	v59 =	vsel vm4, $0x1, v1  }
0xc5: {  	[tilespmem:$0x1FC60] =	vst v51;
	vm4 =	vle.f32 v36, v24;
	v48 =	vsel vm0, $0x1, v1;
	vm0 =	vle.f32 v35, v23  }
0xc6: {  	[tilespmem:$0x1FB40] =	vst v37;
	v35 =	vperm.xlane v24, v46;
	vm9 =	veq.f32 v34, v28;
	v37 =	vperm.xlane v23, v46  }
0xc7: {  	v51 =	vld [tilespmem:$0x1F5D0];
	[tilespmem:$0x1FB10] =	vst v62;
	v62 =	vsel vm4, $0x1, v1;
	vm4 =	vlt.f32 v42, v24;
	vm5 =	veq.f32 v32, v33  }
0xc8: {  	[tilespmem:$0x1FC40] =	vst v50;
	vm2 =	vlt.f32 v32, v33;
	v50 =	vsel vm0, $0x1, v1;
	vm0 =	vlt.f32 v34, v28  }
0xc9: {  	[tilespmem:$0x1FC90] =	vst v48;
	v48 =	vsel vm6, $0x1, v1;
	vm6 =	vlt.f32 v39, v33;
	vm5 =	vmand vm5, vm1  }
0xca: {  	vm12 =	vmor vm2, vm5;
	vm5 =	vmand vm9, vm1;
	vm9 =	veq.f32 v35, v24  }
0xcb: {  	[tilespmem:$0x1F980] =	vst v7;
	vm15 =	vmor vm0, vm5;
	vm0 =	vmand vm9, vm1;
	vm5 =	vlt.f32 v35, v24  }
0xcc: {  	[tilespmem:$0x1FB70] =	vst v44;
	v44 =	vsel vm4, $0x1, v1;
	vm5 =	vmor vm5, vm0;
	vm0 =	vnez.u8 v51  }
0xcd: {  	[tilespmem:$0x1FC00] =	vst v62;
	v62 =	vimm.s32 $0x0;
	v7 =	vsel vm0, $0x1, v1;
	vm0 =	veq.f32 v37, v23  }
0xce: {  	v46 =	vsel vm6, $0x1, v1;
	vm9 =	vlt.f32 v37, v23;
	vm0 =	vmand vm0, vm1  }
0xcf: {  	[tilespmem:$0x1FC30] =	vst v44;
	v44 =	vsel vm10, $0x1, v1;
	vm10 =	vlt.f32 v43, v23;
	vm0 =	vmor vm9, vm0  }
0xd0: {  	v51 =	vperm.xlane v33, v47;
	[tilespmem:$0x1FD40] =	vst v7;
	v7 =	vsel vm0, $0xFFFFFFFF, v52;
	vm0 =	vlt.f32 v42, v33  }
0xd1: {  	[tilespmem:$0x1FD00] =	vst v50;
	v52 =	vperm.xlane v28, v47;
	v50 =	vsel vm0, $0x1, v1;
	vm0 =	vle.f32 v29, v28  }
0xd2: {  	vm2 =	vcmask $0x3F14;
	vm6 =	vlt.f32 v51, v33;
	v53 =	vsel vm0, $0x1, v1  }
0xd3: {  	[tilespmem:$0x1FBD0] =	vst v59;
	v59 =	vld [tilespmem:$0x1F5E0];
	vm0 =	vlt.f32 v39, v28;
	vm4 =	veq.f32 v52, v28;
	vm9 =	vlt.f32 v52, v28  }
0xd4: {  	v55 =	vsel vm0, $0x1, v1;
	vm0 =	veq.f32 v51, v33;
	vm4 =	vmand vm4, vm2  }
0xd5: {  	vm0 =	vmand vm0, vm2;
	vm1 =	vmor vm9, vm4;
	vm4 =	vle.f32 v39, v23  }
0xd6: {  	[tilespmem:$0x1FA70] =	vst v56;
	v39 =	vsel vm11, $0x1, v1;
	vm0 =	vmor vm6, vm0;
	vm6 =	vle.f32 v29, v23  }
0xd7: {  	[tilespmem:$0x1F630] =	vst v7;
	v7 =	vsel vm1, $0xFFFFFFFF, v54;
	v56 =	vsel vm4, $0x1, v1;
	vm4 =	vlt.f32 v40, v33  }
0xd8: {  	[tilespmem:$0x1F9E0] =	vst v53;
	vm1 =	vnez.u8 v59;
	v54 =	vperm.xlane v24, v47;
	v53 =	vsel vm6, $0x1, v1  }
0xd9: {  	vm6 =	vle.f32 v36, v23;
	[tilespmem:$0x1F640] =	vst v7;
	v7 =	vsel vm1, $0x1, v1;
	vm1 =	vlt.f32 v45, v33  }
0xda: {  	[tilespmem:$0x1FA10] =	vst v55;
	v42 =	vsel vm4, $0x1, v1;
	v55 =	vsel vm6, $0x1, v1;
	vm6 =	vlt.f32 v41, v33  }
0xdb: {  	[tilespmem:$0x1FD20] =	vst v53;
	vm4 =	veq.f32 v54, v24;
	v53 =	vsel vm1, $0x1, v1;
	vm1 =	vle.f32 v38, v28  }
0xdc: {  	vm9 =	vlt.f32 v54, v24;
	v47 =	vsel vm6, $0x1, v1;
	vm6 =	veq.f32 v43, v23  }
0xdd: {  	vm4 =	vmand vm4, vm2;
	v36 =	vsel vm1, $0x1, v1;
	vm1 =	vlt.f32 v41, v28  }
0xde: {  	[tilespmem:$0x1FD60] =	vst v55;
	vm6 =	vmand vm6, vm2;
	vm4 =	vmor vm9, vm4;
	v55 =	vsel vm1, $0x1, v1  }
0xdf: {  	[tilespmem:$0x1FAA0] =	vst v36;
	vm1 =	vle.f32 v38, v24;
	v36 =	vsel vm3, $0x1, v1;
	vm3 =	vle.f32 v40, v23  }
0xe0: {  	[tilespmem:$0x1FD80] =	vst v56;
	vm2 =	vmor vm10, vm6;
	vm6 =	vlt.f32 v45, v28;
	v59 =	vsel vm1, $0x1, v1  }
0xe1: {  	[tilespmem:$0x1FAD0] =	vst v55;
	vm1 =	vle.f32 v40, v24;
	v40 =	vperm.xlane v33, v57;
	v55 =	vperm.xlane v28, v57  }
0xe2: {  	[tilespmem:$0x1FDC0] =	vst v7;
	v7 =	vsel vm2, $0xFFFFFFFF, v62;
	v56 =	vsel vm6, $0x1, v1;
	vm6 =	vlt.f32 v45, v24  }
0xe3: {  	v62 =	vsel vm1, $0x1, v1;
	vm1 =	vle.f32 v38, v23;
	v45 =	vperm.xlane v24, v57  }
0xe4: {  	[tilespmem:$0x1FC80] =	vst v59;
	vm2 =	vcmask $0x3F10;
	v59 =	vimm.s32 $0x0;
	v38 =	vsel vm6, $0x1, v1  }
0xe5: {  	[tilespmem:$0x1FB00] =	vst v39;
	vm6 =	vle.f32 v41, v23;
	v39 =	vsel vm1, $0x1, v1;
	vm1 =	veq.f32 v40, v33  }
0xe6: {  	[tilespmem:$0x1FCF0] =	vst v36;
	v41 =	vsel vm3, $0x1, v1;
	vm3 =	veq.f32 v55, v28;
	vm9 =	vlt.f32 v40, v33  }
0xe7: {  	[tilespmem:$0x1FCB0] =	vst v62;
	vm10 =	vlt.f32 v55, v28;
	v62 =	vsel vm8, $0x1, v1;
	v36 =	vmovc v57;
	v57 =	vperm.xlane v23, v57  }
0xe8: {  	[tilespmem:$0x1FB30] =	vst v56;
	v56 =	vsel vm6, $0x1, v1;
	vm6 =	veq.f32 v45, v24;
	vm1 =	vmand vm1, vm2  }
0xe9: {  	vm3 =	vmand vm3, vm2;
	vm13 =	vlt.f32 v45, v24;
	vm6 =	vmand vm6, vm2  }
0xea: {  	[tilespmem:$0x1F650] =	vst v7;
	vm11 =	vmor vm9, vm1;
	vm10 =	vmor vm10, vm3;
	vm1 =	vmor vm13, vm6  }
0xeb: {  	[tilespmem:$0x1FE20] =	vst v62;
	vm3 =	vlt.f32 v58, v33;
	v7 =	vsel vm1, $0xFFFFFFFF, v59;
	vm1 =	vlt.f32 v30, v33  }
0xec: {  	[tilespmem:$0x1FDF0] =	vst v56;
	v62 =	vsel vm3, $0x1, v1;
	v56 =	vsel vm1, $0x1, v1;
	vm1 =	vlt.f32 v61, v33  }
0xed: {  	vm3 =	vle.f32 v26, v28;
	[tilespmem:$0x1F660] =	vst v7;
	v7 =	vsel vm1, $0x1, v1;
	vm1 =	veq.f32 v57, v23  }
0xee: {  	vm6 =	vlt.f32 v57, v23;
	v29 =	vsel vm3, $0x1, v1;
	vm1 =	vmand vm1, vm2  }
0xef: {  	[tilespmem:$0x1FB60] =	vst v29;
	v29 =	vimm.s32 $0x0;
	vm1 =	vmor vm6, vm1  }
0xf0: {  	[tilespmem:$0x1FCD0] =	vst v38;
	v38 =	vld [tilespmem:$0x1F600];
	v29 =	vsel vm1, $0xFFFFFFFF, v29  }
0xf1: {  	[tilespmem:$0x1F670] =	vst v29;
	v29 =	vld [tilespmem:$0x1F5F0];
	_ =	sdelay $0x4  }
0xf2: {  	[tilespmem:$0x1FDE0] =	vst v41;
	v41 =	vperm.xlane v33, v60;
	v29 =	vadd.s32 v29, v38  }
0xf3: {  	vm13 =	vcmask $0x3F0C;
	v21 =	vadd.s32 v21, v29;
	v29 =	vld [tilespmem:$0x1F610]  }
0xf4: {  	vm8 =	vlt.f32 v41, v33;
	vm3 =	veq.f32 v41, v33;
	v21 =	vadd.s32 v22, v21  }
0xf5: {  	v59 =	vsel vm7, $0x1, v1;
	vm3 =	vmand vm3, vm13;
	v21 =	vadd.s32 v27, v21  }
0xf6: {  	vm3 =	vmor vm8, vm3;
	vm6 =	vle.f32 v26, v23;
	v21 =	vadd.s32 v63, v21  }
0xf7: {  	v38 =	vimm.s32 $0x0;
	v63 =	vsel vm6, $0x1, v1;
	v3 =	vadd.s32 v3, v21  }
0xf8: {  	vm6 =	vle.f32 v58, v23;
	vm1 =	vnez.u8 v29;
	v3 =	vadd.s32 v20, v3  }
0xf9: {  	v29 =	vsel vm1, $0x1, v1;
	vm1 =	vlt.f32 v58, v28;
	v3 =	vadd.s32 v11, v3  }
0xfa: {  	v58 =	vperm.xlane v24, v60;
	v22 =	vsel vm1, $0x1, v1;
	vm1 =	vlt.f32 v61, v28  }
0xfb: {  	v3 =	vadd.s32 v10, v3;
	[tilespmem:$0x1FB90] =	vst v22;
	v22 =	vsel vm1, $0x1, v1;
	vm1 =	vle.f32 v26, v24  }
0xfc: {  	v3 =	vadd.s32 v5, v3;
	[tilespmem:$0x1FBF0] =	vst v22;
	v22 =	vsel vm1, $0x1, v1;
	vm1 =	vle.f32 v30, v24  }
0xfd: {  	v11 =	vsel vm6, $0x1, v1;
	v3 =	vadd.s32 v4, v3;
	[tilespmem:$0x1FD10] =	vst v22;
	v22 =	vsel vm1, $0x1, v1  }
0xfe: {  	vm1 =	vlt.f32 v61, v24;
	v61 =	vperm.xlane v28, v60;
	v0 =	vadd.s32 v0, v3;
	v3 =	vld [tilespmem:$0x1F620]  }
0xff: {  	vm6 =	veq.f32 v58, v24;
	v20 =	vsel vm1, $0x1, v1;
	vm1 =	vle.f32 v30, v23  }
0x100: {  	vm9 =	vlt.f32 v58, v24;
	v10 =	vsel vm1, $0x1, v1;
	vm1 =	veq.f32 v61, v28  }
0x101: {  	vm6 =	vmand vm6, vm13;
	vm8 =	vlt.f32 v61, v28;
	vm1 =	vmand vm1, vm13  }
0x102: {  	v21 =	vsel vm14, $0x1, v1;
	[tilespmem:$0x1FE00] =	vst v63;
	vm7 =	vmor vm8, vm1;
	vm1 =	vmor vm9, vm6  }
0x103: {  	vm2 =	vlt.f32 v35, v33;
	[tilespmem:$0x1FD70] =	vst v21;
	v4 =	vsel vm1, $0xFFFFFFFF, v38;
	vm1 =	vnez.u8 v3  }
0x104: {  	v63 =	vsel vm15, $0x1, v1;
	v0 =	vadd.s32 v6, v0;
	[tilespmem:$0x1FE40] =	vst v10;
	v3 =	vsel vm1, $0x1, v1  }
0x105: {  	v21 =	vsel vm12, $0x1, v1;
	v0 =	vadd.s32 v8, v0;
	v10 =	vsel vm2, $0x1, v1;
	[tilespmem:$0x1FE80] =	vst v3;
	v3 =	vld [tilespmem:$0x1FEF0]  }
0x106: {  	[tilespmem:$0x1FDA0] =	vst v39;
	vm2 =	vle.f32 v32, v28;
	v0 =	vadd.s32 v31, v0;
	vm8 =	vlt.f32 v34, v33  }
0x107: {  	[tilespmem:$0x1FD30] =	vst v22;
	v39 =	vsel vm2, $0x1, v1;
	v0 =	vadd.s32 v14, v0;
	v22 =	vsel vm8, $0x1, v1  }
0x108: {  	vm8 =	vlt.f32 v37, v33;
	v0 =	vadd.s32 v12, v0;
	[tilespmem:$0x1F680] =	vst v4;
	v4 =	vperm.xlane v23, v60  }
0x109: {  	v27 =	vsel vm8, $0x1, v1;
	vm1 =	vcmask $0x3F08;
	v0 =	vadd.s32 v15, v0  }
0x10a: {  	[tilespmem:$0x1FE50] =	vst v11;
	v15 =	vsel vm5, $0x1, v1;
	vm5 =	vle.f32 v32, v23;
	v11 =	vperm.xlane v33, v3  }
0x10b: {  	v0 =	vadd.s32 v19, v0;
	v19 =	vsel vm10, $0x1, v1;
	vm10 =	vlt.f32 v45, v28  }
0x10c: {  	vm8 =	veq.f32 v4, v23;
	vm9 =	vlt.f32 v4, v23;
	vm2 =	veq.f32 v11, v33  }
0x10d: {  	vm8 =	vmand vm8, vm13;
	vm12 =	vlt.f32 v11, v33;
	vm2 =	vmand vm2, vm1  }
0x10e: {  	vm14 =	vmor vm9, vm8;
	vm8 =	vmor vm12, vm2;
	vm2 =	vlt.f32 v35, v28  }
0x10f: {  	v0 =	vadd.s32 v16, v0;
	v38 =	vsel vm2, $0x1, v1;
	vm2 =	vlt.f32 v37, v28  }
0x110: {  	v0 =	vadd.s32 v2, v0;
	v8 =	vsel vm2, $0x1, v1;
	vm2 =	vle.f32 v32, v24  }
0x111: {  	v2 =	vsel vm5, $0x1, v1;
	v12 =	vsel vm2, $0x1, v1;
	vm2 =	vle.f32 v34, v24  }
0x112: {  	[tilespmem:$0x1FC70] =	vst v63;
	v63 =	vperm.xlane v28, v3;
	v14 =	vsel vm2, $0x1, v1;
	vm2 =	vlt.f32 v37, v24  }
0x113: {  	v31 =	vperm.xlane v24, v3;
	v32 =	vsel vm2, $0x1, v1;
	vm2 =	vle.f32 v34, v23  }
0x114: {  	vm5 =	vle.f32 v35, v23;
	[tilespmem:$0x1FE60] =	vst v2;
	v0 =	vadd.s32 v17, v0;
	v2 =	vsel vm2, $0x1, v1  }
0x115: {  	v6 =	vld [tilespmem:$0x1FF00];
	vm2 =	veq.f32 v63, v28;
	[tilespmem:$0x1FEA0] =	vst v2;
	v2 =	vsel vm5, $0x1, v1;
	vm5 =	veq.f32 v31, v24  }
0x116: {  	vm2 =	vmand vm2, vm1;
	vm9 =	vmand vm5, vm1;
	vm5 =	vlt.f32 v63, v28  }
0x117: {  	v0 =	vadd.s32 v18, v0;
	[tilespmem:$0x1FEB0] =	vst v2;
	v2 =	vimm.s32 $0x0;
	vm2 =	vmor vm5, vm2  }
0x118: {  	[tilespmem:$0x1FCA0] =	vst v8;
	v8 =	vsel vm0, $0x1, v1;
	vm0 =	vlt.f32 v54, v33;
	v2 =	vsel vm2, $0xFFFFFFFF, v2  }
0x119: {  	vm12 =	vlt.f32 v31, v24;
	v5 =	vsel vm0, $0x1, v1;
	[tilespmem:$0x1F6F0] =	vst v2;
	v2 =	vadd.s32 v25, v0;
	v0 =	vld [tilespmem:$0x1F630]  }
0x11a: {  	vm0 =	vle.f32 v51, v28;
	[tilespmem:$0x1FE30] =	vst v14;
	v14 =	vperm.xlane v33, v6;
	v2 =	vadd.s32 v13, v2  }
0x11b: {  	v37 =	vimm.s32 $0x0;
	v17 =	vsel vm0, $0x1, v1;
	v2 =	vadd.s32 v9, v2  }
0x11c: {  	vm0 =	veq.f32 v14, v33;
	vm13 =	vlt.f32 v14, v33;
	v2 =	vadd.s32 v48, v2  }
0x11d: {  	vm12 =	vmor vm12, vm9;
	vm5 =	vlt.f32 v58, v28;
	v2 =	vadd.s32 v49, v2  }
0x11e: {  	v48 =	vsel vm5, $0x1, v1;
	vm2 =	vnez.u8 v0;
	v2 =	vadd.s32 v46, v2  }
0x11f: {  	v0 =	vsel vm2, $0x1, v1;
	vm2 =	vlt.f32 v52, v33;
	v2 =	vadd.s32 v50, v2  }
0x120: {  	v50 =	vsel vm4, $0x1, v1;
	vm4 =	vlt.f32 v57, v33;
	[tilespmem:$0x1FED0] =	vst v0;
	v0 =	vperm.xlane v23, v3  }
0x121: {  	[tilespmem:$0x1FD50] =	vst v20;
	v20 =	vsel vm2, $0x1, v1;
	vm2 =	vlt.f32 v43, v33;
	v2 =	vadd.s32 v42, v2  }
0x122: {  	[tilespmem:$0x1FC20] =	vst v39;
	v39 =	vld [tilespmem:$0x1F640];
	v3 =	vsel vm2, $0x1, v1;
	v2 =	vadd.s32 v44, v2;
	vm2 =	veq.f32 v0, v23  }
0x123: {  	vm9 =	vlt.f32 v0, v23;
	v2 =	vadd.s32 v47, v2;
	v47 =	vsel vm4, $0x1, v1  }
0x124: {  	vm4 =	vle.f32 v40, v24;
	vm5 =	vlt.f32 v0, v24;
	vm2 =	vmand vm2, vm1  }
0x125: {  	vm1 =	vcmask $0x3F04;
	v2 =	vadd.s32 v53, v2;
	v30 =	vsel vm4, $0x1, v1  }
0x126: {  	vm4 =	vle.f32 v45, v23;
	vm0 =	vmand vm0, vm1;
	vm1 =	vmor vm9, vm2  }
0x127: {  	[tilespmem:$0x1FDD0] =	vst v12;
	v12 =	vsel vm1, $0xFFFFFFFF, v37;
	vm13 =	vmor vm13, vm0;
	vm0 =	vnez.u8 v39  }
0x128: {  	vm2 =	vle.f32 v51, v23;
	[tilespmem:$0x1FD90] =	vst v12;
	v12 =	vsel vm0, $0x1, v1;
	vm0 =	vlt.f32 v54, v28  }
0x129: {  	vm9 =	vlt.f32 v57, v28;
	v18 =	vsel vm0, $0x1, v1;
	vm0 =	vlt.f32 v43, v28  }
0x12a: {  	v2 =	vadd.s32 v56, v2;
	v13 =	vsel vm0, $0x1, v1;
	vm0 =	vle.f32 v51, v24  }
0x12b: {  	[tilespmem:$0x1FE70] =	vst v32;
	v32 =	vsel vm4, $0x1, v1;
	v37 =	vsel vm0, $0x1, v1;
	vm0 =	vle.f32 v52, v24  }
0x12c: {  	v26 =	vsel vm2, $0x1, v1;
	v49 =	vsel vm0, $0x1, v1;
	vm0 =	vlt.f32 v43, v24  }
0x12d: {  	vm2 =	vle.f32 v54, v23;
	v35 =	vsel vm0, $0x1, v1;
	vm0 =	vle.f32 v52, v23  }
0x12e: {  	[tilespmem:$0x1FBC0] =	vst v29;
	v2 =	vadd.s32 v59, v2;
	v29 =	vsel vm0, $0x1, v1;
	vm0 =	vlt.f32 v55, v33  }
0x12f: {  	v43 =	vsel vm0, $0x1, v1;
	vm0 =	vlt.f32 v57, v24;
	v57 =	vadd.s32 v62, v2  }
0x130: {  	vm4 =	vlt.f32 v61, v33;
	v34 =	vsel vm2, $0x1, v1;
	v54 =	vld [tilespmem:$0x1F650];
	v59 =	vadd.s32 v7, v57  }
0x131: {  	vm2 =	vlt.f32 v45, v33;
	v45 =	vsel vm4, $0x1, v1;
	v2 =	vld [tilespmem:$0x1F660];
	v22 =	vadd.s32 v22, v59  }
0x132: {  	v44 =	vsel vm2, $0x1, v1;
	vm2 =	vle.f32 v40, v28;
	v21 =	vadd.s32 v21, v22  }
0x133: {  	v46 =	vsel vm2, $0x1, v1;
	vm2 =	vle.f32 v40, v23;
	v62 =	vadd.s32 v10, v21  }
0x134: {  	[tilespmem:$0x1FE90] =	vst v15;
	vm4 =	vlt.f32 v0, v33;
	v15 =	vsel vm2, $0x1, v1;
	v40 =	vadd.s32 v27, v62  }
0x135: {  	vm2 =	vle.f32 v41, v28;
	vm1 =	vnez.u8 v54;
	v20 =	vadd.s32 v20, v40  }
0x136: {  	v39 =	vsel vm1, $0x1, v1;
	vm1 =	vnez.u8 v2;
	v2 =	vld [tilespmem:$0x1F670];
	v8 =	vadd.s32 v8, v20  }
0x137: {  	[tilespmem:$0x1FEC0] =	vst v49;
	v49 =	vsel vm2, $0x1, v1;
	vm2 =	vlt.f32 v0, v28;
	v0 =	vadd.s32 v5, v8  }
0x138: {  	v3 =	vadd.s32 v3, v0;
	v0 =	vld [tilespmem:$0x1F680];
	_ =	sdelay $0x2  }
0x139: {  	v22 =	vsel vm0, $0x1, v1;
	vm0 =	vnez.u8 v2  }
0x13a: {  	v27 =	vsel vm0, $0x1, v1;
	vm0 =	vle.f32 v61, v24  }
0x13b: {  	v9 =	vsel vm0, $0x1, v1;
	vm0 =	vnez.u8 v0;
	v0 =	vld [tilespmem:$0x1F690]  }
0x13c: {  	v16 =	vsel vm10, $0x1, v1  }
0x13d: {  	vm10 =	vle.f32 v55, v24;
	vm15 =	vlt.f32 v4, v28;
	vm6 =	vlt.f32 v4, v24  }
0x13e: {  	[tilespmem:$0x1FEE0] =	vst v50;
	v50 =	vsel vm15, $0x1, v1;
	vm15 =	vlt.f32 v63, v33;
	v25 =	vsel vm9, $0x1, v1  }
0x13f: {  	vm9 =	vle.f32 v55, v23;
	v55 =	vsel vm6, $0x1, v1;
	vm6 =	vle.f32 v63, v24  }
0x140: {  	v10 =	vsel vm0, $0x1, v1;
	vm0 =	vle.f32 v63, v23;
	v63 =	vor.u32 s11, v0;
	v0 =	vld [tilespmem:$0x1F6A0];
	_ =	sdelay $0x4  }
0x141: {  	v5 =	vadd.s32 v0, v63;
	v0 =	vld [tilespmem:$0x1F6B0];
	_ =	sdelay $0x1  }
0x142: {  	v42 =	vsel vm11, $0x1, v1;
	vm11 =	vle.f32 v41, v23;
	v53 =	vsel vm7, $0x1, v1  }
0x143: {  	vm7 =	vle.f32 v11, v28;
	v56 =	vsel vm10, $0x1, v1;
	vm10 =	vlt.f32 v4, v33  }
0x144: {  	v51 =	vsel vm11, $0x1, v1;
	v21 =	vsel vm9, $0x1, v1;
	vm9 =	vle.f32 v41, v24  }
0x145: {  	v41 =	vsel vm3, $0x1, v1;
	vm3 =	vlt.f32 v58, v33;
	v5 =	vadd.s32 v0, v5;
	v0 =	vld [tilespmem:$0x1F6C0]  }
0x146: {  	v7 =	vsel vm3, $0x1, v1;
	vm3 =	vle.f32 v61, v23;
	v59 =	vsel vm9, $0x1, v1  }
0x147: {  	vm9 =	vle.f32 v11, v24;
	v57 =	vsel vm1, $0x1, v1;
	vm1 =	vle.f32 v58, v23  }
0x148: {  	v54 =	vsel vm3, $0x1, v1;
	v58 =	vsel vm14, $0x1, v1;
	vm3 =	vlt.f32 v31, v28  }
0x149: {  	v52 =	vsel vm1, $0x1, v1;
	vm1 =	vlt.f32 v31, v33;
	v20 =	vperm.xlane v24, v6  }
0x14a: {  	v8 =	vsel vm8, $0x1, v1;
	v3 =	vadd.s32 v43, v3;
	v5 =	vadd.s32 v0, v5;
	v0 =	vld [tilespmem:$0x1F6D0]  }
0x14b: {  	vm8 =	vle.f32 v31, v23;
	v61 =	vsel vm10, $0x1, v1;
	v3 =	vadd.s32 v42, v3  }
0x14c: {  	vm10 =	vle.f32 v11, v23;
	v11 =	vperm.xlane v28, v6;
	v3 =	vadd.s32 v44, v3  }
0x14d: {  	v31 =	vsel vm15, $0x1, v1;
	v3 =	vadd.s32 v47, v3;
	v63 =	vperm.xlane v23, v6  }
0x14e: {  	vm15 =	vlt.f32 v20, v33;
	vm14 =	vlt.f32 v11, v33;
	v3 =	vadd.s32 v45, v3  }
0x14f: {  	vm11 =	vlt.f32 v63, v33;
	v33 =	vadd.s32 v41, v3;
	v3 =	vadd.s32 v0, v5;
	v0 =	vld [tilespmem:$0x1F6E0];
	_ =	sdelay $0x3  }
0x150: {  	v4 =	vsel vm1, $0x1, v1  }
0x151: {  	vm1 =	vle.f32 v14, v28;
	v5 =	vadd.s32 v0, v3;
	v0 =	vimm.s32 $0x0  }
0x152: {  	v0 =	vsel vm1, $0xFFFFFFFF, v0  }
0x153: {  	[tilespmem:$0x1FDB0] =	vst v0;
	v0 =	vld [tilespmem:$0x1F6F0];
	_ =	sdelay $0x4  }
0x154: {  	vm1 =	vnez.u8 v0;
	v0 =	vld [tilespmem:$0x1F700];
	_ =	sdelay $0x2  }
0x155: {  	v40 =	vsel vm3, $0x1, v1;
	v2 =	vimm.s32 $0x0  }
0x156: {  	v42 =	vsel vm2, $0x1, v1;
	vm2 =	vlt.f32 v20, v28;
	v47 =	vsel vm4, $0x1, v1  }
0x157: {  	vm4 =	veq.f32 v11, v28;
	v45 =	vsel vm6, $0x1, v1;
	v5 =	vadd.s32 v0, v5;
	v0 =	vld [tilespmem:$0x1F710]  }
0x158: {  	vm6 =	vle.f32 v14, v24;
	v44 =	vsel vm0, $0x1, v1;
	v41 =	vsel vm7, $0x1, v1  }
0x159: {  	vm7 =	vlt.f32 v11, v28;
	vm3 =	vlt.f32 v63, v28;
	v28 =	vsel vm12, $0x1, v1  }
0x15a: {  	vm12 =	vlt.f32 v20, v24;
	v62 =	vsel vm1, $0x1, v1;
	vm1 =	vle.f32 v11, v24  }
0x15b: {  	vm0 =	vlt.f32 v63, v23;
	v2 =	vsel vm1, $0xFFFFFFFF, v2;
	vm1 =	veq.f32 v20, v24  }
0x15c: {  	v0 =	vadd.s32 v0, v5;
	v5 =	vsel vm5, $0x1, v1;
	vm5 =	vlt.f32 v63, v24  }
0x15d: {  	[tilespmem:$0x1FE10] =	vst v2;
	v2 =	vld [tilespmem:$0x1F720];
	v24 =	vsel vm8, $0x1, v1;
	vm8 =	vle.f32 v14, v23;
	v14 =	vsel vm13, $0x1, v1  }
0x15e: {  	vm13 =	vle.f32 v11, v23;
	v11 =	vsel vm14, $0x1, v1;
	vm14 =	veq.f32 v63, v23;
	v63 =	vld [tilespmem:$0x1F730];
	_ =	sdelay $0x1  }
0x15f: {  	v33 =	vadd.s32 v7, v33  }
0x160: {  	v6 =	vadd.s32 v61, v33;
	v61 =	vld [tilespmem:$0x1F750]  }
0x161: {  	v33 =	vld [tilespmem:$0x1F740];
	v0 =	vadd.s32 v2, v0  }
0x162: {  	v0 =	vadd.s32 v63, v0;
	v63 =	vld [tilespmem:$0x1F760];
	_ =	sdelay $0x2  }
0x163: {  	v43 =	vsel vm10, $0x1, v1;
	vm10 =	vle.f32 v20, v23;
	v23 =	vor.u32 s11, v61;
	v61 =	vld [tilespmem:$0x1F780]  }
0x164: {  	v0 =	vadd.s32 v33, v0;
	v33 =	vld [tilespmem:$0x1F770]  }
0x165: {  	v0 =	vadd.s32 v63, v0;
	v63 =	vld [tilespmem:$0x1F790];
	_ =	sdelay $0x2  }
0x166: {  	v0 =	vadd.s32 v61, v0;
	v61 =	vld [tilespmem:$0x1F7A0]  }
0x167: {  	v23 =	vadd.s32 v33, v23  }
0x168: {  	v6 =	vadd.s32 v31, v6;
	v33 =	vadd.s32 v63, v23;
	v63 =	vld [tilespmem:$0x1F7B0]  }
0x169: {  	v6 =	vadd.s32 v8, v6  }
0x16a: {  	v4 =	vadd.s32 v4, v6  }
0x16b: {  	v4 =	vadd.s32 v47, v4;
	v0 =	vadd.s32 v61, v0;
	v61 =	vld [tilespmem:$0x1F7D0]  }
0x16c: {  	v4 =	vadd.s32 v11, v4;
	v11 =	vld [tilespmem:$0x1F7F0]  }
0x16d: {  	v6 =	vadd.s32 v63, v33;
	v33 =	vld [tilespmem:$0x1F7C0]  }
0x16e: {  	v63 =	vld [tilespmem:$0x1F7E0]  }
0x16f: {  	v20 =	vsel vm15, $0x1, v1;
	v4 =	vadd.s32 v14, v4;
	v14 =	vld [tilespmem:$0x1F800]  }
0x170: {  	v2 =	vsel vm11, $0x1, v1;
	v4 =	vadd.s32 v20, v4;
	v6 =	vadd.s32 v61, v6;
	v61 =	vld [tilespmem:$0x1F820]  }
0x171: {  	v6 =	vadd.s32 v11, v6;
	v11 =	vadd.s32 v2, v4;
	v2 =	vld [tilespmem:$0x1F840]  }
0x172: {  	v8 =	vld [tilespmem:$0x1F860];
	v0 =	vadd.s32 v33, v0  }
0x173: {  	v33 =	vld [tilespmem:$0x1F810];
	v0 =	vadd.s32 v63, v0  }
0x174: {  	v63 =	vld [tilespmem:$0x1F830];
	v0 =	vadd.s32 v14, v0  }
0x175: {  	v0 =	vadd.s32 v61, v0;
	v61 =	vld [tilespmem:$0x1F890]  }
0x176: {  	v0 =	vadd.s32 v2, v0;
	v2 =	vld [tilespmem:$0x1F850]  }
0x177: {  	v14 =	vld [tilespmem:$0x1F870]  }
0x178: {  	v6 =	vadd.s32 v33, v6;
	v33 =	vld [tilespmem:$0x1F880]  }
0x179: {  	v6 =	vadd.s32 v63, v6;
	v63 =	vld [tilespmem:$0x1F8A0]  }
0x17a: {  	v0 =	vadd.s32 v8, v0  }
0x17b: {  	v0 =	vadd.s32 v61, v0;
	v61 =	vld [tilespmem:$0x1F8D0];
	v2 =	vadd.s32 v2, v6  }
0x17c: {  	v2 =	vadd.s32 v14, v2;
	v14 =	vld [tilespmem:$0x1F8B0]  }
0x17d: {  	v4 =	vor.u32 s11, v33;
	v33 =	vld [tilespmem:$0x1F8C0]  }
0x17e: {  	v2 =	vadd.s32 v63, v2;
	v63 =	vld [tilespmem:$0x1F8E0];
	_ =	sdelay $0x1  }
0x17f: {  	v2 =	vadd.s32 v61, v2;
	v61 =	vld [tilespmem:$0x1F910]  }
0x180: {  	v4 =	vadd.s32 v14, v4;
	v14 =	vld [tilespmem:$0x1F8F0]  }
0x181: {  	v0 =	vadd.s32 v33, v0;
	v33 =	vld [tilespmem:$0x1F900]  }
0x182: {  	v4 =	vadd.s32 v63, v4;
	v63 =	vld [tilespmem:$0x1F920];
	_ =	sdelay $0x1  }
0x183: {  	v4 =	vadd.s32 v61, v4;
	v61 =	vld [tilespmem:$0x1F950]  }
0x184: {  	v0 =	vadd.s32 v14, v0;
	v14 =	vld [tilespmem:$0x1F930]  }
0x185: {  	v2 =	vadd.s32 v33, v2;
	v33 =	vld [tilespmem:$0x1F940]  }
0x186: {  	v0 =	vadd.s32 v63, v0;
	v63 =	vld [tilespmem:$0x1F960];
	_ =	sdelay $0x1  }
0x187: {  	v0 =	vadd.s32 v61, v0;
	v61 =	vld [tilespmem:$0x1F990]  }
0x188: {  	v2 =	vadd.s32 v14, v2;
	v14 =	vld [tilespmem:$0x1F970]  }
0x189: {  	v4 =	vadd.s32 v33, v4;
	v33 =	vld [tilespmem:$0x1F980]  }
0x18a: {  	v2 =	vadd.s32 v63, v2;
	v63 =	vld [tilespmem:$0x1F9A0];
	_ =	sdelay $0x1  }
0x18b: {  	v2 =	vadd.s32 v61, v2;
	v61 =	vld [tilespmem:$0x1F9D0]  }
0x18c: {  	v4 =	vadd.s32 v14, v4;
	v14 =	vld [tilespmem:$0x1F9B0]  }
0x18d: {  	v0 =	vadd.s32 v33, v0;
	v33 =	vld [tilespmem:$0x1F9C0]  }
0x18e: {  	v4 =	vadd.s32 v63, v4;
	v63 =	vld [tilespmem:$0x1F9E0];
	_ =	sdelay $0x1  }
0x18f: {  	v4 =	vadd.s32 v61, v4;
	v61 =	vld [tilespmem:$0x1FA10]  }
0x190: {  	v0 =	vadd.s32 v14, v0;
	v14 =	vld [tilespmem:$0x1F9F0]  }
0x191: {  	v2 =	vadd.s32 v33, v2;
	v33 =	vld [tilespmem:$0x1FA00]  }
0x192: {  	v0 =	vadd.s32 v63, v0;
	v63 =	vld [tilespmem:$0x1FA20];
	_ =	sdelay $0x1  }
0x193: {  	v0 =	vadd.s32 v61, v0;
	v61 =	vld [tilespmem:$0x1FA50]  }
0x194: {  	v2 =	vadd.s32 v14, v2;
	v14 =	vld [tilespmem:$0x1FA30]  }
0x195: {  	v4 =	vadd.s32 v33, v4;
	v33 =	vld [tilespmem:$0x1FA40]  }
0x196: {  	v2 =	vadd.s32 v63, v2;
	v63 =	vld [tilespmem:$0x1FA60];
	_ =	sdelay $0x1  }
0x197: {  	v2 =	vadd.s32 v61, v2;
	v61 =	vld [tilespmem:$0x1FA90]  }
0x198: {  	v4 =	vadd.s32 v14, v4;
	v14 =	vld [tilespmem:$0x1FA70]  }
0x199: {  	v0 =	vadd.s32 v33, v0;
	v33 =	vld [tilespmem:$0x1FA80]  }
0x19a: {  	v4 =	vadd.s32 v63, v4;
	v63 =	vld [tilespmem:$0x1FAA0];
	_ =	sdelay $0x1  }
0x19b: {  	v4 =	vadd.s32 v61, v4;
	v61 =	vld [tilespmem:$0x1FAD0]  }
0x19c: {  	v0 =	vadd.s32 v14, v0;
	v14 =	vld [tilespmem:$0x1FAB0]  }
0x19d: {  	v2 =	vadd.s32 v33, v2;
	v33 =	vld [tilespmem:$0x1FAC0]  }
0x19e: {  	v0 =	vadd.s32 v63, v0;
	v63 =	vld [tilespmem:$0x1FAE0];
	_ =	sdelay $0x1  }
0x19f: {  	v0 =	vadd.s32 v61, v0;
	v61 =	vld [tilespmem:$0x1FB10]  }
0x1a0: {  	v2 =	vadd.s32 v14, v2;
	v14 =	vld [tilespmem:$0x1FAF0]  }
0x1a1: {  	v4 =	vadd.s32 v33, v4;
	v33 =	vld [tilespmem:$0x1FB00]  }
0x1a2: {  	v2 =	vadd.s32 v63, v2;
	v63 =	vld [tilespmem:$0x1FB20];
	_ =	sdelay $0x1  }
0x1a3: {  	v2 =	vadd.s32 v61, v2;
	v61 =	vld [tilespmem:$0x1FB50]  }
0x1a4: {  	v4 =	vadd.s32 v14, v4;
	v14 =	vld [tilespmem:$0x1FB30]  }
0x1a5: {  	v0 =	vadd.s32 v33, v0;
	v33 =	vld [tilespmem:$0x1FB40]  }
0x1a6: {  	v4 =	vadd.s32 v63, v4;
	v63 =	vld [tilespmem:$0x1FB60];
	_ =	sdelay $0x1  }
0x1a7: {  	v4 =	vadd.s32 v61, v4;
	v61 =	vld [tilespmem:$0x1FB90]  }
0x1a8: {  	v0 =	vadd.s32 v14, v0;
	v14 =	vld [tilespmem:$0x1FB70]  }
0x1a9: {  	v2 =	vadd.s32 v33, v2;
	v33 =	vld [tilespmem:$0x1FB80]  }
0x1aa: {  	v0 =	vadd.s32 v63, v0;
	v63 =	vld [tilespmem:$0x1FBA0];
	_ =	sdelay $0x1  }
0x1ab: {  	v0 =	vadd.s32 v61, v0;
	v61 =	vld [tilespmem:$0x1FBD0]  }
0x1ac: {  	v2 =	vadd.s32 v14, v2;
	v14 =	vld [tilespmem:$0x1FBB0]  }
0x1ad: {  	v4 =	vadd.s32 v33, v4;
	v33 =	vld [tilespmem:$0x1FBC0]  }
0x1ae: {  	v2 =	vadd.s32 v63, v2;
	v63 =	vld [tilespmem:$0x1FBE0];
	_ =	sdelay $0x1  }
0x1af: {  	v2 =	vadd.s32 v61, v2;
	v61 =	vld [tilespmem:$0x1FC10]  }
0x1b0: {  	v4 =	vadd.s32 v14, v4;
	v14 =	vld [tilespmem:$0x1FBF0]  }
0x1b1: {  	v0 =	vadd.s32 v33, v0;
	v33 =	vld [tilespmem:$0x1FC00]  }
0x1b2: {  	v4 =	vadd.s32 v63, v4;
	v63 =	vld [tilespmem:$0x1FC20];
	_ =	sdelay $0x2  }
0x1b3: {  	v0 =	vadd.s32 v14, v0;
	v14 =	vld [tilespmem:$0x1FC30]  }
0x1b4: {  	v2 =	vadd.s32 v33, v2;
	v33 =	vld [tilespmem:$0x1FC40]  }
0x1b5: {  	v4 =	vadd.s32 v61, v4;
	v61 =	vld [tilespmem:$0x1FC60];
	v0 =	vadd.s32 v63, v0  }
0x1b6: {  	v0 =	vadd.s32 v38, v0;
	v38 =	vld [tilespmem:$0x1FC50]  }
0x1b7: {  	v63 =	vld [tilespmem:$0x1FC70]  }
0x1b8: {  	v2 =	vadd.s32 v14, v2;
	v14 =	vld [tilespmem:$0x1FC80]  }
0x1b9: {  	v4 =	vadd.s32 v33, v4;
	v33 =	vld [tilespmem:$0x1FC90]  }
0x1ba: {  	v4 =	vadd.s32 v61, v4;
	v61 =	vld [tilespmem:$0x1FCB0]  }
0x1bb: {  	v2 =	vadd.s32 v38, v2;
	v38 =	vld [tilespmem:$0x1FCA0]  }
0x1bc: {  	v0 =	vadd.s32 v63, v0;
	v63 =	vld [tilespmem:$0x1FCC0];
	_ =	sdelay $0x1  }
0x1bd: {  	v2 =	vadd.s32 v14, v2;
	v14 =	vld [tilespmem:$0x1FCD0]  }
0x1be: {  	v4 =	vadd.s32 v33, v4;
	v33 =	vld [tilespmem:$0x1FCE0]  }
0x1bf: {  	v2 =	vadd.s32 v61, v2;
	v61 =	vld [tilespmem:$0x1FD00];
	v0 =	vadd.s32 v38, v0  }
0x1c0: {  	v4 =	vadd.s32 v63, v4;
	v63 =	vld [tilespmem:$0x1FD10];
	v0 =	vadd.s32 v17, v0  }
0x1c1: {  	v38 =	vld [tilespmem:$0x1FCF0];
	v0 =	vadd.s32 v18, v0  }
0x1c2: {  	v0 =	vadd.s32 v12, v0;
	v12 =	vld [tilespmem:$0x1FD20]  }
0x1c3: {  	v2 =	vadd.s32 v14, v2;
	v14 =	vld [tilespmem:$0x1FD40]  }
0x1c4: {  	v4 =	vadd.s32 v33, v4;
	v33 =	vld [tilespmem:$0x1FD50]  }
0x1c5: {  	v0 =	vadd.s32 v13, v0;
	v13 =	vld [tilespmem:$0x1FD30]  }
0x1c6: {  	v4 =	vadd.s32 v61, v4;
	v61 =	vld [tilespmem:$0x1FD70]  }
0x1c7: {  	v2 =	vadd.s32 v38, v2;
	v38 =	vld [tilespmem:$0x1FD60]  }
0x1c8: {  	v2 =	vadd.s32 v63, v2;
	v63 =	vld [tilespmem:$0x1FD80]  }
0x1c9: {  	v4 =	vadd.s32 v12, v4;
	v12 =	vld [tilespmem:$0x1FD90]  }
0x1ca: {  	v2 =	vadd.s32 v13, v2;
	v13 =	vld [tilespmem:$0x1FDA0]  }
0x1cb: {  	v4 =	vadd.s32 v14, v4;
	v2 =	vadd.s32 v33, v2;
	v33 =	vld [tilespmem:$0x1FDC0]  }
0x1cc: {  	v4 =	vadd.s32 v38, v4;
	v38 =	vld [tilespmem:$0x1FDD0]  }
0x1cd: {  	v2 =	vadd.s32 v61, v2;
	v61 =	vld [tilespmem:$0x1FDE0]  }
0x1ce: {  	v4 =	vadd.s32 v63, v4;
	v63 =	vld [tilespmem:$0x1FDF0]  }
0x1cf: {  	v14 =	vld [tilespmem:$0x1FDB0];
	v4 =	vadd.s32 v13, v4  }
0x1d0: {  	v4 =	vadd.s32 v33, v4;
	v33 =	vld [tilespmem:$0x1FE00]  }
0x1d1: {  	v2 =	vadd.s32 v38, v2;
	v38 =	vld [tilespmem:$0x1FE10]  }
0x1d2: {  	v4 =	vadd.s32 v61, v4;
	v61 =	vld [tilespmem:$0x1FE20]  }
0x1d3: {  	vm11 =	vcmask $0x3F04;
	v4 =	vadd.s32 v63, v4;
	v63 =	vld [tilespmem:$0x1FE30]  }
0x1d4: {  	vm4 =	vmand vm4, vm11;
	vm11 =	vnez.u8 v12  }
0x1d5: {  	v6 =	vsel vm11, $0x1, v1;
	v4 =	vadd.s32 v33, v4;
	v33 =	vld [tilespmem:$0x1FE40]  }
0x1d6: {  	vm11 =	vnez.u8 v14;
	v14 =	vsel vm3, $0x1, v1;
	vm3 =	vnez.u8 v38;
	v38 =	vld [tilespmem:$0x1FE50]  }
0x1d7: {  	v4 =	vadd.s32 v61, v4;
	v61 =	vld [tilespmem:$0x1FE60]  }
0x1d8: {  	v2 =	vadd.s32 v63, v2;
	v63 =	vld [tilespmem:$0x1FFE0]  }
0x1d9: {  	v13 =	vsel vm2, $0x1, v1;
	vm2 =	vcmask $0x3F04  }
0x1da: {  	vm1 =	vmand vm1, vm2;
	v4 =	vadd.s32 v33, v4  }
0x1db: {  	vm1 =	vmor vm12, vm1;
	v4 =	vadd.s32 v38, v4  }
0x1dc: {  	v20 =	vsel vm1, $0x1, v1;
	vm1 =	vmand vm14, vm2;
	v4 =	vadd.s32 v61, v4;
	v61 =	vld [tilespmem:$0x1FE70]  }
0x1dd: {  	vm0 =	vmor vm0, vm1;
	vm1 =	vnez.u8 v63;
	v63 =	vld [tilespmem:$0x1FE80];
	_ =	sdelay $0x3  }
0x1de: {  	v2 =	vadd.s32 v61, v2;
	v61 =	vld [tilespmem:$0x1FE90]  }
0x1df: {  	v4 =	vadd.s32 v63, v4;
	v63 =	vld [tilespmem:$0x1FEA0];
	_ =	sdelay $0x1  }
0x1e0: {  	v0 =	vadd.s32 v46, v0  }
0x1e1: {  	v0 =	vadd.s32 v16, v0  }
0x1e2: {  	v0 =	vadd.s32 v19, v0;
	v2 =	vadd.s32 v61, v2;
	v61 =	vld [tilespmem:$0x1FEB0]  }
0x1e3: {  	v0 =	vadd.s32 v25, v0;
	v4 =	vadd.s32 v63, v4;
	v63 =	vld [tilespmem:$0x1FEC0]  }
0x1e4: {  	v0 =	vadd.s32 v49, v0;
	v2 =	vadd.s32 v37, v2;
	v37 =	vld [tilespmem:$0x1FED0]  }
0x1e5: {  	v3 =	vsel vm9, $0x1, v1;
	v31 =	vsel vm8, $0x1, v1;
	v49 =	vld [tilespmem:$0x1FEE0];
	v0 =	vadd.s32 v48, v0  }
0x1e6: {  	vm4 =	vmor vm7, vm4;
	v23 =	vsel vm5, $0x1, v1;
	v0 =	vadd.s32 v53, v0  }
0x1e7: {  	v17 =	vsel vm6, $0x1, v1;
	v0 =	vadd.s32 v50, v0;
	v4 =	vadd.s32 v61, v4  }
0x1e8: {  	v12 =	vsel vm4, $0x1, v1;
	v2 =	vadd.s32 v63, v2;
	v4 =	vadd.s32 v26, v4  }
0x1e9: {  	v0 =	vadd.s32 v41, v0;
	v2 =	vadd.s32 v35, v2;
	v4 =	vadd.s32 v37, v4  }
0x1ea: {  	v0 =	vadd.s32 v40, v0;
	v2 =	vadd.s32 v49, v2;
	v4 =	vadd.s32 v29, v4  }
0x1eb: {  	v8 =	vsel vm11, $0x1, v1;
	v2 =	vadd.s32 v30, v2;
	v4 =	vadd.s32 v34, v4  }
0x1ec: {  	v0 =	vadd.s32 v62, v0;
	v2 =	vadd.s32 v56, v2;
	v4 =	vadd.s32 v15, v4  }
0x1ed: {  	v0 =	vadd.s32 v42, v0;
	v2 =	vadd.s32 v22, v2;
	v4 =	vadd.s32 v39, v4  }
0x1ee: {  	v0 =	vadd.s32 v8, v0;
	v2 =	vadd.s32 v57, v2;
	v4 =	vadd.s32 v21, v4  }
0x1ef: {  	v0 =	vadd.s32 v13, v0;
	v2 =	vadd.s32 v59, v2;
	v4 =	vadd.s32 v32, v4  }
0x1f0: {  	v0 =	vadd.s32 v12, v0;
	v2 =	vadd.s32 v9, v2;
	v4 =	vadd.s32 v51, v4  }
0x1f1: {  	v0 =	vadd.s32 v14, v0;
	v2 =	vadd.s32 v55, v2;
	v4 =	vadd.s32 v27, v4  }
0x1f2: {  	v18 =	vsel vm3, $0x1, v1;
	v2 =	vadd.s32 v10, v2;
	v4 =	vadd.s32 v54, v4  }
0x1f3: {  	v33 =	vsel vm13, $0x1, v1;
	v59 =	vld [tilespmem:$0x1FFC0];
	v2 =	vadd.s32 v3, v2;
	v3 =	vadd.s32 v52, v4  }
0x1f4: {  	v56 =	vand.u32 $0x7, v11;
	v54 =	vadd.s32 s11, v11;
	v3 =	vadd.s32 v43, v3  }
0x1f5: {  	v61 =	vld [tilespmem:$0x1FFD0];
	v2 =	vadd.s32 v45, v2;
	v55 =	vshll.u32 v54, $0x3;
	v3 =	vadd.s32 v58, v3  }
0x1f6: {  	v7 =	vand.u32 $0xFFFFFFC0, v55;
	v2 =	vadd.s32 v5, v2;
	v3 =	vadd.s32 v44, v3  }
0x1f7: {  	v58 =	vor.u32 v56, v7;
	v2 =	vadd.s32 v28, v2;
	v3 =	vadd.s32 v24, v3  }
0x1f8: {  	v7 =	vperm.xlane v58, v59;
	v2 =	vadd.s32 v17, v2;
	v3 =	vadd.s32 v31, v3  }
0x1f9: {  	v38 =	vsel vm10, $0x1, v1;
	v2 =	vadd.s32 v18, v2;
	v3 =	vadd.s32 v6, v3  }
0x1fa: {  	v2 =	vadd.s32 v23, v2;
	v6 =	vadd.s32 v61, v7;
	v3 =	vadd.s32 v33, v3  }
0x1fb: {  	[tilespmem:s13+$0x18010] =	vst v0;
	v0 =	vadd.s32 v20, v2;
	v2 =	vadd.s32 v38, v3;
	v3 =	vld [tilespmem:$0x1FFF0]  }
0x1fc: {  	v63 =	vsel vm0, $0x1, v1;
	[tilespmem:s13+$0x18000] =	vst v54  }
0x1fd: {  	v62 =	vld [tilespmem:$0x1FFD0];
	[tilespmem:s13+$0x18020] =	vst v0;
	v0 =	vadd.s32 v63, v2  }
0x1fe: {  	[tilespmem:s13+$0x18030] =	vst v0  }
0x1ff: {  	[hbm4b:s3+s4] =	stream.indirect_vreg.scatter [tilespmem:s4], [sflag:$0x1], $0x80, v6, vm1, $0xb8;
	[tilespmem:$0x1C000] =	vst v63  }
0x200: {  	s6 =	rddreg [dreg:$0x4];
	v0 =	vperm.xlane v58, v3  }
0x201: {  	[hbm4b:s7+s4] =	stream.indirect_vreg.scatter [tilespmem:s6], [sflag:$0x1], $0x80, v6, vm1, $0xb8;
	[tilespmem:$0x1C000] =	vst v63  }
0x202: {  	s15 =	rddreg [dreg:$0x5];
	v0 =	vadd.s32 v62, v0  }
0x203: {  	[hbm4b:s8+s4] =	stream.indirect_vreg.scatter [tilespmem:s15], [sflag:$0x1], $0x80, v6, vm1, $0xb8;
	[tilespmem:$0x1C000] =	vst v63  }
0x204: {  	s6 =	rddreg [dreg:$0x6]  }
0x205: {  	[hbm4b:s9+s4] =	stream.indirect_vreg.scatter [tilespmem:s6], [sflag:$0x1], $0x80, v6, vm1, $0xb8;
	[tilespmem:$0x1C000] =	vst v63  }
0x206: {  	s15 =	rddreg [dreg:$0x7]  }
0x207: {  	[hbm4b:s3+s4] =	stream.indirect_vreg.scatter [tilespmem:s15], [sflag:$0x1], $0x80, v0, vm1, $0xb8;
	[tilespmem:$0x1C000] =	vst v63  }
0x208: {  	s6 =	rddreg [dreg:$0x8]  }
0x209: {  	[hbm4b:s7+s4] =	stream.indirect_vreg.scatter [tilespmem:s6], [sflag:$0x1], $0x80, v0, vm1, $0xb8;
	[tilespmem:$0x1C000] =	vst v63  }
0x20a: {  	s15 =	rddreg [dreg:$0x9]  }
0x20b: {  	[hbm4b:s8+s4] =	stream.indirect_vreg.scatter [tilespmem:s15], [sflag:$0x1], $0x80, v0, vm1, $0xb8;
	[tilespmem:$0x1C000] =	vst v63  }
0x20c: {  	s6 =	rddreg [dreg:$0xa]  }
0x20d: {  	[hbm4b:s9+s4] =	stream.indirect_vreg.scatter [tilespmem:s6], [sflag:$0x1], $0x80, v0, vm1, $0xb8;
	[tilespmem:$0x1C000] =	vst v63  }
0x20e: {  	v0 =	vld [tilespmem:s13+$0x18010];
	_ =	sdelay $0x4  }
0x20f: {  	v2 =	vshll.u32 v0, $0x3  }
0x210: {  	v0 =	vand.u32 $0x7, v0;
	v2 =	vand.u32 $0xFFFFFFC0, v2  }
0x211: {  	v0 =	vor.u32 v0, v2  }
0x212: {  	v2 =	vperm.xlane v0, v59;
	_ =	sdelay $0x1  }
0x213: {  	v2 =	vadd.s32 v62, v2;
	_ =	sdelay $0x3  }
0x214: {  	s6 =	rddreg [dreg:$0xb]  }
0x215: {  	[hbm4b:s3+s4] =	stream.indirect_vreg.scatter [tilespmem:s6], [sflag:$0x1], $0x80, v2, vm1, $0xb8;
	[tilespmem:$0x1C000] =	vst v63  }
0x216: {  	s15 =	rddreg [dreg:$0xc];
	v0 =	vperm.xlane v0, v3  }
0x217: {  	[hbm4b:s7+s4] =	stream.indirect_vreg.scatter [tilespmem:s15], [sflag:$0x1], $0x80, v2, vm1, $0xb8;
	[tilespmem:$0x1C000] =	vst v63  }
0x218: {  	v0 =	vadd.s32 v62, v0;
	s6 =	rddreg [dreg:$0xd]  }
0x219: {  	[hbm4b:s8+s4] =	stream.indirect_vreg.scatter [tilespmem:s6], [sflag:$0x1], $0x80, v2, vm1, $0xb8;
	[tilespmem:$0x1C000] =	vst v63  }
0x21a: {  	s15 =	simm.s32 $0x5800  }
0x21b: {  	[hbm4b:s9+s4] =	stream.indirect_vreg.scatter [tilespmem:s15], [sflag:$0x1], $0x80, v2, vm1, $0xb8;
	[tilespmem:$0x1C000] =	vst v63  }
0x21c: {  	_ = 	snop  }
0x21d: {  	[hbm4b:s3+s4] =	stream.indirect_vreg.scatter [tilespmem:s16], [sflag:$0x1], $0x80, v0, vm1, $0xb8;
	[tilespmem:$0x1C000] =	vst v63  }
0x21e: {  	_ = 	snop  }
0x21f: {  	[hbm4b:s7+s4] =	stream.indirect_vreg.scatter [tilespmem:s17], [sflag:$0x1], $0x80, v0, vm1, $0xb8;
	[tilespmem:$0x1C000] =	vst v63  }
0x220: {  	_ = 	snop  }
0x221: {  	[hbm4b:s8+s4] =	stream.indirect_vreg.scatter [tilespmem:s18], [sflag:$0x1], $0x80, v0, vm1, $0xb8;
	[tilespmem:$0x1C000] =	vst v63  }
0x222: {  	_ = 	snop  }
0x223: {  	[hbm4b:s9+s4] =	stream.indirect_vreg.scatter [tilespmem:s19], [sflag:$0x1], $0x80, v0, vm1, $0xb8;
	[tilespmem:$0x1C000] =	vst v63  }
0x224: {  	v0 =	vld [tilespmem:s13+$0x18020];
	_ =	sdelay $0x4  }
0x225: {  	v2 =	vshll.u32 v0, $0x3  }
0x226: {  	v0 =	vand.u32 $0x7, v0;
	v2 =	vand.u32 $0xFFFFFFC0, v2  }
0x227: {  	v0 =	vor.u32 v0, v2  }
0x228: {  	v2 =	vperm.xlane v0, v59;
	_ =	sdelay $0x1  }
0x229: {  	v2 =	vadd.s32 v62, v2;
	_ =	sdelay $0x4  }
0x22a: {  	[hbm4b:s3+s4] =	stream.indirect_vreg.scatter [tilespmem:s20], [sflag:$0x1], $0x80, v2, vm1, $0xb8;
	[tilespmem:$0x1C000] =	vst v63  }
0x22b: {  	v0 =	vperm.xlane v0, v3  }
0x22c: {  	[hbm4b:s7+s4] =	stream.indirect_vreg.scatter [tilespmem:s21], [sflag:$0x1], $0x80, v2, vm1, $0xb8;
	[tilespmem:$0x1C000] =	vst v63  }
0x22d: {  	v0 =	vadd.s32 v62, v0  }
0x22e: {  	[hbm4b:s8+s4] =	stream.indirect_vreg.scatter [tilespmem:s22], [sflag:$0x1], $0x80, v2, vm1, $0xb8;
	[tilespmem:$0x1C000] =	vst v63  }
0x22f: {  	_ = 	snop  }
0x230: {  	[hbm4b:s9+s4] =	stream.indirect_vreg.scatter [tilespmem:s23], [sflag:$0x1], $0x80, v2, vm1, $0xb8;
	[tilespmem:$0x1C000] =	vst v63  }
0x231: {  	_ = 	snop  }
0x232: {  	[hbm4b:s3+s4] =	stream.indirect_vreg.scatter [tilespmem:s24], [sflag:$0x1], $0x80, v0, vm1, $0xb8;
	[tilespmem:$0x1C000] =	vst v63  }
0x233: {  	_ = 	snop  }
0x234: {  	[hbm4b:s7+s4] =	stream.indirect_vreg.scatter [tilespmem:s25], [sflag:$0x1], $0x80, v0, vm1, $0xb8;
	[tilespmem:$0x1C000] =	vst v63  }
0x235: {  	_ = 	snop  }
0x236: {  	[hbm4b:s8+s4] =	stream.indirect_vreg.scatter [tilespmem:s26], [sflag:$0x1], $0x80, v0, vm1, $0xb8;
	[tilespmem:$0x1C000] =	vst v63  }
0x237: {  	_ = 	snop  }
0x238: {  	[hbm4b:s9+s4] =	stream.indirect_vreg.scatter [tilespmem:s28], [sflag:$0x1], $0x80, v0, vm1, $0xb8;
	[tilespmem:$0x1C000] =	vst v63  }
0x239: {  	v0 =	vld [tilespmem:s13+$0x18030];
	_ =	sdelay $0x4  }
0x23a: {  	v2 =	vshll.u32 v0, $0x3  }
0x23b: {  	v0 =	vand.u32 $0x7, v0;
	v2 =	vand.u32 $0xFFFFFFC0, v2  }
0x23c: {  	v0 =	vor.u32 v0, v2  }
0x23d: {  	v2 =	vperm.xlane v0, v59;
	_ =	sdelay $0x1  }
0x23e: {  	v2 =	vadd.s32 v62, v2;
	_ =	sdelay $0x4  }
0x23f: {  	[hbm4b:s3+s4] =	stream.indirect_vreg.scatter [tilespmem:s29], [sflag:$0x1], $0x80, v2, vm1, $0xb8;
	[tilespmem:$0x1C000] =	vst v63  }
0x240: {  	v0 =	vperm.xlane v0, v3  }
0x241: {  	[hbm4b:s7+s4] =	stream.indirect_vreg.scatter [tilespmem:s30], [sflag:$0x1], $0x80, v2, vm1, $0xb8;
	[tilespmem:$0x1C000] =	vst v63  }
0x242: {  	v0 =	vadd.s32 v62, v0  }
0x243: {  	[hbm4b:s8+s4] =	stream.indirect_vreg.scatter [tilespmem:s31], [sflag:$0x1], $0x80, v2, vm1, $0xb8;
	[tilespmem:$0x1C000] =	vst v63  }
0x244: {  	v47 =	vld [tilespmem:$0x1FFB0]  }
0x245: {  	v46 =	vld [tilespmem:$0x1FFA0];
	[hbm4b:s9+s4] =	stream.indirect_vreg.scatter [tilespmem:s2], [sflag:$0x1], $0x80, v2, vm1, $0xb8  }
0x246: {  	v25 =	vld [tilespmem:$0x1FF20]  }
0x247: {  	v26 =	vld [tilespmem:$0x1FF30];
	[hbm4b:s3+s4] =	stream.indirect_vreg.scatter [tilespmem:s1], [sflag:$0x1], $0x80, v0, vm1, $0xb8  }
0x248: {  	p0 =	sne.s32 s10, $0xFE00;
	v29 =	vld [tilespmem:$0x1FF40]  }
0x249: {  	v30 =	vld [tilespmem:$0x1FF50];
	[hbm4b:s7+s4] =	stream.indirect_vreg.scatter [tilespmem:s0], [sflag:$0x1], $0x80, v0, vm1, $0xb8  }
.Ltmp0:
0x24a: {  	v43 =	vld [tilespmem:$0x1FF80];
	(pc) =	sbr.rel @p0 .LBB2_2-.Ltmp0, $4  }
0x24b: {  	v44 =	vld [tilespmem:$0x1FF90]  }
0x24c: {  	v31 =	vld [tilespmem:$0x1FF60];
	[hbm4b:s8+s4] =	stream.indirect_vreg.scatter [tilespmem:s12], [sflag:$0x1], $0x80, v0, vm1, $0xb8  }
0x24d: {  	s10 =	sadd.s32 $0x200, s10;
	vm9 =	vcmask $0x3F30;
	vm7 =	vcmask $0x3F34;
	vm5 =	vcmask $0x3F38;
	s11 =	sadd.s32 $0x40, s11;
	v20 =	vld [tilespmem:$0x1FF10]  }
0x24e: {  	v19 =	vlaneseq.u32;
	vm4 =	vcmask $0x3F3C;
	vm13 =	vcmask $0x3F2C;
	v57 =	vmovc v36;
	v38 =	vld [tilespmem:$0x1FF70];
	[hbm4b:s9+s4] =	stream.indirect_vreg.scatter [tilespmem:s14], [sflag:$0x1], $0x80, v0, vm1, $0xb8  }
0x24f: {  	_ =	swait.ge [sflag:s5], $0x10000  }
0x250: {  	s10 =	simm.s32 $0x7F;
	[sflag:s5] =	ssyncset.done $0x0  }
.LBB2_4:
0x251: {  	p0 =	sne.s32 s10, $0x1;
	s10 =	sadd.s32 $0xFFFFFFFF, s10;
	[sflag:s5] =	ssyncadd.s32 $0xFFFF0000  }
.Ltmp1:
0x252: {  	(pc) =	sbr.rel @p0 .LBB2_4-.Ltmp1, $3  }
0x253: {  	_ =	sdelay $0x1  }
0x254: {  	_ =	swait.ge [sflag:s5], $0x10000  }
0x255: {  	[sflag:s5] =	ssyncset.done $0x0  }
0x256: {  	s10 =	rddreg [dreg:$0x12]  }
0x257: {  	s6 =	rddreg [dreg:$0x10];
	s10 =	sadd.s32 $0x1, s10  }
0x258: {  	p0 =	sne.s32 s10, s6  }
.Ltmp2:
0x259: {  	_ = 	snop;
	(pc) =	sbr.rel @p0 .LBB2_1-.Ltmp2, $2  }
0x25a: {  	_ =	sdelay $0x2  }
0x25b: {  	[sflag:s5] =	ssyncadd.s32 $0xFFFF0000  }
0x25c: {  	_ =	sfence.sel $0x180000  }
0x25d: {  	[bflag:$0x0] =	sbarrier.arrive $0xFFFF  }
0x25e: {  	_ =	strace $0x90000047  }
0x25f: {  	s0 =	stileid.u32;
	[bflag:$0x2] =	sbarrier.arrive $0xFFFF  }
0x260: {  	p0 =	sne.s32 s0, $0x0;
	s0 =	rddreg [dreg:$0x3]  }
0x261: {  	s0 =	sadd.s32 @!p0 $0x100000, s0  }
0x262: {  	[sflag:s0] =	ssyncadd.tile.s32 @!p0 $0x1;
	_ =	shalt  }
.Lfunc_end2:
_tile_overlayer_lowered:
.L_overlay_start_2:
0x263: {  	(tag) =	ssettag $0x2  }
0x264: {  	s0 =	rddreg [dreg:$0x0];
	s2 =	stileid.u32  }
0x265: {  	s1 =	rddreg [dreg:$0x1];
	p0 =	sne.s32 s2, $0x0  }
0x266: {  	s3 =	rddreg [dreg:$0x2];
	[bflag:$0x3] =	sbarrier.arrive $0xFFFF;
	s2 =	simm.s32 @!p0 $0x1C02  }
0x267: {  	[timem:s3], [sflag:s2] =	dma.local @!p0 [hbm:s0], s1  }
0x268: {  	s0 =	simm.s32 @!p0 $0x2  }
0x269: {  	_ =	swait.ge @!p0 [sflag:s0], s1  }
0x26a: {  	s1 =	ssub.s32 @!p0 $0x0, s1;
	[sflag:s0] =	ssyncset.done @!p0 $0x0  }
0x26b: {  	[sflag:s0] =	ssyncadd.s32 @!p0 s1  }
0x26c: {  	[bflag:$0x3] =	sbarrier.arrive $0xFFFF  }
0x26d: {  	_ =	shalt  }

</sc_bundles>
